<compile_context>
chip_gen: v7x
topology: tpu7x:2x2x1
jax: 0.10.2.dev20260603
libtpu: 0.0.44.dev20260713+nightly
codegen_flags: <defaults>
</compile_context>

<pallas_src>
import jax
import jax.numpy as jnp
from jax import lax
from jax.experimental import pallas as pl
from jax.experimental.pallas import tpu as pltpu
from jax.experimental.pallas import tpu_sc as plsc

_VOCAB = 1000
_RT = 200
_CT = 16384
_NW = 32
_COLS_W = _CT // _NW
_CHUNKS = ((0, 8), (8, 48), (56, 48), (104, 48), (152, 40), (192, 8))
_NCHUNK = len(_CHUNKS)
_RBUF = 48
_NSLICE = _COLS_W // 16


_NBUF = 2


def _gather_kernel(index_hbm, table_hbm, out_hbm,
                   table_v, idx_v, out_v, isem0, isem1, osem0, osem1):
    wid = lax.axis_index("s") * 2 + lax.axis_index("c")
    col0 = wid * _COLS_W

    def start_in(c, b):
        r0, nr = _CHUNKS[c]
        return pltpu.async_copy(
            index_hbm.at[pl.ds(r0, nr), pl.ds(col0, _COLS_W)],
            idx_v.at[b, pl.ds(0, nr)], (isem0, isem1)[b])

    def start_out(c, b):
        r0, nr = _CHUNKS[c]
        return pltpu.async_copy(
            out_v.at[b, pl.ds(0, nr)],
            out_hbm.at[pl.ds(r0, nr), pl.ds(col0, _COLS_W)],
            (osem0, osem1)[b])

    def compute(c, b):
        nr = _CHUNKS[c][1]

        def step(r, carry):
            idxs = [idx_v[b, r, pl.ds(o * 16, 16)] for o in range(_NSLICE)]
            vals = [plsc.load_gather(table_v, [ix]) for ix in idxs]
            for o, v in enumerate(vals):
                out_v[b, r, pl.ds(o * 16, 16)] = v
            return carry

        lax.fori_loop(0, nr, step, 0)

    in_handles = {}
    out_handles = {}
    for c in range(_NBUF):
        in_handles[c] = start_in(c, c)
    pltpu.sync_copy(table_hbm, table_v)
    for c in range(_NCHUNK):
        b = c % _NBUF
        in_handles[c].wait()
        if c >= _NBUF:
            out_handles[c - _NBUF].wait()
        compute(c, b)
        out_handles[c] = start_out(c, b)
        if c + _NBUF < _NCHUNK:
            in_handles[c + _NBUF] = start_in(c + _NBUF, b)
    for c in range(_NCHUNK - _NBUF, _NCHUNK):
        out_handles[c].wait()


@jax.jit
def kernel(index, table):
    mesh = plsc.VectorSubcoreMesh(core_axis_name="c", subcore_axis_name="s")
    run = pl.kernel(
        _gather_kernel,
        out_type=jax.ShapeDtypeStruct((_RT, _CT), jnp.float32),
        mesh=mesh,
        scratch_types=[
            pltpu.VMEM((_VOCAB,), jnp.float32),
            pltpu.VMEM((_NBUF, _RBUF, _COLS_W), jnp.int32),
            pltpu.VMEM((_NBUF, _RBUF, _COLS_W), jnp.float32),
            pltpu.SemaphoreType.DMA,
            pltpu.SemaphoreType.DMA,
            pltpu.SemaphoreType.DMA,
            pltpu.SemaphoreType.DMA,
        ],
        compiler_params=pltpu.CompilerParams(
            needs_layout_passes=False,
            use_tc_tiling_on_sc=True,
        ),
    )
    out_t = run(index.T, table)
    return out_t.T

# --- scband reference (transcript-rebuilt; emitter-appended) ---
"""Pipeline reference for scband-index-to-name-61297773248954 (READ-ONLY COPY).

The authoritative reference and input builder live on the scoring server;
editing this copy changes nothing except your own understanding.
"""

import jax, jax.numpy as jnp
import numpy as np

VOCAB = 1000
B = 16384
L = 200

def setup_inputs(seed: int = 0) -> dict:
    key = jax.random.key(seed)
    k1, k2 = jax.random.split(key)
    # index: int indices into the name table, in-range [0, 999)
    index = jax.random.randint(k1, (B, L), 0, 999, dtype=jnp.int32)
    # idx_to_name table: names encoded as numeric ids (name j has id j),
    # materialized as a float table so the lookup is a differentiable gather
    table = jnp.arange(VOCAB, dtype=jnp.float32)
    return {"index": index, "table": table}

def reference(index, table):
    # index_to_name(index, idx_to_name): per-element lookup of names by index
    # -> pure gather: name[i, j] = table[index[i, j]]
    names = jnp.take(table, index, axis=0)
    return names

if __name__ == "__main__":
    import jax
    _d = setup_inputs()
    print(jax.jit(kernel)(*tuple(_d.values())))

</pallas_src>

<mosaic_0001>
#map = affine_map<(d0, d1) -> (0, 0)>
#map1 = affine_map<(d0, d1) -> (0)>
module attributes {stable_mosaic.version = 14 : i64} {
  func.func @_gather_kernel(%arg0: i32, %arg1: i32, %arg2: memref<200x16384xi32, #tpu.memory_space<hbm>>, %arg3: memref<1000xf32, #tpu.memory_space<hbm>>, %arg4: memref<200x16384xf32, #tpu.memory_space<hbm>>, %arg5: memref<1000xf32, #tpu.memory_space<vmem>>, %arg6: memref<2x48x512xi32, #tpu.memory_space<vmem>>, %arg7: memref<2x48x512xf32, #tpu.memory_space<vmem>>, %arg8: memref<!tpu.dma_semaphore, #tpu.memory_space<semaphore_mem>>, %arg9: memref<!tpu.dma_semaphore, #tpu.memory_space<semaphore_mem>>, %arg10: memref<!tpu.dma_semaphore, #tpu.memory_space<semaphore_mem>>, %arg11: memref<!tpu.dma_semaphore, #tpu.memory_space<semaphore_mem>>) attributes {dimension_semantics = [#tpu.dimension_semantics<core_parallel>, #tpu.dimension_semantics<subcore_parallel>], iteration_bounds = array<i64: 2, 16>, scalar_prefetch = 0 : i64, scratch_operands = 7 : i64, tpu.core_type = #tpu.core_type<sc_vector_subcore>, window_params = [{transform_indices = #map}, {transform_indices = #map1}, {transform_indices = #map}]} {
    %mul3A = arith.constant 2 : i32
    %mul3A_0 = arith.muli %arg1, %mul3A : i32
    %add3A = arith.addi %mul3A_0, %arg0 : i32
    %mul3A_1 = arith.constant 512 : i32
    %mul3A_2 = arith.muli %add3A, %mul3A_1 : i32
    %dma_start3A = arith.constant 0 : i32
    %dma_start3A_3 = arith.constant 0 : i32
    %dma_start3A_4 = arith.constant 0 : i32
    %dma_start3A_5 = tpu.memref_slice %arg6[%dma_start3A, %dma_start3A_3, %dma_start3A_4] : memref<2x48x512xi32, #tpu.memory_space<vmem>> -> memref<1x8x512xi32, #tpu.memory_space<vmem>>
    %dma_start3A_6 = tpu.memref_squeeze %dma_start3A_5 : memref<1x8x512xi32, #tpu.memory_space<vmem>> -> memref<8x512xi32, #tpu.memory_space<vmem>>
    %dma_start3A_7 = arith.constant 0 : i32
    %dma_start3A_8 = tpu.memref_slice %arg2[%dma_start3A_7, %mul3A_2] : memref<200x16384xi32, #tpu.memory_space<hbm>> -> memref<8x512xi32, #tpu.memory_space<hbm>>
    %dma_start3A_9 = arith.constant 0 : i32
    %dma_start3A_10 = arith.constant 0 : i32
    %dma_start3A_11 = tpu.memref_slice %arg6[%dma_start3A, %dma_start3A_9, %dma_start3A_10] : memref<2x48x512xi32, #tpu.memory_space<vmem>> -> memref<1x8x512xi32, #tpu.memory_space<vmem>>
    %dma_start3A_12 = tpu.memref_squeeze %dma_start3A_11 : memref<1x8x512xi32, #tpu.memory_space<vmem>> -> memref<8x512xi32, #tpu.memory_space<vmem>>
    %dma_start3A_13 = arith.constant 0 : i32
    %dma_start3A_14 = tpu.memref_slice %arg2[%dma_start3A_13, %mul3A_2] : memref<200x16384xi32, #tpu.memory_space<hbm>> -> memref<8x512xi32, #tpu.memory_space<hbm>>
    tpu.enqueue_dma source(%dma_start3A_14 : memref<8x512xi32, #tpu.memory_space<hbm>>) target(%dma_start3A_12 : memref<8x512xi32, #tpu.memory_space<vmem>>) target_semaphore(%arg8 : memref<!tpu.dma_semaphore, #tpu.memory_space<semaphore_mem>>)
    %dma_start3A_15 = arith.constant 1 : i32
    %dma_start3A_16 = arith.constant 0 : i32
    %dma_start3A_17 = arith.constant 0 : i32
    %dma_start3A_18 = tpu.memref_slice %arg6[%dma_start3A_15, %dma_start3A_16, %dma_start3A_17] : memref<2x48x512xi32, #tpu.memory_space<vmem>> -> memref<1x48x512xi32, #tpu.memory_space<vmem>>
    %dma_start3A_19 = tpu.memref_squeeze %dma_start3A_18 : memref<1x48x512xi32, #tpu.memory_space<vmem>> -> memref<48x512xi32, #tpu.memory_space<vmem>>
    %dma_start3A_20 = arith.constant 8 : i32
    %dma_start3A_21 = tpu.memref_slice %arg2[%dma_start3A_20, %mul3A_2] : memref<200x16384xi32, #tpu.memory_space<hbm>> -> memref<48x512xi32, #tpu.memory_space<hbm>>
    %dma_start3A_22 = arith.constant 0 : i32
    %dma_start3A_23 = arith.constant 0 : i32
    %dma_start3A_24 = tpu.memref_slice %arg6[%dma_start3A_15, %dma_start3A_22, %dma_start3A_23] : memref<2x48x512xi32, #tpu.memory_space<vmem>> -> memref<1x48x512xi32, #tpu.memory_space<vmem>>
    %dma_start3A_25 = tpu.memref_squeeze %dma_start3A_24 : memref<1x48x512xi32, #tpu.memory_space<vmem>> -> memref<48x512xi32, #tpu.memory_space<vmem>>
    %dma_start3A_26 = arith.constant 8 : i32
    %dma_start3A_27 = tpu.memref_slice %arg2[%dma_start3A_26, %mul3A_2] : memref<200x16384xi32, #tpu.memory_space<hbm>> -> memref<48x512xi32, #tpu.memory_space<hbm>>
    tpu.enqueue_dma source(%dma_start3A_27 : memref<48x512xi32, #tpu.memory_space<hbm>>) target(%dma_start3A_25 : memref<48x512xi32, #tpu.memory_space<vmem>>) target_semaphore(%arg9 : memref<!tpu.dma_semaphore, #tpu.memory_space<semaphore_mem>>)
    "tpu.region"() ({
      %run_scoped3A = tpu.sem_alloc : memref<!tpu.dma_semaphore, #tpu.memory_space<semaphore_mem>>
      tpu.enqueue_dma source(%arg3 : memref<1000xf32, #tpu.memory_space<hbm>>) target(%arg5 : memref<1000xf32, #tpu.memory_space<vmem>>) target_semaphore(%run_scoped3A : memref<!tpu.dma_semaphore, #tpu.memory_space<semaphore_mem>>)
      tpu.wait_dma2 semaphore(%run_scoped3A : memref<!tpu.dma_semaphore, #tpu.memory_space<semaphore_mem>>) src(%arg3 : memref<1000xf32, #tpu.memory_space<hbm>>) dst(%arg5 : memref<1000xf32, #tpu.memory_space<vmem>>)
      tpu.yield
    }) : () -> ()
    %dma_wait3A = arith.constant 0 : i32
    %dma_wait3A_28 = arith.constant 0 : i32
    %dma_wait3A_29 = arith.constant 0 : i32
    %dma_wait3A_30 = tpu.memref_slice %arg6[%dma_wait3A, %dma_wait3A_28, %dma_wait3A_29] : memref<2x48x512xi32, #tpu.memory_space<vmem>> -> memref<1x8x512xi32, #tpu.memory_space<vmem>>
    %dma_wait3A_31 = tpu.memref_squeeze %dma_wait3A_30 : memref<1x8x512xi32, #tpu.memory_space<vmem>> -> memref<8x512xi32, #tpu.memory_space<vmem>>
    %dma_wait3A_32 = arith.constant 0 : i32
    %dma_wait3A_33 = tpu.memref_slice %arg2[%dma_wait3A_32, %mul3A_2] : memref<200x16384xi32, #tpu.memory_space<hbm>> -> memref<8x512xi32, #tpu.memory_space<hbm>>
    %dma_wait3A_34 = arith.constant 0 : i32
    %dma_wait3A_35 = arith.constant 0 : i32
    %dma_wait3A_36 = tpu.memref_slice %arg6[%dma_wait3A, %dma_wait3A_34, %dma_wait3A_35] : memref<2x48x512xi32, #tpu.memory_space<vmem>> -> memref<1x8x512xi32, #tpu.memory_space<vmem>>
    %dma_wait3A_37 = tpu.memref_squeeze %dma_wait3A_36 : memref<1x8x512xi32, #tpu.memory_space<vmem>> -> memref<8x512xi32, #tpu.memory_space<vmem>>
    %dma_wait3A_38 = arith.constant 0 : i32
    %dma_wait3A_39 = tpu.memref_slice %arg2[%dma_wait3A_38, %mul3A_2] : memref<200x16384xi32, #tpu.memory_space<hbm>> -> memref<8x512xi32, #tpu.memory_space<hbm>>
    tpu.wait_dma2 semaphore(%arg8 : memref<!tpu.dma_semaphore, #tpu.memory_space<semaphore_mem>>) src(%dma_wait3A_39 : memref<8x512xi32, #tpu.memory_space<hbm>>) dst(%dma_wait3A_37 : memref<8x512xi32, #tpu.memory_space<vmem>>)
    %scan3A = arith.constant 0 : i32
    %scan3A_40 = arith.constant 0 : i32
    %scan3A_41 = arith.constant 8 : i32
    %scan3A_42 = arith.addi %scan3A_40, %scan3A_41 : i32
    %scan3A_43 = arith.constant 1 : i32
    scf.for %scan3A_348 = %scan3A_40 to %scan3A_42 step %scan3A_43  : i32 {
      %get3A = arith.constant 0 : i32
      %get3A_349 = arith.index_cast %get3A : i32 to index
      %get3A_350 = arith.index_cast %scan3A_348 : i32 to index
      %get3A_351 = arith.constant 0 : index
      %get3A_352 = tpu.vector_load %arg6[%get3A_349, %get3A_350, %get3A_351] {strides = array<i32>} : memref<2x48x512xi32, #tpu.memory_space<vmem>>, vector<16xi32>,
      %get3A_353 = arith.constant 0 : i32
      %get3A_354 = arith.index_cast %get3A_353 : i32 to index
      %get3A_355 = arith.index_cast %scan3A_348 : i32 to index
      %get3A_356 = arith.constant 16 : index
      %get3A_357 = tpu.vector_load %arg6[%get3A_354, %get3A_355, %get3A_356] {strides = array<i32>} : memref<2x48x512xi32, #tpu.memory_space<vmem>>, vector<16xi32>,
      %get3A_358 = arith.constant 0 : i32
      %get3A_359 = arith.index_cast %get3A_358 : i32 to index
      %get3A_360 = arith.index_cast %scan3A_348 : i32 to index
      %get3A_361 = arith.constant 32 : index
      %get3A_362 = tpu.vector_load %arg6[%get3A_359, %get3A_360, %get3A_361] {strides = array<i32>} : memref<2x48x512xi32, #tpu.memory_space<vmem>>, vector<16xi32>,
      %get3A_363 = arith.constant 0 : i32
      %get3A_364 = arith.index_cast %get3A_363 : i32 to index
      %get3A_365 = arith.index_cast %scan3A_348 : i32 to index
      %get3A_366 = arith.constant 48 : index
      %get3A_367 = tpu.vector_load %arg6[%get3A_364, %get3A_365, %get3A_366] {strides = array<i32>} : memref<2x48x512xi32, #tpu.memory_space<vmem>>, vector<16xi32>,
      %get3A_368 = arith.constant 0 : i32
      %get3A_369 = arith.index_cast %get3A_368 : i32 to index
      %get3A_370 = arith.index_cast %scan3A_348 : i32 to index
      %get3A_371 = arith.constant 64 : index
      %get3A_372 = tpu.vector_load %arg6[%get3A_369, %get3A_370, %get3A_371] {strides = array<i32>} : memref<2x48x512xi32, #tpu.memory_space<vmem>>, vector<16xi32>,
      %get3A_373 = arith.constant 0 : i32
      %get3A_374 = arith.index_cast %get3A_373 : i32 to index
      %get3A_375 = arith.index_cast %scan3A_348 : i32 to index
      %get3A_376 = arith.constant 80 : index
      %get3A_377 = tpu.vector_load %arg6[%get3A_374, %get3A_375, %get3A_376] {strides = array<i32>} : memref<2x48x512xi32, #tpu.memory_space<vmem>>, vector<16xi32>,
      %get3A_378 = arith.constant 0 : i32
      %get3A_379 = arith.index_cast %get3A_378 : i32 to index
      %get3A_380 = arith.index_cast %scan3A_348 : i32 to index
      %get3A_381 = arith.constant 96 : index
      %get3A_382 = tpu.vector_load %arg6[%get3A_379, %get3A_380, %get3A_381] {strides = array<i32>} : memref<2x48x512xi32, #tpu.memory_space<vmem>>, vector<16xi32>,
      %get3A_383 = arith.constant 0 : i32
      %get3A_384 = arith.index_cast %get3A_383 : i32 to index
      %get3A_385 = arith.index_cast %scan3A_348 : i32 to index
      %get3A_386 = arith.constant 112 : index
      %get3A_387 = tpu.vector_load %arg6[%get3A_384, %get3A_385, %get3A_386] {strides = array<i32>} : memref<2x48x512xi32, #tpu.memory_space<vmem>>, vector<16xi32>,
      %get3A_388 = arith.constant 0 : i32
      %get3A_389 = arith.index_cast %get3A_388 : i32 to index
      %get3A_390 = arith.index_cast %scan3A_348 : i32 to index
      %get3A_391 = arith.constant 128 : index
      %get3A_392 = tpu.vector_load %arg6[%get3A_389, %get3A_390, %get3A_391] {strides = array<i32>} : memref<2x48x512xi32, #tpu.memory_space<vmem>>, vector<16xi32>,
      %get3A_393 = arith.constant 0 : i32
      %get3A_394 = arith.index_cast %get3A_393 : i32 to index
      %get3A_395 = arith.index_cast %scan3A_348 : i32 to index
      %get3A_396 = arith.constant 144 : index
      %get3A_397 = tpu.vector_load %arg6[%get3A_394, %get3A_395, %get3A_396] {strides = array<i32>} : memref<2x48x512xi32, #tpu.memory_space<vmem>>, vector<16xi32>,
      %get3A_398 = arith.constant 0 : i32
      %get3A_399 = arith.index_cast %get3A_398 : i32 to index
      %get3A_400 = arith.index_cast %scan3A_348 : i32 to index
      %get3A_401 = arith.constant 160 : index
      %get3A_402 = tpu.vector_load %arg6[%get3A_399, %get3A_400, %get3A_401] {strides = array<i32>} : memref<2x48x512xi32, #tpu.memory_space<vmem>>, vector<16xi32>,
      %get3A_403 = arith.constant 0 : i32
      %get3A_404 = arith.index_cast %get3A_403 : i32 to index
      %get3A_405 = arith.index_cast %scan3A_348 : i32 to index
      %get3A_406 = arith.constant 176 : index
      %get3A_407 = tpu.vector_load %arg6[%get3A_404, %get3A_405, %get3A_406] {strides = array<i32>} : memref<2x48x512xi32, #tpu.memory_space<vmem>>, vector<16xi32>,
      %get3A_408 = arith.constant 0 : i32
      %get3A_409 = arith.index_cast %get3A_408 : i32 to index
      %get3A_410 = arith.index_cast %scan3A_348 : i32 to index
      %get3A_411 = arith.constant 192 : index
      %get3A_412 = tpu.vector_load %arg6[%get3A_409, %get3A_410, %get3A_411] {strides = array<i32>} : memref<2x48x512xi32, #tpu.memory_space<vmem>>, vector<16xi32>,
      %get3A_413 = arith.constant 0 : i32
      %get3A_414 = arith.index_cast %get3A_413 : i32 to index
      %get3A_415 = arith.index_cast %scan3A_348 : i32 to index
      %get3A_416 = arith.constant 208 : index
      %get3A_417 = tpu.vector_load %arg6[%get3A_414, %get3A_415, %get3A_416] {strides = array<i32>} : memref<2x48x512xi32, #tpu.memory_space<vmem>>, vector<16xi32>,
      %get3A_418 = arith.constant 0 : i32
      %get3A_419 = arith.index_cast %get3A_418 : i32 to index
      %get3A_420 = arith.index_cast %scan3A_348 : i32 to index
      %get3A_421 = arith.constant 224 : index
      %get3A_422 = tpu.vector_load %arg6[%get3A_419, %get3A_420, %get3A_421] {strides = array<i32>} : memref<2x48x512xi32, #tpu.memory_space<vmem>>, vector<16xi32>,
      %get3A_423 = arith.constant 0 : i32
      %get3A_424 = arith.index_cast %get3A_423 : i32 to index
      %get3A_425 = arith.index_cast %scan3A_348 : i32 to index
      %get3A_426 = arith.constant 240 : index
      %get3A_427 = tpu.vector_load %arg6[%get3A_424, %get3A_425, %get3A_426] {strides = array<i32>} : memref<2x48x512xi32, #tpu.memory_space<vmem>>, vector<16xi32>,
      %get3A_428 = arith.constant 0 : i32
      %get3A_429 = arith.index_cast %get3A_428 : i32 to index
      %get3A_430 = arith.index_cast %scan3A_348 : i32 to index
      %get3A_431 = arith.constant 256 : index
      %get3A_432 = tpu.vector_load %arg6[%get3A_429, %get3A_430, %get3A_431] {strides = array<i32>} : memref<2x48x512xi32, #tpu.memory_space<vmem>>, vector<16xi32>,
      %get3A_433 = arith.constant 0 : i32
      %get3A_434 = arith.index_cast %get3A_433 : i32 to index
      %get3A_435 = arith.index_cast %scan3A_348 : i32 to index
      %get3A_436 = arith.constant 272 : index
      %get3A_437 = tpu.vector_load %arg6[%get3A_434, %get3A_435, %get3A_436] {strides = array<i32>} : memref<2x48x512xi32, #tpu.memory_space<vmem>>, vector<16xi32>,
      %get3A_438 = arith.constant 0 : i32
      %get3A_439 = arith.index_cast %get3A_438 : i32 to index
      %get3A_440 = arith.index_cast %scan3A_348 : i32 to index
      %get3A_441 = arith.constant 288 : index
      %get3A_442 = tpu.vector_load %arg6[%get3A_439, %get3A_440, %get3A_441] {strides = array<i32>} : memref<2x48x512xi32, #tpu.memory_space<vmem>>, vector<16xi32>,
      %get3A_443 = arith.constant 0 : i32
      %get3A_444 = arith.index_cast %get3A_443 : i32 to index
      %get3A_445 = arith.index_cast %scan3A_348 : i32 to index
      %get3A_446 = arith.constant 304 : index
      %get3A_447 = tpu.vector_load %arg6[%get3A_444, %get3A_445, %get3A_446] {strides = array<i32>} : memref<2x48x512xi32, #tpu.memory_space<vmem>>, vector<16xi32>,
      %get3A_448 = arith.constant 0 : i32
      %get3A_449 = arith.index_cast %get3A_448 : i32 to index
      %get3A_450 = arith.index_cast %scan3A_348 : i32 to index
      %get3A_451 = arith.constant 320 : index
      %get3A_452 = tpu.vector_load %arg6[%get3A_449, %get3A_450, %get3A_451] {strides = array<i32>} : memref<2x48x512xi32, #tpu.memory_space<vmem>>, vector<16xi32>,
      %get3A_453 = arith.constant 0 : i32
      %get3A_454 = arith.index_cast %get3A_453 : i32 to index
      %get3A_455 = arith.index_cast %scan3A_348 : i32 to index
      %get3A_456 = arith.constant 336 : index
      %get3A_457 = tpu.vector_load %arg6[%get3A_454, %get3A_455, %get3A_456] {strides = array<i32>} : memref<2x48x512xi32, #tpu.memory_space<vmem>>, vector<16xi32>,
      %get3A_458 = arith.constant 0 : i32
      %get3A_459 = arith.index_cast %get3A_458 : i32 to index
      %get3A_460 = arith.index_cast %scan3A_348 : i32 to index
      %get3A_461 = arith.constant 352 : index
      %get3A_462 = tpu.vector_load %arg6[%get3A_459, %get3A_460, %get3A_461] {strides = array<i32>} : memref<2x48x512xi32, #tpu.memory_space<vmem>>, vector<16xi32>,
      %get3A_463 = arith.constant 0 : i32
      %get3A_464 = arith.index_cast %get3A_463 : i32 to index
      %get3A_465 = arith.index_cast %scan3A_348 : i32 to index
      %get3A_466 = arith.constant 368 : index
      %get3A_467 = tpu.vector_load %arg6[%get3A_464, %get3A_465, %get3A_466] {strides = array<i32>} : memref<2x48x512xi32, #tpu.memory_space<vmem>>, vector<16xi32>,
      %get3A_468 = arith.constant 0 : i32
      %get3A_469 = arith.index_cast %get3A_468 : i32 to index
      %get3A_470 = arith.index_cast %scan3A_348 : i32 to index
      %get3A_471 = arith.constant 384 : index
      %get3A_472 = tpu.vector_load %arg6[%get3A_469, %get3A_470, %get3A_471] {strides = array<i32>} : memref<2x48x512xi32, #tpu.memory_space<vmem>>, vector<16xi32>,
      %get3A_473 = arith.constant 0 : i32
      %get3A_474 = arith.index_cast %get3A_473 : i32 to index
      %get3A_475 = arith.index_cast %scan3A_348 : i32 to index
      %get3A_476 = arith.constant 400 : index
      %get3A_477 = tpu.vector_load %arg6[%get3A_474, %get3A_475, %get3A_476] {strides = array<i32>} : memref<2x48x512xi32, #tpu.memory_space<vmem>>, vector<16xi32>,
      %get3A_478 = arith.constant 0 : i32
      %get3A_479 = arith.index_cast %get3A_478 : i32 to index
      %get3A_480 = arith.index_cast %scan3A_348 : i32 to index
      %get3A_481 = arith.constant 416 : index
      %get3A_482 = tpu.vector_load %arg6[%get3A_479, %get3A_480, %get3A_481] {strides = array<i32>} : memref<2x48x512xi32, #tpu.memory_space<vmem>>, vector<16xi32>,
      %get3A_483 = arith.constant 0 : i32
      %get3A_484 = arith.index_cast %get3A_483 : i32 to index
      %get3A_485 = arith.index_cast %scan3A_348 : i32 to index
      %get3A_486 = arith.constant 432 : index
      %get3A_487 = tpu.vector_load %arg6[%get3A_484, %get3A_485, %get3A_486] {strides = array<i32>} : memref<2x48x512xi32, #tpu.memory_space<vmem>>, vector<16xi32>,
      %get3A_488 = arith.constant 0 : i32
      %get3A_489 = arith.index_cast %get3A_488 : i32 to index
      %get3A_490 = arith.index_cast %scan3A_348 : i32 to index
      %get3A_491 = arith.constant 448 : index
      %get3A_492 = tpu.vector_load %arg6[%get3A_489, %get3A_490, %get3A_491] {strides = array<i32>} : memref<2x48x512xi32, #tpu.memory_space<vmem>>, vector<16xi32>,
      %get3A_493 = arith.constant 0 : i32
      %get3A_494 = arith.index_cast %get3A_493 : i32 to index
      %get3A_495 = arith.index_cast %scan3A_348 : i32 to index
      %get3A_496 = arith.constant 464 : index
      %get3A_497 = tpu.vector_load %arg6[%get3A_494, %get3A_495, %get3A_496] {strides = array<i32>} : memref<2x48x512xi32, #tpu.memory_space<vmem>>, vector<16xi32>,
      %get3A_498 = arith.constant 0 : i32
      %get3A_499 = arith.index_cast %get3A_498 : i32 to index
      %get3A_500 = arith.index_cast %scan3A_348 : i32 to index
      %get3A_501 = arith.constant 480 : index
      %get3A_502 = tpu.vector_load %arg6[%get3A_499, %get3A_500, %get3A_501] {strides = array<i32>} : memref<2x48x512xi32, #tpu.memory_space<vmem>>, vector<16xi32>,
      %get3A_503 = arith.constant 0 : i32
      %get3A_504 = arith.index_cast %get3A_503 : i32 to index
      %get3A_505 = arith.index_cast %scan3A_348 : i32 to index
      %get3A_506 = arith.constant 496 : index
      %get3A_507 = tpu.vector_load %arg6[%get3A_504, %get3A_505, %get3A_506] {strides = array<i32>} : memref<2x48x512xi32, #tpu.memory_space<vmem>>, vector<16xi32>,
      %gather3A = tpu.vector_load_idx %arg5[%get3A_352] : memref<1000xf32, #tpu.memory_space<vmem>>[vector<16xi32>], vector<16xf32>,
      %gather3A_508 = tpu.vector_load_idx %arg5[%get3A_357] : memref<1000xf32, #tpu.memory_space<vmem>>[vector<16xi32>], vector<16xf32>,
      %gather3A_509 = tpu.vector_load_idx %arg5[%get3A_362] : memref<1000xf32, #tpu.memory_space<vmem>>[vector<16xi32>], vector<16xf32>,
      %gather3A_510 = tpu.vector_load_idx %arg5[%get3A_367] : memref<1000xf32, #tpu.memory_space<vmem>>[vector<16xi32>], vector<16xf32>,
      %gather3A_511 = tpu.vector_load_idx %arg5[%get3A_372] : memref<1000xf32, #tpu.memory_space<vmem>>[vector<16xi32>], vector<16xf32>,
      %gather3A_512 = tpu.vector_load_idx %arg5[%get3A_377] : memref<1000xf32, #tpu.memory_space<vmem>>[vector<16xi32>], vector<16xf32>,
      %gather3A_513 = tpu.vector_load_idx %arg5[%get3A_382] : memref<1000xf32, #tpu.memory_space<vmem>>[vector<16xi32>], vector<16xf32>,
      %gather3A_514 = tpu.vector_load_idx %arg5[%get3A_387] : memref<1000xf32, #tpu.memory_space<vmem>>[vector<16xi32>], vector<16xf32>,
      %gather3A_515 = tpu.vector_load_idx %arg5[%get3A_392] : memref<1000xf32, #tpu.memory_space<vmem>>[vector<16xi32>], vector<16xf32>,
      %gather3A_516 = tpu.vector_load_idx %arg5[%get3A_397] : memref<1000xf32, #tpu.memory_space<vmem>>[vector<16xi32>], vector<16xf32>,
      %gather3A_517 = tpu.vector_load_idx %arg5[%get3A_402] : memref<1000xf32, #tpu.memory_space<vmem>>[vector<16xi32>], vector<16xf32>,
      %gather3A_518 = tpu.vector_load_idx %arg5[%get3A_407] : memref<1000xf32, #tpu.memory_space<vmem>>[vector<16xi32>], vector<16xf32>,
      %gather3A_519 = tpu.vector_load_idx %arg5[%get3A_412] : memref<1000xf32, #tpu.memory_space<vmem>>[vector<16xi32>], vector<16xf32>,
      %gather3A_520 = tpu.vector_load_idx %arg5[%get3A_417] : memref<1000xf32, #tpu.memory_space<vmem>>[vector<16xi32>], vector<16xf32>,
      %gather3A_521 = tpu.vector_load_idx %arg5[%get3A_422] : memref<1000xf32, #tpu.memory_space<vmem>>[vector<16xi32>], vector<16xf32>,
      %gather3A_522 = tpu.vector_load_idx %arg5[%get3A_427] : memref<1000xf32, #tpu.memory_space<vmem>>[vector<16xi32>], vector<16xf32>,
      %gather3A_523 = tpu.vector_load_idx %arg5[%get3A_432] : memref<1000xf32, #tpu.memory_space<vmem>>[vector<16xi32>], vector<16xf32>,
      %gather3A_524 = tpu.vector_load_idx %arg5[%get3A_437] : memref<1000xf32, #tpu.memory_space<vmem>>[vector<16xi32>], vector<16xf32>,
      %gather3A_525 = tpu.vector_load_idx %arg5[%get3A_442] : memref<1000xf32, #tpu.memory_space<vmem>>[vector<16xi32>], vector<16xf32>,
      %gather3A_526 = tpu.vector_load_idx %arg5[%get3A_447] : memref<1000xf32, #tpu.memory_space<vmem>>[vector<16xi32>], vector<16xf32>,
      %gather3A_527 = tpu.vector_load_idx %arg5[%get3A_452] : memref<1000xf32, #tpu.memory_space<vmem>>[vector<16xi32>], vector<16xf32>,
      %gather3A_528 = tpu.vector_load_idx %arg5[%get3A_457] : memref<1000xf32, #tpu.memory_space<vmem>>[vector<16xi32>], vector<16xf32>,
      %gather3A_529 = tpu.vector_load_idx %arg5[%get3A_462] : memref<1000xf32, #tpu.memory_space<vmem>>[vector<16xi32>], vector<16xf32>,
      %gather3A_530 = tpu.vector_load_idx %arg5[%get3A_467] : memref<1000xf32, #tpu.memory_space<vmem>>[vector<16xi32>], vector<16xf32>,
      %gather3A_531 = tpu.vector_load_idx %arg5[%get3A_472] : memref<1000xf32, #tpu.memory_space<vmem>>[vector<16xi32>], vector<16xf32>,
      %gather3A_532 = tpu.vector_load_idx %arg5[%get3A_477] : memref<1000xf32, #tpu.memory_space<vmem>>[vector<16xi32>], vector<16xf32>,
      %gather3A_533 = tpu.vector_load_idx %arg5[%get3A_482] : memref<1000xf32, #tpu.memory_space<vmem>>[vector<16xi32>], vector<16xf32>,
      %gather3A_534 = tpu.vector_load_idx %arg5[%get3A_487] : memref<1000xf32, #tpu.memory_space<vmem>>[vector<16xi32>], vector<16xf32>,
      %gather3A_535 = tpu.vector_load_idx %arg5[%get3A_492] : memref<1000xf32, #tpu.memory_space<vmem>>[vector<16xi32>], vector<16xf32>,
      %gather3A_536 = tpu.vector_load_idx %arg5[%get3A_497] : memref<1000xf32, #tpu.memory_space<vmem>>[vector<16xi32>], vector<16xf32>,
      %gather3A_537 = tpu.vector_load_idx %arg5[%get3A_502] : memref<1000xf32, #tpu.memory_space<vmem>>[vector<16xi32>], vector<16xf32>,
      %gather3A_538 = tpu.vector_load_idx %arg5[%get3A_507] : memref<1000xf32, #tpu.memory_space<vmem>>[vector<16xi32>], vector<16xf32>,
      %swap3A = arith.constant 0 : i32
      %swap3A_539 = arith.index_cast %swap3A : i32 to index
      %swap3A_540 = arith.index_cast %scan3A_348 : i32 to index
      %swap3A_541 = arith.constant 0 : index
      %swap3A_542 = tpu.vector_load %arg7[%swap3A_539, %swap3A_540, %swap3A_541] {strides = array<i32>} : memref<2x48x512xf32, #tpu.memory_space<vmem>>, vector<16xf32>,
      tpu.vector_store %arg7[%swap3A_539, %swap3A_540, %swap3A_541], %gather3A {strides = array<i32>} : memref<2x48x512xf32, #tpu.memory_space<vmem>>, vector<16xf32>,
      %swap3A_543 = arith.constant 0 : i32
      %swap3A_544 = arith.index_cast %swap3A_543 : i32 to index
      %swap3A_545 = arith.index_cast %scan3A_348 : i32 to index
      %swap3A_546 = arith.constant 16 : index
      %swap3A_547 = tpu.vector_load %arg7[%swap3A_544, %swap3A_545, %swap3A_546] {strides = array<i32>} : memref<2x48x512xf32, #tpu.memory_space<vmem>>, vector<16xf32>,
      tpu.vector_store %arg7[%swap3A_544, %swap3A_545, %swap3A_546], %gather3A_508 {strides = array<i32>} : memref<2x48x512xf32, #tpu.memory_space<vmem>>, vector<16xf32>,
      %swap3A_548 = arith.constant 0 : i32
      %swap3A_549 = arith.index_cast %swap3A_548 : i32 to index
      %swap3A_550 = arith.index_cast %scan3A_348 : i32 to index
      %swap3A_551 = arith.constant 32 : index
      %swap3A_552 = tpu.vector_load %arg7[%swap3A_549, %swap3A_550, %swap3A_551] {strides = array<i32>} : memref<2x48x512xf32, #tpu.memory_space<vmem>>, vector<16xf32>,
      tpu.vector_store %arg7[%swap3A_549, %swap3A_550, %swap3A_551], %gather3A_509 {strides = array<i32>} : memref<2x48x512xf32, #tpu.memory_space<vmem>>, vector<16xf32>,
      %swap3A_553 = arith.constant 0 : i32
      %swap3A_554 = arith.index_cast %swap3A_553 : i32 to index
      %swap3A_555 = arith.index_cast %scan3A_348 : i32 to index
      %swap3A_556 = arith.constant 48 : index
      %swap3A_557 = tpu.vector_load %arg7[%swap3A_554, %swap3A_555, %swap3A_556] {strides = array<i32>} : memref<2x48x512xf32, #tpu.memory_space<vmem>>, vector<16xf32>,
      tpu.vector_store %arg7[%swap3A_554, %swap3A_555, %swap3A_556], %gather3A_510 {strides = array<i32>} : memref<2x48x512xf32, #tpu.memory_space<vmem>>, vector<16xf32>,
      %swap3A_558 = arith.constant 0 : i32
      %swap3A_559 = arith.index_cast %swap3A_558 : i32 to index
      %swap3A_560 = arith.index_cast %scan3A_348 : i32 to index
      %swap3A_561 = arith.constant 64 : index
      %swap3A_562 = tpu.vector_load %arg7[%swap3A_559, %swap3A_560, %swap3A_561] {strides = array<i32>} : memref<2x48x512xf32, #tpu.memory_space<vmem>>, vector<16xf32>,
      tpu.vector_store %arg7[%swap3A_559, %swap3A_560, %swap3A_561], %gather3A_511 {strides = array<i32>} : memref<2x48x512xf32, #tpu.memory_space<vmem>>, vector<16xf32>,
      %swap3A_563 = arith.constant 0 : i32
      %swap3A_564 = arith.index_cast %swap3A_563 : i32 to index
      %swap3A_565 = arith.index_cast %scan3A_348 : i32 to index
      %swap3A_566 = arith.constant 80 : index
      %swap3A_567 = tpu.vector_load %arg7[%swap3A_564, %swap3A_565, %swap3A_566] {strides = array<i32>} : memref<2x48x512xf32, #tpu.memory_space<vmem>>, vector<16xf32>,
      tpu.vector_store %arg7[%swap3A_564, %swap3A_565, %swap3A_566], %gather3A_512 {strides = array<i32>} : memref<2x48x512xf32, #tpu.memory_space<vmem>>, vector<16xf32>,
      %swap3A_568 = arith.constant 0 : i32
      %swap3A_569 = arith.index_cast %swap3A_568 : i32 to index
      %swap3A_570 = arith.index_cast %scan3A_348 : i32 to index
      %swap3A_571 = arith.constant 96 : index
      %swap3A_572 = tpu.vector_load %arg7[%swap3A_569, %swap3A_570, %swap3A_571] {strides = array<i32>} : memref<2x48x512xf32, #tpu.memory_space<vmem>>, vector<16xf32>,
      tpu.vector_store %arg7[%swap3A_569, %swap3A_570, %swap3A_571], %gather3A_513 {strides = array<i32>} : memref<2x48x512xf32, #tpu.memory_space<vmem>>, vector<16xf32>,
      %swap3A_573 = arith.constant 0 : i32
      %swap3A_574 = arith.index_cast %swap3A_573 : i32 to index
      %swap3A_575 = arith.index_cast %scan3A_348 : i32 to index
      %swap3A_576 = arith.constant 112 : index
      %swap3A_577 = tpu.vector_load %arg7[%swap3A_574, %swap3A_575, %swap3A_576] {strides = array<i32>} : memref<2x48x512xf32, #tpu.memory_space<vmem>>, vector<16xf32>,
      tpu.vector_store %arg7[%swap3A_574, %swap3A_575, %swap3A_576], %gather3A_514 {strides = array<i32>} : memref<2x48x512xf32, #tpu.memory_space<vmem>>, vector<16xf32>,
      %swap3A_578 = arith.constant 0 : i32
      %swap3A_579 = arith.index_cast %swap3A_578 : i32 to index
      %swap3A_580 = arith.index_cast %scan3A_348 : i32 to index
      %swap3A_581 = arith.constant 128 : index
      %swap3A_582 = tpu.vector_load %arg7[%swap3A_579, %swap3A_580, %swap3A_581] {strides = array<i32>} : memref<2x48x512xf32, #tpu.memory_space<vmem>>, vector<16xf32>,
      tpu.vector_store %arg7[%swap3A_579, %swap3A_580, %swap3A_581], %gather3A_515 {strides = array<i32>} : memref<2x48x512xf32, #tpu.memory_space<vmem>>, vector<16xf32>,
      %swap3A_583 = arith.constant 0 : i32
      %swap3A_584 = arith.index_cast %swap3A_583 : i32 to index
      %swap3A_585 = arith.index_cast %scan3A_348 : i32 to index
      %swap3A_586 = arith.constant 144 : index
      %swap3A_587 = tpu.vector_load %arg7[%swap3A_584, %swap3A_585, %swap3A_586] {strides = array<i32>} : memref<2x48x512xf32, #tpu.memory_space<vmem>>, vector<16xf32>,
      tpu.vector_store %arg7[%swap3A_584, %swap3A_585, %swap3A_586], %gather3A_516 {strides = array<i32>} : memref<2x48x512xf32, #tpu.memory_space<vmem>>, vector<16xf32>,
      %swap3A_588 = arith.constant 0 : i32
      %swap3A_589 = arith.index_cast %swap3A_588 : i32 to index
      %swap3A_590 = arith.index_cast %scan3A_348 : i32 to index
      %swap3A_591 = arith.constant 160 : index
      %swap3A_592 = tpu.vector_load %arg7[%swap3A_589, %swap3A_590, %swap3A_591] {strides = array<i32>} : memref<2x48x512xf32, #tpu.memory_space<vmem>>, vector<16xf32>,
      tpu.vector_store %arg7[%swap3A_589, %swap3A_590, %swap3A_591], %gather3A_517 {strides = array<i32>} : memref<2x48x512xf32, #tpu.memory_space<vmem>>, vector<16xf32>,
      %swap3A_593 = arith.constant 0 : i32
      %swap3A_594 = arith.index_cast %swap3A_593 : i32 to index
      %swap3A_595 = arith.index_cast %scan3A_348 : i32 to index
      %swap3A_596 = arith.constant 176 : index
      %swap3A_597 = tpu.vector_load %arg7[%swap3A_594, %swap3A_595, %swap3A_596] {strides = array<i32>} : memref<2x48x512xf32, #tpu.memory_space<vmem>>, vector<16xf32>,
      tpu.vector_store %arg7[%swap3A_594, %swap3A_595, %swap3A_596], %gather3A_518 {strides = array<i32>} : memref<2x48x512xf32, #tpu.memory_space<vmem>>, vector<16xf32>,
      %swap3A_598 = arith.constant 0 : i32
      %swap3A_599 = arith.index_cast %swap3A_598 : i32 to index
      %swap3A_600 = arith.index_cast %scan3A_348 : i32 to index
      %swap3A_601 = arith.constant 192 : index
      %swap3A_602 = tpu.vector_load %arg7[%swap3A_599, %swap3A_600, %swap3A_601] {strides = array<i32>} : memref<2x48x512xf32, #tpu.memory_space<vmem>>, vector<16xf32>,
      tpu.vector_store %arg7[%swap3A_599, %swap3A_600, %swap3A_601], %gather3A_519 {strides = array<i32>} : memref<2x48x512xf32, #tpu.memory_space<vmem>>, vector<16xf32>,
      %swap3A_603 = arith.constant 0 : i32
      %swap3A_604 = arith.index_cast %swap3A_603 : i32 to index
      %swap3A_605 = arith.index_cast %scan3A_348 : i32 to index
      %swap3A_606 = arith.constant 208 : index
      %swap3A_607 = tpu.vector_load %arg7[%swap3A_604, %swap3A_605, %swap3A_606] {strides = array<i32>} : memref<2x48x512xf32, #tpu.memory_space<vmem>>, vector<16xf32>,
      tpu.vector_store %arg7[%swap3A_604, %swap3A_605, %swap3A_606], %gather3A_520 {strides = array<i32>} : memref<2x48x512xf32, #tpu.memory_space<vmem>>, vector<16xf32>,
      %swap3A_608 = arith.constant 0 : i32
      %swap3A_609 = arith.index_cast %swap3A_608 : i32 to index
      %swap3A_610 = arith.index_cast %scan3A_348 : i32 to index
      %swap3A_611 = arith.constant 224 : index
      %swap3A_612 = tpu.vector_load %arg7[%swap3A_609, %swap3A_610, %swap3A_611] {strides = array<i32>} : memref<2x48x512xf32, #tpu.memory_space<vmem>>, vector<16xf32>,
      tpu.vector_store %arg7[%swap3A_609, %swap3A_610, %swap3A_611], %gather3A_521 {strides = array<i32>} : memref<2x48x512xf32, #tpu.memory_space<vmem>>, vector<16xf32>,
      %swap3A_613 = arith.constant 0 : i32
      %swap3A_614 = arith.index_cast %swap3A_613 : i32 to index
      %swap3A_615 = arith.index_cast %scan3A_348 : i32 to index
      %swap3A_616 = arith.constant 240 : index
      %swap3A_617 = tpu.vector_load %arg7[%swap3A_614, %swap3A_615, %swap3A_616] {strides = array<i32>} : memref<2x48x512xf32, #tpu.memory_space<vmem>>, vector<16xf32>,
      tpu.vector_store %arg7[%swap3A_614, %swap3A_615, %swap3A_616], %gather3A_522 {strides = array<i32>} : memref<2x48x512xf32, #tpu.memory_space<vmem>>, vector<16xf32>,
      %swap3A_618 = arith.constant 0 : i32
      %swap3A_619 = arith.index_cast %swap3A_618 : i32 to index
      %swap3A_620 = arith.index_cast %scan3A_348 : i32 to index
      %swap3A_621 = arith.constant 256 : index
      %swap3A_622 = tpu.vector_load %arg7[%swap3A_619, %swap3A_620, %swap3A_621] {strides = array<i32>} : memref<2x48x512xf32, #tpu.memory_space<vmem>>, vector<16xf32>,
      tpu.vector_store %arg7[%swap3A_619, %swap3A_620, %swap3A_621], %gather3A_523 {strides = array<i32>} : memref<2x48x512xf32, #tpu.memory_space<vmem>>, vector<16xf32>,
      %swap3A_623 = arith.constant 0 : i32
      %swap3A_624 = arith.index_cast %swap3A_623 : i32 to index
      %swap3A_625 = arith.index_cast %scan3A_348 : i32 to index
      %swap3A_626 = arith.constant 272 : index
      %swap3A_627 = tpu.vector_load %arg7[%swap3A_624, %swap3A_625, %swap3A_626] {strides = array<i32>} : memref<2x48x512xf32, #tpu.memory_space<vmem>>, vector<16xf32>,
      tpu.vector_store %arg7[%swap3A_624, %swap3A_625, %swap3A_626], %gather3A_524 {strides = array<i32>} : memref<2x48x512xf32, #tpu.memory_space<vmem>>, vector<16xf32>,
      %swap3A_628 = arith.constant 0 : i32
      %swap3A_629 = arith.index_cast %swap3A_628 : i32 to index
      %swap3A_630 = arith.index_cast %scan3A_348 : i32 to index
      %swap3A_631 = arith.constant 288 : index
      %swap3A_632 = tpu.vector_load %arg7[%swap3A_629, %swap3A_630, %swap3A_631] {strides = array<i32>} : memref<2x48x512xf32, #tpu.memory_space<vmem>>, vector<16xf32>,
      tpu.vector_store %arg7[%swap3A_629, %swap3A_630, %swap3A_631], %gather3A_525 {strides = array<i32>} : memref<2x48x512xf32, #tpu.memory_space<vmem>>, vector<16xf32>,
      %swap3A_633 = arith.constant 0 : i32
      %swap3A_634 = arith.index_cast %swap3A_633 : i32 to index
      %swap3A_635 = arith.index_cast %scan3A_348 : i32 to index
      %swap3A_636 = arith.constant 304 : index
      %swap3A_637 = tpu.vector_load %arg7[%swap3A_634, %swap3A_635, %swap3A_636] {strides = array<i32>} : memref<2x48x512xf32, #tpu.memory_space<vmem>>, vector<16xf32>,
      tpu.vector_store %arg7[%swap3A_634, %swap3A_635, %swap3A_636], %gather3A_526 {strides = array<i32>} : memref<2x48x512xf32, #tpu.memory_space<vmem>>, vector<16xf32>,
      %swap3A_638 = arith.constant 0 : i32
      %swap3A_639 = arith.index_cast %swap3A_638 : i32 to index
      %swap3A_640 = arith.index_cast %scan3A_348 : i32 to index
      %swap3A_641 = arith.constant 320 : index
      %swap3A_642 = tpu.vector_load %arg7[%swap3A_639, %swap3A_640, %swap3A_641] {strides = array<i32>} : memref<2x48x512xf32, #tpu.memory_space<vmem>>, vector<16xf32>,
      tpu.vector_store %arg7[%swap3A_639, %swap3A_640, %swap3A_641], %gather3A_527 {strides = array<i32>} : memref<2x48x512xf32, #tpu.memory_space<vmem>>, vector<16xf32>,
      %swap3A_643 = arith.constant 0 : i32
      %swap3A_644 = arith.index_cast %swap3A_643 : i32 to index
      %swap3A_645 = arith.index_cast %scan3A_348 : i32 to index
      %swap3A_646 = arith.constant 336 : index
      %swap3A_647 = tpu.vector_load %arg7[%swap3A_644, %swap3A_645, %swap3A_646] {strides = array<i32>} : memref<2x48x512xf32, #tpu.memory_space<vmem>>, vector<16xf32>,
      tpu.vector_store %arg7[%swap3A_644, %swap3A_645, %swap3A_646], %gather3A_528 {strides = array<i32>} : memref<2x48x512xf32, #tpu.memory_space<vmem>>, vector<16xf32>,
      %swap3A_648 = arith.constant 0 : i32
      %swap3A_649 = arith.index_cast %swap3A_648 : i32 to index
      %swap3A_650 = arith.index_cast %scan3A_348 : i32 to index
      %swap3A_651 = arith.constant 352 : index
      %swap3A_652 = tpu.vector_load %arg7[%swap3A_649, %swap3A_650, %swap3A_651] {strides = array<i32>} : memref<2x48x512xf32, #tpu.memory_space<vmem>>, vector<16xf32>,
      tpu.vector_store %arg7[%swap3A_649, %swap3A_650, %swap3A_651], %gather3A_529 {strides = array<i32>} : memref<2x48x512xf32, #tpu.memory_space<vmem>>, vector<16xf32>,
      %swap3A_653 = arith.constant 0 : i32
      %swap3A_654 = arith.index_cast %swap3A_653 : i32 to index
      %swap3A_655 = arith.index_cast %scan3A_348 : i32 to index
      %swap3A_656 = arith.constant 368 : index
      %swap3A_657 = tpu.vector_load %arg7[%swap3A_654, %swap3A_655, %swap3A_656] {strides = array<i32>} : memref<2x48x512xf32, #tpu.memory_space<vmem>>, vector<16xf32>,
      tpu.vector_store %arg7[%swap3A_654, %swap3A_655, %swap3A_656], %gather3A_530 {strides = array<i32>} : memref<2x48x512xf32, #tpu.memory_space<vmem>>, vector<16xf32>,
      %swap3A_658 = arith.constant 0 : i32
      %swap3A_659 = arith.index_cast %swap3A_658 : i32 to index
      %swap3A_660 = arith.index_cast %scan3A_348 : i32 to index
      %swap3A_661 = arith.constant 384 : index
      %swap3A_662 = tpu.vector_load %arg7[%swap3A_659, %swap3A_660, %swap3A_661] {strides = array<i32>} : memref<2x48x512xf32, #tpu.memory_space<vmem>>, vector<16xf32>,
      tpu.vector_store %arg7[%swap3A_659, %swap3A_660, %swap3A_661], %gather3A_531 {strides = array<i32>} : memref<2x48x512xf32, #tpu.memory_space<vmem>>, vector<16xf32>,
      %swap3A_663 = arith.constant 0 : i32
      %swap3A_664 = arith.index_cast %swap3A_663 : i32 to index
      %swap3A_665 = arith.index_cast %scan3A_348 : i32 to index
      %swap3A_666 = arith.constant 400 : index
      %swap3A_667 = tpu.vector_load %arg7[%swap3A_664, %swap3A_665, %swap3A_666] {strides = array<i32>} : memref<2x48x512xf32, #tpu.memory_space<vmem>>, vector<16xf32>,
      tpu.vector_store %arg7[%swap3A_664, %swap3A_665, %swap3A_666], %gather3A_532 {strides = array<i32>} : memref<2x48x512xf32, #tpu.memory_space<vmem>>, vector<16xf32>,
      %swap3A_668 = arith.constant 0 : i32
      %swap3A_669 = arith.index_cast %swap3A_668 : i32 to index
      %swap3A_670 = arith.index_cast %scan3A_348 : i32 to index
      %swap3A_671 = arith.constant 416 : index
      %swap3A_672 = tpu.vector_load %arg7[%swap3A_669, %swap3A_670, %swap3A_671] {strides = array<i32>} : memref<2x48x512xf32, #tpu.memory_space<vmem>>, vector<16xf32>,
      tpu.vector_store %arg7[%swap3A_669, %swap3A_670, %swap3A_671], %gather3A_533 {strides = array<i32>} : memref<2x48x512xf32, #tpu.memory_space<vmem>>, vector<16xf32>,
      %swap3A_673 = arith.constant 0 : i32
      %swap3A_674 = arith.index_cast %swap3A_673 : i32 to index
      %swap3A_675 = arith.index_cast %scan3A_348 : i32 to index
      %swap3A_676 = arith.constant 432 : index
      %swap3A_677 = tpu.vector_load %arg7[%swap3A_674, %swap3A_675, %swap3A_676] {strides = array<i32>} : memref<2x48x512xf32, #tpu.memory_space<vmem>>, vector<16xf32>,
      tpu.vector_store %arg7[%swap3A_674, %swap3A_675, %swap3A_676], %gather3A_534 {strides = array<i32>} : memref<2x48x512xf32, #tpu.memory_space<vmem>>, vector<16xf32>,
      %swap3A_678 = arith.constant 0 : i32
      %swap3A_679 = arith.index_cast %swap3A_678 : i32 to index
      %swap3A_680 = arith.index_cast %scan3A_348 : i32 to index
      %swap3A_681 = arith.constant 448 : index
      %swap3A_682 = tpu.vector_load %arg7[%swap3A_679, %swap3A_680, %swap3A_681] {strides = array<i32>} : memref<2x48x512xf32, #tpu.memory_space<vmem>>, vector<16xf32>,
      tpu.vector_store %arg7[%swap3A_679, %swap3A_680, %swap3A_681], %gather3A_535 {strides = array<i32>} : memref<2x48x512xf32, #tpu.memory_space<vmem>>, vector<16xf32>,
      %swap3A_683 = arith.constant 0 : i32
      %swap3A_684 = arith.index_cast %swap3A_683 : i32 to index
      %swap3A_685 = arith.index_cast %scan3A_348 : i32 to index
      %swap3A_686 = arith.constant 464 : index
      %swap3A_687 = tpu.vector_load %arg7[%swap3A_684, %swap3A_685, %swap3A_686] {strides = array<i32>} : memref<2x48x512xf32, #tpu.memory_space<vmem>>, vector<16xf32>,
      tpu.vector_store %arg7[%swap3A_684, %swap3A_685, %swap3A_686], %gather3A_536 {strides = array<i32>} : memref<2x48x512xf32, #tpu.memory_space<vmem>>, vector<16xf32>,
      %swap3A_688 = arith.constant 0 : i32
      %swap3A_689 = arith.index_cast %swap3A_688 : i32 to index
      %swap3A_690 = arith.index_cast %scan3A_348 : i32 to index
      %swap3A_691 = arith.constant 480 : index
      %swap3A_692 = tpu.vector_load %arg7[%swap3A_689, %swap3A_690, %swap3A_691] {strides = array<i32>} : memref<2x48x512xf32, #tpu.memory_space<vmem>>, vector<16xf32>,
      tpu.vector_store %arg7[%swap3A_689, %swap3A_690, %swap3A_691], %gather3A_537 {strides = array<i32>} : memref<2x48x512xf32, #tpu.memory_space<vmem>>, vector<16xf32>,
      %swap3A_693 = arith.constant 0 : i32
      %swap3A_694 = arith.index_cast %swap3A_693 : i32 to index
      %swap3A_695 = arith.index_cast %scan3A_348 : i32 to index
      %swap3A_696 = arith.constant 496 : index
      %swap3A_697 = tpu.vector_load %arg7[%swap3A_694, %swap3A_695, %swap3A_696] {strides = array<i32>} : memref<2x48x512xf32, #tpu.memory_space<vmem>>, vector<16xf32>,
      tpu.vector_store %arg7[%swap3A_694, %swap3A_695, %swap3A_696], %gather3A_538 {strides = array<i32>} : memref<2x48x512xf32, #tpu.memory_space<vmem>>, vector<16xf32>,
    }
    %scan3A_44 = arith.constant 8 : i32
    %dma_start3A_45 = arith.constant 0 : i32
    %dma_start3A_46 = arith.constant 0 : i32
    %dma_start3A_47 = arith.constant 0 : i32
    %dma_start3A_48 = tpu.memref_slice %arg7[%dma_start3A_45, %dma_start3A_46, %dma_start3A_47] : memref<2x48x512xf32, #tpu.memory_space<vmem>> -> memref<1x8x512xf32, #tpu.memory_space<vmem>>
    %dma_start3A_49 = tpu.memref_squeeze %dma_start3A_48 : memref<1x8x512xf32, #tpu.memory_space<vmem>> -> memref<8x512xf32, #tpu.memory_space<vmem>>
    %dma_start3A_50 = arith.constant 0 : i32
    %dma_start3A_51 = tpu.memref_slice %arg4[%dma_start3A_50, %mul3A_2] : memref<200x16384xf32, #tpu.memory_space<hbm>> -> memref<8x512xf32, #tpu.memory_space<hbm>>
    %dma_start3A_52 = arith.constant 0 : i32
    %dma_start3A_53 = tpu.memref_slice %arg4[%dma_start3A_52, %mul3A_2] : memref<200x16384xf32, #tpu.memory_space<hbm>> -> memref<8x512xf32, #tpu.memory_space<hbm>>
    %dma_start3A_54 = arith.constant 0 : i32
    %dma_start3A_55 = arith.constant 0 : i32
    %dma_start3A_56 = tpu.memref_slice %arg7[%dma_start3A_45, %dma_start3A_54, %dma_start3A_55] : memref<2x48x512xf32, #tpu.memory_space<vmem>> -> memref<1x8x512xf32, #tpu.memory_space<vmem>>
    %dma_start3A_57 = tpu.memref_squeeze %dma_start3A_56 : memref<1x8x512xf32, #tpu.memory_space<vmem>> -> memref<8x512xf32, #tpu.memory_space<vmem>>
    tpu.enqueue_dma source(%dma_start3A_57 : memref<8x512xf32, #tpu.memory_space<vmem>>) target(%dma_start3A_53 : memref<8x512xf32, #tpu.memory_space<hbm>>) target_semaphore(%arg10 : memref<!tpu.dma_semaphore, #tpu.memory_space<semaphore_mem>>)
    %dma_start3A_58 = arith.constant 0 : i32
    %dma_start3A_59 = arith.constant 0 : i32
    %dma_start3A_60 = arith.constant 0 : i32
    %dma_start3A_61 = tpu.memref_slice %arg6[%dma_start3A_58, %dma_start3A_59, %dma_start3A_60] : memref<2x48x512xi32, #tpu.memory_space<vmem>> -> memref<1x48x512xi32, #tpu.memory_space<vmem>>
    %dma_start3A_62 = tpu.memref_squeeze %dma_start3A_61 : memref<1x48x512xi32, #tpu.memory_space<vmem>> -> memref<48x512xi32, #tpu.memory_space<vmem>>
    %dma_start3A_63 = arith.constant 56 : i32
    %dma_start3A_64 = tpu.memref_slice %arg2[%dma_start3A_63, %mul3A_2] : memref<200x16384xi32, #tpu.memory_space<hbm>> -> memref<48x512xi32, #tpu.memory_space<hbm>>
    %dma_start3A_65 = arith.constant 0 : i32
    %dma_start3A_66 = arith.constant 0 : i32
    %dma_start3A_67 = tpu.memref_slice %arg6[%dma_start3A_58, %dma_start3A_65, %dma_start3A_66] : memref<2x48x512xi32, #tpu.memory_space<vmem>> -> memref<1x48x512xi32, #tpu.memory_space<vmem>>
    %dma_start3A_68 = tpu.memref_squeeze %dma_start3A_67 : memref<1x48x512xi32, #tpu.memory_space<vmem>> -> memref<48x512xi32, #tpu.memory_space<vmem>>
    %dma_start3A_69 = arith.constant 56 : i32
    %dma_start3A_70 = tpu.memref_slice %arg2[%dma_start3A_69, %mul3A_2] : memref<200x16384xi32, #tpu.memory_space<hbm>> -> memref<48x512xi32, #tpu.memory_space<hbm>>
    tpu.enqueue_dma source(%dma_start3A_70 : memref<48x512xi32, #tpu.memory_space<hbm>>) target(%dma_start3A_68 : memref<48x512xi32, #tpu.memory_space<vmem>>) target_semaphore(%arg8 : memref<!tpu.dma_semaphore, #tpu.memory_space<semaphore_mem>>)
    %dma_wait3A_71 = arith.constant 1 : i32
    %dma_wait3A_72 = arith.constant 0 : i32
    %dma_wait3A_73 = arith.constant 0 : i32
    %dma_wait3A_74 = tpu.memref_slice %arg6[%dma_wait3A_71, %dma_wait3A_72, %dma_wait3A_73] : memref<2x48x512xi32, #tpu.memory_space<vmem>> -> memref<1x48x512xi32, #tpu.memory_space<vmem>>
    %dma_wait3A_75 = tpu.memref_squeeze %dma_wait3A_74 : memref<1x48x512xi32, #tpu.memory_space<vmem>> -> memref<48x512xi32, #tpu.memory_space<vmem>>
    %dma_wait3A_76 = arith.constant 8 : i32
    %dma_wait3A_77 = tpu.memref_slice %arg2[%dma_wait3A_76, %mul3A_2] : memref<200x16384xi32, #tpu.memory_space<hbm>> -> memref<48x512xi32, #tpu.memory_space<hbm>>
    %dma_wait3A_78 = arith.constant 0 : i32
    %dma_wait3A_79 = arith.constant 0 : i32
    %dma_wait3A_80 = tpu.memref_slice %arg6[%dma_wait3A_71, %dma_wait3A_78, %dma_wait3A_79] : memref<2x48x512xi32, #tpu.memory_space<vmem>> -> memref<1x48x512xi32, #tpu.memory_space<vmem>>
    %dma_wait3A_81 = tpu.memref_squeeze %dma_wait3A_80 : memref<1x48x512xi32, #tpu.memory_space<vmem>> -> memref<48x512xi32, #tpu.memory_space<vmem>>
    %dma_wait3A_82 = arith.constant 8 : i32
    %dma_wait3A_83 = tpu.memref_slice %arg2[%dma_wait3A_82, %mul3A_2] : memref<200x16384xi32, #tpu.memory_space<hbm>> -> memref<48x512xi32, #tpu.memory_space<hbm>>
    tpu.wait_dma2 semaphore(%arg9 : memref<!tpu.dma_semaphore, #tpu.memory_space<semaphore_mem>>) src(%dma_wait3A_83 : memref<48x512xi32, #tpu.memory_space<hbm>>) dst(%dma_wait3A_81 : memref<48x512xi32, #tpu.memory_space<vmem>>)
    %scan3A_84 = arith.constant 0 : i32
    %scan3A_85 = arith.constant 0 : i32
    %scan3A_86 = arith.constant 48 : i32
    %scan3A_87 = arith.addi %scan3A_85, %scan3A_86 : i32
    %scan3A_88 = arith.constant 1 : i32
    scf.for %scan3A_348 = %scan3A_85 to %scan3A_87 step %scan3A_88  : i32 {
      %get3A = arith.constant 1 : i32
      %get3A_349 = arith.index_cast %get3A : i32 to index
      %get3A_350 = arith.index_cast %scan3A_348 : i32 to index
      %get3A_351 = arith.constant 0 : index
      %get3A_352 = tpu.vector_load %arg6[%get3A_349, %get3A_350, %get3A_351] {strides = array<i32>} : memref<2x48x512xi32, #tpu.memory_space<vmem>>, vector<16xi32>,
      %get3A_353 = arith.constant 1 : i32
      %get3A_354 = arith.index_cast %get3A_353 : i32 to index
      %get3A_355 = arith.index_cast %scan3A_348 : i32 to index
      %get3A_356 = arith.constant 16 : index
      %get3A_357 = tpu.vector_load %arg6[%get3A_354, %get3A_355, %get3A_356] {strides = array<i32>} : memref<2x48x512xi32, #tpu.memory_space<vmem>>, vector<16xi32>,
      %get3A_358 = arith.constant 1 : i32
      %get3A_359 = arith.index_cast %get3A_358 : i32 to index
      %get3A_360 = arith.index_cast %scan3A_348 : i32 to index
      %get3A_361 = arith.constant 32 : index
      %get3A_362 = tpu.vector_load %arg6[%get3A_359, %get3A_360, %get3A_361] {strides = array<i32>} : memref<2x48x512xi32, #tpu.memory_space<vmem>>, vector<16xi32>,
      %get3A_363 = arith.constant 1 : i32
      %get3A_364 = arith.index_cast %get3A_363 : i32 to index
      %get3A_365 = arith.index_cast %scan3A_348 : i32 to index
      %get3A_366 = arith.constant 48 : index
      %get3A_367 = tpu.vector_load %arg6[%get3A_364, %get3A_365, %get3A_366] {strides = array<i32>} : memref<2x48x512xi32, #tpu.memory_space<vmem>>, vector<16xi32>,
      %get3A_368 = arith.constant 1 : i32
      %get3A_369 = arith.index_cast %get3A_368 : i32 to index
      %get3A_370 = arith.index_cast %scan3A_348 : i32 to index
      %get3A_371 = arith.constant 64 : index
      %get3A_372 = tpu.vector_load %arg6[%get3A_369, %get3A_370, %get3A_371] {strides = array<i32>} : memref<2x48x512xi32, #tpu.memory_space<vmem>>, vector<16xi32>,
      %get3A_373 = arith.constant 1 : i32
      %get3A_374 = arith.index_cast %get3A_373 : i32 to index
      %get3A_375 = arith.index_cast %scan3A_348 : i32 to index
      %get3A_376 = arith.constant 80 : index
      %get3A_377 = tpu.vector_load %arg6[%get3A_374, %get3A_375, %get3A_376] {strides = array<i32>} : memref<2x48x512xi32, #tpu.memory_space<vmem>>, vector<16xi32>,
      %get3A_378 = arith.constant 1 : i32
      %get3A_379 = arith.index_cast %get3A_378 : i32 to index
      %get3A_380 = arith.index_cast %scan3A_348 : i32 to index
      %get3A_381 = arith.constant 96 : index
      %get3A_382 = tpu.vector_load %arg6[%get3A_379, %get3A_380, %get3A_381] {strides = array<i32>} : memref<2x48x512xi32, #tpu.memory_space<vmem>>, vector<16xi32>,
      %get3A_383 = arith.constant 1 : i32
      %get3A_384 = arith.index_cast %get3A_383 : i32 to index
      %get3A_385 = arith.index_cast %scan3A_348 : i32 to index
      %get3A_386 = arith.constant 112 : index
      %get3A_387 = tpu.vector_load %arg6[%get3A_384, %get3A_385, %get3A_386] {strides = array<i32>} : memref<2x48x512xi32, #tpu.memory_space<vmem>>, vector<16xi32>,
      %get3A_388 = arith.constant 1 : i32
      %get3A_389 = arith.index_cast %get3A_388 : i32 to index
      %get3A_390 = arith.index_cast %scan3A_348 : i32 to index
      %get3A_391 = arith.constant 128 : index
      %get3A_392 = tpu.vector_load %arg6[%get3A_389, %get3A_390, %get3A_391] {strides = array<i32>} : memref<2x48x512xi32, #tpu.memory_space<vmem>>, vector<16xi32>,
      %get3A_393 = arith.constant 1 : i32
      %get3A_394 = arith.index_cast %get3A_393 : i32 to index
      %get3A_395 = arith.index_cast %scan3A_348 : i32 to index
      %get3A_396 = arith.constant 144 : index
      %get3A_397 = tpu.vector_load %arg6[%get3A_394, %get3A_395, %get3A_396] {strides = array<i32>} : memref<2x48x512xi32, #tpu.memory_space<vmem>>, vector<16xi32>,
      %get3A_398 = arith.constant 1 : i32
      %get3A_399 = arith.index_cast %get3A_398 : i32 to index
      %get3A_400 = arith.index_cast %scan3A_348 : i32 to index
      %get3A_401 = arith.constant 160 : index
      %get3A_402 = tpu.vector_load %arg6[%get3A_399, %get3A_400, %get3A_401] {strides = array<i32>} : memref<2x48x512xi32, #tpu.memory_space<vmem>>, vector<16xi32>,
      %get3A_403 = arith.constant 1 : i32
      %get3A_404 = arith.index_cast %get3A_403 : i32 to index
      %get3A_405 = arith.index_cast %scan3A_348 : i32 to index
      %get3A_406 = arith.constant 176 : index
      %get3A_407 = tpu.vector_load %arg6[%get3A_404, %get3A_405, %get3A_406] {strides = array<i32>} : memref<2x48x512xi32, #tpu.memory_space<vmem>>, vector<16xi32>,
      %get3A_408 = arith.constant 1 : i32
      %get3A_409 = arith.index_cast %get3A_408 : i32 to index
      %get3A_410 = arith.index_cast %scan3A_348 : i32 to index
      %get3A_411 = arith.constant 192 : index
      %get3A_412 = tpu.vector_load %arg6[%get3A_409, %get3A_410, %get3A_411] {strides = array<i32>} : memref<2x48x512xi32, #tpu.memory_space<vmem>>, vector<16xi32>,
      %get3A_413 = arith.constant 1 : i32
      %get3A_414 = arith.index_cast %get3A_413 : i32 to index
      %get3A_415 = arith.index_cast %scan3A_348 : i32 to index
      %get3A_416 = arith.constant 208 : index
      %get3A_417 = tpu.vector_load %arg6[%get3A_414, %get3A_415, %get3A_416] {strides = array<i32>} : memref<2x48x512xi32, #tpu.memory_space<vmem>>, vector<16xi32>,
      %get3A_418 = arith.constant 1 : i32
      %get3A_419 = arith.index_cast %get3A_418 : i32 to index
      %get3A_420 = arith.index_cast %scan3A_348 : i32 to index
      %get3A_421 = arith.constant 224 : index
      %get3A_422 = tpu.vector_load %arg6[%get3A_419, %get3A_420, %get3A_421] {strides = array<i32>} : memref<2x48x512xi32, #tpu.memory_space<vmem>>, vector<16xi32>,
      %get3A_423 = arith.constant 1 : i32
      %get3A_424 = arith.index_cast %get3A_423 : i32 to index
      %get3A_425 = arith.index_cast %scan3A_348 : i32 to index
      %get3A_426 = arith.constant 240 : index
      %get3A_427 = tpu.vector_load %arg6[%get3A_424, %get3A_425, %get3A_426] {strides = array<i32>} : memref<2x48x512xi32, #tpu.memory_space<vmem>>, vector<16xi32>,
      %get3A_428 = arith.constant 1 : i32
      %get3A_429 = arith.index_cast %get3A_428 : i32 to index
      %get3A_430 = arith.index_cast %scan3A_348 : i32 to index
      %get3A_431 = arith.constant 256 : index
      %get3A_432 = tpu.vector_load %arg6[%get3A_429, %get3A_430, %get3A_431] {strides = array<i32>} : memref<2x48x512xi32, #tpu.memory_space<vmem>>, vector<16xi32>,
      %get3A_433 = arith.constant 1 : i32
      %get3A_434 = arith.index_cast %get3A_433 : i32 to index
      %get3A_435 = arith.index_cast %scan3A_348 : i32 to index
      %get3A_436 = arith.constant 272 : index
      %get3A_437 = tpu.vector_load %arg6[%get3A_434, %get3A_435, %get3A_436] {strides = array<i32>} : memref<2x48x512xi32, #tpu.memory_space<vmem>>, vector<16xi32>,
      %get3A_438 = arith.constant 1 : i32
      %get3A_439 = arith.index_cast %get3A_438 : i32 to index
      %get3A_440 = arith.index_cast %scan3A_348 : i32 to index
      %get3A_441 = arith.constant 288 : index
      %get3A_442 = tpu.vector_load %arg6[%get3A_439, %get3A_440, %get3A_441] {strides = array<i32>} : memref<2x48x512xi32, #tpu.memory_space<vmem>>, vector<16xi32>,
      %get3A_443 = arith.constant 1 : i32
      %get3A_444 = arith.index_cast %get3A_443 : i32 to index
      %get3A_445 = arith.index_cast %scan3A_348 : i32 to index
      %get3A_446 = arith.constant 304 : index
      %get3A_447 = tpu.vector_load %arg6[%get3A_444, %get3A_445, %get3A_446] {strides = array<i32>} : memref<2x48x512xi32, #tpu.memory_space<vmem>>, vector<16xi32>,
      %get3A_448 = arith.constant 1 : i32
      %get3A_449 = arith.index_cast %get3A_448 : i32 to index
      %get3A_450 = arith.index_cast %scan3A_348 : i32 to index
      %get3A_451 = arith.constant 320 : index
      %get3A_452 = tpu.vector_load %arg6[%get3A_449, %get3A_450, %get3A_451] {strides = array<i32>} : memref<2x48x512xi32, #tpu.memory_space<vmem>>, vector<16xi32>,
      %get3A_453 = arith.constant 1 : i32
      %get3A_454 = arith.index_cast %get3A_453 : i32 to index
      %get3A_455 = arith.index_cast %scan3A_348 : i32 to index
      %get3A_456 = arith.constant 336 : index
      %get3A_457 = tpu.vector_load %arg6[%get3A_454, %get3A_455, %get3A_456] {strides = array<i32>} : memref<2x48x512xi32, #tpu.memory_space<vmem>>, vector<16xi32>,
      %get3A_458 = arith.constant 1 : i32
      %get3A_459 = arith.index_cast %get3A_458 : i32 to index
      %get3A_460 = arith.index_cast %scan3A_348 : i32 to index
      %get3A_461 = arith.constant 352 : index
      %get3A_462 = tpu.vector_load %arg6[%get3A_459, %get3A_460, %get3A_461] {strides = array<i32>} : memref<2x48x512xi32, #tpu.memory_space<vmem>>, vector<16xi32>,
      %get3A_463 = arith.constant 1 : i32
      %get3A_464 = arith.index_cast %get3A_463 : i32 to index
      %get3A_465 = arith.index_cast %scan3A_348 : i32 to index
      %get3A_466 = arith.constant 368 : index
      %get3A_467 = tpu.vector_load %arg6[%get3A_464, %get3A_465, %get3A_466] {strides = array<i32>} : memref<2x48x512xi32, #tpu.memory_space<vmem>>, vector<16xi32>,
      %get3A_468 = arith.constant 1 : i32
      %get3A_469 = arith.index_cast %get3A_468 : i32 to index
      %get3A_470 = arith.index_cast %scan3A_348 : i32 to index
      %get3A_471 = arith.constant 384 : index
      %get3A_472 = tpu.vector_load %arg6[%get3A_469, %get3A_470, %get3A_471] {strides = array<i32>} : memref<2x48x512xi32, #tpu.memory_space<vmem>>, vector<16xi32>,
      %get3A_473 = arith.constant 1 : i32
      %get3A_474 = arith.index_cast %get3A_473 : i32 to index
      %get3A_475 = arith.index_cast %scan3A_348 : i32 to index
      %get3A_476 = arith.constant 400 : index
      %get3A_477 = tpu.vector_load %arg6[%get3A_474, %get3A_475, %get3A_476] {strides = array<i32>} : memref<2x48x512xi32, #tpu.memory_space<vmem>>, vector<16xi32>,
      %get3A_478 = arith.constant 1 : i32
      %get3A_479 = arith.index_cast %get3A_478 : i32 to index
      %get3A_480 = arith.index_cast %scan3A_348 : i32 to index
      %get3A_481 = arith.constant 416 : index
      %get3A_482 = tpu.vector_load %arg6[%get3A_479, %get3A_480, %get3A_481] {strides = array<i32>} : memref<2x48x512xi32, #tpu.memory_space<vmem>>, vector<16xi32>,
      %get3A_483 = arith.constant 1 : i32
      %get3A_484 = arith.index_cast %get3A_483 : i32 to index
      %get3A_485 = arith.index_cast %scan3A_348 : i32 to index
      %get3A_486 = arith.constant 432 : index
      %get3A_487 = tpu.vector_load %arg6[%get3A_484, %get3A_485, %get3A_486] {strides = array<i32>} : memref<2x48x512xi32, #tpu.memory_space<vmem>>, vector<16xi32>,
      %get3A_488 = arith.constant 1 : i32
      %get3A_489 = arith.index_cast %get3A_488 : i32 to index
      %get3A_490 = arith.index_cast %scan3A_348 : i32 to index
      %get3A_491 = arith.constant 448 : index
      %get3A_492 = tpu.vector_load %arg6[%get3A_489, %get3A_490, %get3A_491] {strides = array<i32>} : memref<2x48x512xi32, #tpu.memory_space<vmem>>, vector<16xi32>,
      %get3A_493 = arith.constant 1 : i32
      %get3A_494 = arith.index_cast %get3A_493 : i32 to index
      %get3A_495 = arith.index_cast %scan3A_348 : i32 to index
      %get3A_496 = arith.constant 464 : index
      %get3A_497 = tpu.vector_load %arg6[%get3A_494, %get3A_495, %get3A_496] {strides = array<i32>} : memref<2x48x512xi32, #tpu.memory_space<vmem>>, vector<16xi32>,
      %get3A_498 = arith.constant 1 : i32
      %get3A_499 = arith.index_cast %get3A_498 : i32 to index
      %get3A_500 = arith.index_cast %scan3A_348 : i32 to index
      %get3A_501 = arith.constant 480 : index
      %get3A_502 = tpu.vector_load %arg6[%get3A_499, %get3A_500, %get3A_501] {strides = array<i32>} : memref<2x48x512xi32, #tpu.memory_space<vmem>>, vector<16xi32>,
      %get3A_503 = arith.constant 1 : i32
      %get3A_504 = arith.index_cast %get3A_503 : i32 to index
      %get3A_505 = arith.index_cast %scan3A_348 : i32 to index
      %get3A_506 = arith.constant 496 : index
      %get3A_507 = tpu.vector_load %arg6[%get3A_504, %get3A_505, %get3A_506] {strides = array<i32>} : memref<2x48x512xi32, #tpu.memory_space<vmem>>, vector<16xi32>,
      %gather3A = tpu.vector_load_idx %arg5[%get3A_352] : memref<1000xf32, #tpu.memory_space<vmem>>[vector<16xi32>], vector<16xf32>,
      %gather3A_508 = tpu.vector_load_idx %arg5[%get3A_357] : memref<1000xf32, #tpu.memory_space<vmem>>[vector<16xi32>], vector<16xf32>,
      %gather3A_509 = tpu.vector_load_idx %arg5[%get3A_362] : memref<1000xf32, #tpu.memory_space<vmem>>[vector<16xi32>], vector<16xf32>,
      %gather3A_510 = tpu.vector_load_idx %arg5[%get3A_367] : memref<1000xf32, #tpu.memory_space<vmem>>[vector<16xi32>], vector<16xf32>,
      %gather3A_511 = tpu.vector_load_idx %arg5[%get3A_372] : memref<1000xf32, #tpu.memory_space<vmem>>[vector<16xi32>], vector<16xf32>,
      %gather3A_512 = tpu.vector_load_idx %arg5[%get3A_377] : memref<1000xf32, #tpu.memory_space<vmem>>[vector<16xi32>], vector<16xf32>,
      %gather3A_513 = tpu.vector_load_idx %arg5[%get3A_382] : memref<1000xf32, #tpu.memory_space<vmem>>[vector<16xi32>], vector<16xf32>,
      %gather3A_514 = tpu.vector_load_idx %arg5[%get3A_387] : memref<1000xf32, #tpu.memory_space<vmem>>[vector<16xi32>], vector<16xf32>,
      %gather3A_515 = tpu.vector_load_idx %arg5[%get3A_392] : memref<1000xf32, #tpu.memory_space<vmem>>[vector<16xi32>], vector<16xf32>,
      %gather3A_516 = tpu.vector_load_idx %arg5[%get3A_397] : memref<1000xf32, #tpu.memory_space<vmem>>[vector<16xi32>], vector<16xf32>,
      %gather3A_517 = tpu.vector_load_idx %arg5[%get3A_402] : memref<1000xf32, #tpu.memory_space<vmem>>[vector<16xi32>], vector<16xf32>,
      %gather3A_518 = tpu.vector_load_idx %arg5[%get3A_407] : memref<1000xf32, #tpu.memory_space<vmem>>[vector<16xi32>], vector<16xf32>,
      %gather3A_519 = tpu.vector_load_idx %arg5[%get3A_412] : memref<1000xf32, #tpu.memory_space<vmem>>[vector<16xi32>], vector<16xf32>,
      %gather3A_520 = tpu.vector_load_idx %arg5[%get3A_417] : memref<1000xf32, #tpu.memory_space<vmem>>[vector<16xi32>], vector<16xf32>,
      %gather3A_521 = tpu.vector_load_idx %arg5[%get3A_422] : memref<1000xf32, #tpu.memory_space<vmem>>[vector<16xi32>], vector<16xf32>,
      %gather3A_522 = tpu.vector_load_idx %arg5[%get3A_427] : memref<1000xf32, #tpu.memory_space<vmem>>[vector<16xi32>], vector<16xf32>,
      %gather3A_523 = tpu.vector_load_idx %arg5[%get3A_432] : memref<1000xf32, #tpu.memory_space<vmem>>[vector<16xi32>], vector<16xf32>,
      %gather3A_524 = tpu.vector_load_idx %arg5[%get3A_437] : memref<1000xf32, #tpu.memory_space<vmem>>[vector<16xi32>], vector<16xf32>,
      %gather3A_525 = tpu.vector_load_idx %arg5[%get3A_442] : memref<1000xf32, #tpu.memory_space<vmem>>[vector<16xi32>], vector<16xf32>,
      %gather3A_526 = tpu.vector_load_idx %arg5[%get3A_447] : memref<1000xf32, #tpu.memory_space<vmem>>[vector<16xi32>], vector<16xf32>,
      %gather3A_527 = tpu.vector_load_idx %arg5[%get3A_452] : memref<1000xf32, #tpu.memory_space<vmem>>[vector<16xi32>], vector<16xf32>,
      %gather3A_528 = tpu.vector_load_idx %arg5[%get3A_457] : memref<1000xf32, #tpu.memory_space<vmem>>[vector<16xi32>], vector<16xf32>,
      %gather3A_529 = tpu.vector_load_idx %arg5[%get3A_462] : memref<1000xf32, #tpu.memory_space<vmem>>[vector<16xi32>], vector<16xf32>,
      %gather3A_530 = tpu.vector_load_idx %arg5[%get3A_467] : memref<1000xf32, #tpu.memory_space<vmem>>[vector<16xi32>], vector<16xf32>,
      %gather3A_531 = tpu.vector_load_idx %arg5[%get3A_472] : memref<1000xf32, #tpu.memory_space<vmem>>[vector<16xi32>], vector<16xf32>,
      %gather3A_532 = tpu.vector_load_idx %arg5[%get3A_477] : memref<1000xf32, #tpu.memory_space<vmem>>[vector<16xi32>], vector<16xf32>,
      %gather3A_533 = tpu.vector_load_idx %arg5[%get3A_482] : memref<1000xf32, #tpu.memory_space<vmem>>[vector<16xi32>], vector<16xf32>,
      %gather3A_534 = tpu.vector_load_idx %arg5[%get3A_487] : memref<1000xf32, #tpu.memory_space<vmem>>[vector<16xi32>], vector<16xf32>,
      %gather3A_535 = tpu.vector_load_idx %arg5[%get3A_492] : memref<1000xf32, #tpu.memory_space<vmem>>[vector<16xi32>], vector<16xf32>,
      %gather3A_536 = tpu.vector_load_idx %arg5[%get3A_497] : memref<1000xf32, #tpu.memory_space<vmem>>[vector<16xi32>], vector<16xf32>,
      %gather3A_537 = tpu.vector_load_idx %arg5[%get3A_502] : memref<1000xf32, #tpu.memory_space<vmem>>[vector<16xi32>], vector<16xf32>,
      %gather3A_538 = tpu.vector_load_idx %arg5[%get3A_507] : memref<1000xf32, #tpu.memory_space<vmem>>[vector<16xi32>], vector<16xf32>,
      %swap3A = arith.constant 1 : i32
      %swap3A_539 = arith.index_cast %swap3A : i32 to index
      %swap3A_540 = arith.index_cast %scan3A_348 : i32 to index
      %swap3A_541 = arith.constant 0 : index
      %swap3A_542 = tpu.vector_load %arg7[%swap3A_539, %swap3A_540, %swap3A_541] {strides = array<i32>} : memref<2x48x512xf32, #tpu.memory_space<vmem>>, vector<16xf32>,
      tpu.vector_store %arg7[%swap3A_539, %swap3A_540, %swap3A_541], %gather3A {strides = array<i32>} : memref<2x48x512xf32, #tpu.memory_space<vmem>>, vector<16xf32>,
      %swap3A_543 = arith.constant 1 : i32
      %swap3A_544 = arith.index_cast %swap3A_543 : i32 to index
      %swap3A_545 = arith.index_cast %scan3A_348 : i32 to index
      %swap3A_546 = arith.constant 16 : index
      %swap3A_547 = tpu.vector_load %arg7[%swap3A_544, %swap3A_545, %swap3A_546] {strides = array<i32>} : memref<2x48x512xf32, #tpu.memory_space<vmem>>, vector<16xf32>,
      tpu.vector_store %arg7[%swap3A_544, %swap3A_545, %swap3A_546], %gather3A_508 {strides = array<i32>} : memref<2x48x512xf32, #tpu.memory_space<vmem>>, vector<16xf32>,
      %swap3A_548 = arith.constant 1 : i32
      %swap3A_549 = arith.index_cast %swap3A_548 : i32 to index
      %swap3A_550 = arith.index_cast %scan3A_348 : i32 to index
      %swap3A_551 = arith.constant 32 : index
      %swap3A_552 = tpu.vector_load %arg7[%swap3A_549, %swap3A_550, %swap3A_551] {strides = array<i32>} : memref<2x48x512xf32, #tpu.memory_space<vmem>>, vector<16xf32>,
      tpu.vector_store %arg7[%swap3A_549, %swap3A_550, %swap3A_551], %gather3A_509 {strides = array<i32>} : memref<2x48x512xf32, #tpu.memory_space<vmem>>, vector<16xf32>,
      %swap3A_553 = arith.constant 1 : i32
      %swap3A_554 = arith.index_cast %swap3A_553 : i32 to index
      %swap3A_555 = arith.index_cast %scan3A_348 : i32 to index
      %swap3A_556 = arith.constant 48 : index
      %swap3A_557 = tpu.vector_load %arg7[%swap3A_554, %swap3A_555, %swap3A_556] {strides = array<i32>} : memref<2x48x512xf32, #tpu.memory_space<vmem>>, vector<16xf32>,
      tpu.vector_store %arg7[%swap3A_554, %swap3A_555, %swap3A_556], %gather3A_510 {strides = array<i32>} : memref<2x48x512xf32, #tpu.memory_space<vmem>>, vector<16xf32>,
      %swap3A_558 = arith.constant 1 : i32
      %swap3A_559 = arith.index_cast %swap3A_558 : i32 to index
      %swap3A_560 = arith.index_cast %scan3A_348 : i32 to index
      %swap3A_561 = arith.constant 64 : index
      %swap3A_562 = tpu.vector_load %arg7[%swap3A_559, %swap3A_560, %swap3A_561] {strides = array<i32>} : memref<2x48x512xf32, #tpu.memory_space<vmem>>, vector<16xf32>,
      tpu.vector_store %arg7[%swap3A_559, %swap3A_560, %swap3A_561], %gather3A_511 {strides = array<i32>} : memref<2x48x512xf32, #tpu.memory_space<vmem>>, vector<16xf32>,
      %swap3A_563 = arith.constant 1 : i32
      %swap3A_564 = arith.index_cast %swap3A_563 : i32 to index
      %swap3A_565 = arith.index_cast %scan3A_348 : i32 to index
      %swap3A_566 = arith.constant 80 : index
      %swap3A_567 = tpu.vector_load %arg7[%swap3A_564, %swap3A_565, %swap3A_566] {strides = array<i32>} : memref<2x48x512xf32, #tpu.memory_space<vmem>>, vector<16xf32>,
      tpu.vector_store %arg7[%swap3A_564, %swap3A_565, %swap3A_566], %gather3A_512 {strides = array<i32>} : memref<2x48x512xf32, #tpu.memory_space<vmem>>, vector<16xf32>,
      %swap3A_568 = arith.constant 1 : i32
      %swap3A_569 = arith.index_cast %swap3A_568 : i32 to index
      %swap3A_570 = arith.index_cast %scan3A_348 : i32 to index
      %swap3A_571 = arith.constant 96 : index
      %swap3A_572 = tpu.vector_load %arg7[%swap3A_569, %swap3A_570, %swap3A_571] {strides = array<i32>} : memref<2x48x512xf32, #tpu.memory_space<vmem>>, vector<16xf32>,
      tpu.vector_store %arg7[%swap3A_569, %swap3A_570, %swap3A_571], %gather3A_513 {strides = array<i32>} : memref<2x48x512xf32, #tpu.memory_space<vmem>>, vector<16xf32>,
      %swap3A_573 = arith.constant 1 : i32
      %swap3A_574 = arith.index_cast %swap3A_573 : i32 to index
      %swap3A_575 = arith.index_cast %scan3A_348 : i32 to index
      %swap3A_576 = arith.constant 112 : index
      %swap3A_577 = tpu.vector_load %arg7[%swap3A_574, %swap3A_575, %swap3A_576] {strides = array<i32>} : memref<2x48x512xf32, #tpu.memory_space<vmem>>, vector<16xf32>,
      tpu.vector_store %arg7[%swap3A_574, %swap3A_575, %swap3A_576], %gather3A_514 {strides = array<i32>} : memref<2x48x512xf32, #tpu.memory_space<vmem>>, vector<16xf32>,
      %swap3A_578 = arith.constant 1 : i32
      %swap3A_579 = arith.index_cast %swap3A_578 : i32 to index
      %swap3A_580 = arith.index_cast %scan3A_348 : i32 to index
      %swap3A_581 = arith.constant 128 : index
      %swap3A_582 = tpu.vector_load %arg7[%swap3A_579, %swap3A_580, %swap3A_581] {strides = array<i32>} : memref<2x48x512xf32, #tpu.memory_space<vmem>>, vector<16xf32>,
      tpu.vector_store %arg7[%swap3A_579, %swap3A_580, %swap3A_581], %gather3A_515 {strides = array<i32>} : memref<2x48x512xf32, #tpu.memory_space<vmem>>, vector<16xf32>,
      %swap3A_583 = arith.constant 1 : i32
      %swap3A_584 = arith.index_cast %swap3A_583 : i32 to index
      %swap3A_585 = arith.index_cast %scan3A_348 : i32 to index
      %swap3A_586 = arith.constant 144 : index
      %swap3A_587 = tpu.vector_load %arg7[%swap3A_584, %swap3A_585, %swap3A_586] {strides = array<i32>} : memref<2x48x512xf32, #tpu.memory_space<vmem>>, vector<16xf32>,
      tpu.vector_store %arg7[%swap3A_584, %swap3A_585, %swap3A_586], %gather3A_516 {strides = array<i32>} : memref<2x48x512xf32, #tpu.memory_space<vmem>>, vector<16xf32>,
      %swap3A_588 = arith.constant 1 : i32
      %swap3A_589 = arith.index_cast %swap3A_588 : i32 to index
      %swap3A_590 = arith.index_cast %scan3A_348 : i32 to index
      %swap3A_591 = arith.constant 160 : index
      %swap3A_592 = tpu.vector_load %arg7[%swap3A_589, %swap3A_590, %swap3A_591] {strides = array<i32>} : memref<2x48x512xf32, #tpu.memory_space<vmem>>, vector<16xf32>,
      tpu.vector_store %arg7[%swap3A_589, %swap3A_590, %swap3A_591], %gather3A_517 {strides = array<i32>} : memref<2x48x512xf32, #tpu.memory_space<vmem>>, vector<16xf32>,
      %swap3A_593 = arith.constant 1 : i32
      %swap3A_594 = arith.index_cast %swap3A_593 : i32 to index
      %swap3A_595 = arith.index_cast %scan3A_348 : i32 to index
      %swap3A_596 = arith.constant 176 : index
      %swap3A_597 = tpu.vector_load %arg7[%swap3A_594, %swap3A_595, %swap3A_596] {strides = array<i32>} : memref<2x48x512xf32, #tpu.memory_space<vmem>>, vector<16xf32>,
      tpu.vector_store %arg7[%swap3A_594, %swap3A_595, %swap3A_596], %gather3A_518 {strides = array<i32>} : memref<2x48x512xf32, #tpu.memory_space<vmem>>, vector<16xf32>,
      %swap3A_598 = arith.constant 1 : i32
      %swap3A_599 = arith.index_cast %swap3A_598 : i32 to index
      %swap3A_600 = arith.index_cast %scan3A_348 : i32 to index
      %swap3A_601 = arith.constant 192 : index
      %swap3A_602 = tpu.vector_load %arg7[%swap3A_599, %swap3A_600, %swap3A_601] {strides = array<i32>} : memref<2x48x512xf32, #tpu.memory_space<vmem>>, vector<16xf32>,
      tpu.vector_store %arg7[%swap3A_599, %swap3A_600, %swap3A_601], %gather3A_519 {strides = array<i32>} : memref<2x48x512xf32, #tpu.memory_space<vmem>>, vector<16xf32>,
      %swap3A_603 = arith.constant 1 : i32
      %swap3A_604 = arith.index_cast %swap3A_603 : i32 to index
      %swap3A_605 = arith.index_cast %scan3A_348 : i32 to index
      %swap3A_606 = arith.constant 208 : index
      %swap3A_607 = tpu.vector_load %arg7[%swap3A_604, %swap3A_605, %swap3A_606] {strides = array<i32>} : memref<2x48x512xf32, #tpu.memory_space<vmem>>, vector<16xf32>,
      tpu.vector_store %arg7[%swap3A_604, %swap3A_605, %swap3A_606], %gather3A_520 {strides = array<i32>} : memref<2x48x512xf32, #tpu.memory_space<vmem>>, vector<16xf32>,
      %swap3A_608 = arith.constant 1 : i32
      %swap3A_609 = arith.index_cast %swap3A_608 : i32 to index
      %swap3A_610 = arith.index_cast %scan3A_348 : i32 to index
      %swap3A_611 = arith.constant 224 : index
      %swap3A_612 = tpu.vector_load %arg7[%swap3A_609, %swap3A_610, %swap3A_611] {strides = array<i32>} : memref<2x48x512xf32, #tpu.memory_space<vmem>>, vector<16xf32>,
      tpu.vector_store %arg7[%swap3A_609, %swap3A_610, %swap3A_611], %gather3A_521 {strides = array<i32>} : memref<2x48x512xf32, #tpu.memory_space<vmem>>, vector<16xf32>,
      %swap3A_613 = arith.constant 1 : i32
      %swap3A_614 = arith.index_cast %swap3A_613 : i32 to index
      %swap3A_615 = arith.index_cast %scan3A_348 : i32 to index
      %swap3A_616 = arith.constant 240 : index
      %swap3A_617 = tpu.vector_load %arg7[%swap3A_614, %swap3A_615, %swap3A_616] {strides = array<i32>} : memref<2x48x512xf32, #tpu.memory_space<vmem>>, vector<16xf32>,
      tpu.vector_store %arg7[%swap3A_614, %swap3A_615, %swap3A_616], %gather3A_522 {strides = array<i32>} : memref<2x48x512xf32, #tpu.memory_space<vmem>>, vector<16xf32>,
      %swap3A_618 = arith.constant 1 : i32
      %swap3A_619 = arith.index_cast %swap3A_618 : i32 to index
      %swap3A_620 = arith.index_cast %scan3A_348 : i32 to index
      %swap3A_621 = arith.constant 256 : index
      %swap3A_622 = tpu.vector_load %arg7[%swap3A_619, %swap3A_620, %swap3A_621] {strides = array<i32>} : memref<2x48x512xf32, #tpu.memory_space<vmem>>, vector<16xf32>,
      tpu.vector_store %arg7[%swap3A_619, %swap3A_620, %swap3A_621], %gather3A_523 {strides = array<i32>} : memref<2x48x512xf32, #tpu.memory_space<vmem>>, vector<16xf32>,
      %swap3A_623 = arith.constant 1 : i32
      %swap3A_624 = arith.index_cast %swap3A_623 : i32 to index
      %swap3A_625 = arith.index_cast %scan3A_348 : i32 to index
      %swap3A_626 = arith.constant 272 : index
      %swap3A_627 = tpu.vector_load %arg7[%swap3A_624, %swap3A_625, %swap3A_626] {strides = array<i32>} : memref<2x48x512xf32, #tpu.memory_space<vmem>>, vector<16xf32>,
      tpu.vector_store %arg7[%swap3A_624, %swap3A_625, %swap3A_626], %gather3A_524 {strides = array<i32>} : memref<2x48x512xf32, #tpu.memory_space<vmem>>, vector<16xf32>,
      %swap3A_628 = arith.constant 1 : i32
      %swap3A_629 = arith.index_cast %swap3A_628 : i32 to index
      %swap3A_630 = arith.index_cast %scan3A_348 : i32 to index
      %swap3A_631 = arith.constant 288 : index
      %swap3A_632 = tpu.vector_load %arg7[%swap3A_629, %swap3A_630, %swap3A_631] {strides = array<i32>} : memref<2x48x512xf32, #tpu.memory_space<vmem>>, vector<16xf32>,
      tpu.vector_store %arg7[%swap3A_629, %swap3A_630, %swap3A_631], %gather3A_525 {strides = array<i32>} : memref<2x48x512xf32, #tpu.memory_space<vmem>>, vector<16xf32>,
      %swap3A_633 = arith.constant 1 : i32
      %swap3A_634 = arith.index_cast %swap3A_633 : i32 to index
      %swap3A_635 = arith.index_cast %scan3A_348 : i32 to index
      %swap3A_636 = arith.constant 304 : index
      %swap3A_637 = tpu.vector_load %arg7[%swap3A_634, %swap3A_635, %swap3A_636] {strides = array<i32>} : memref<2x48x512xf32, #tpu.memory_space<vmem>>, vector<16xf32>,
      tpu.vector_store %arg7[%swap3A_634, %swap3A_635, %swap3A_636], %gather3A_526 {strides = array<i32>} : memref<2x48x512xf32, #tpu.memory_space<vmem>>, vector<16xf32>,
      %swap3A_638 = arith.constant 1 : i32
      %swap3A_639 = arith.index_cast %swap3A_638 : i32 to index
      %swap3A_640 = arith.index_cast %scan3A_348 : i32 to index
      %swap3A_641 = arith.constant 320 : index
      %swap3A_642 = tpu.vector_load %arg7[%swap3A_639, %swap3A_640, %swap3A_641] {strides = array<i32>} : memref<2x48x512xf32, #tpu.memory_space<vmem>>, vector<16xf32>,
      tpu.vector_store %arg7[%swap3A_639, %swap3A_640, %swap3A_641], %gather3A_527 {strides = array<i32>} : memref<2x48x512xf32, #tpu.memory_space<vmem>>, vector<16xf32>,
      %swap3A_643 = arith.constant 1 : i32
      %swap3A_644 = arith.index_cast %swap3A_643 : i32 to index
      %swap3A_645 = arith.index_cast %scan3A_348 : i32 to index
      %swap3A_646 = arith.constant 336 : index
      %swap3A_647 = tpu.vector_load %arg7[%swap3A_644, %swap3A_645, %swap3A_646] {strides = array<i32>} : memref<2x48x512xf32, #tpu.memory_space<vmem>>, vector<16xf32>,
      tpu.vector_store %arg7[%swap3A_644, %swap3A_645, %swap3A_646], %gather3A_528 {strides = array<i32>} : memref<2x48x512xf32, #tpu.memory_space<vmem>>, vector<16xf32>,
      %swap3A_648 = arith.constant 1 : i32
      %swap3A_649 = arith.index_cast %swap3A_648 : i32 to index
      %swap3A_650 = arith.index_cast %scan3A_348 : i32 to index
      %swap3A_651 = arith.constant 352 : index
      %swap3A_652 = tpu.vector_load %arg7[%swap3A_649, %swap3A_650, %swap3A_651] {strides = array<i32>} : memref<2x48x512xf32, #tpu.memory_space<vmem>>, vector<16xf32>,
      tpu.vector_store %arg7[%swap3A_649, %swap3A_650, %swap3A_651], %gather3A_529 {strides = array<i32>} : memref<2x48x512xf32, #tpu.memory_space<vmem>>, vector<16xf32>,
      %swap3A_653 = arith.constant 1 : i32
      %swap3A_654 = arith.index_cast %swap3A_653 : i32 to index
      %swap3A_655 = arith.index_cast %scan3A_348 : i32 to index
      %swap3A_656 = arith.constant 368 : index
      %swap3A_657 = tpu.vector_load %arg7[%swap3A_654, %swap3A_655, %swap3A_656] {strides = array<i32>} : memref<2x48x512xf32, #tpu.memory_space<vmem>>, vector<16xf32>,
      tpu.vector_store %arg7[%swap3A_654, %swap3A_655, %swap3A_656], %gather3A_530 {strides = array<i32>} : memref<2x48x512xf32, #tpu.memory_space<vmem>>, vector<16xf32>,
      %swap3A_658 = arith.constant 1 : i32
      %swap3A_659 = arith.index_cast %swap3A_658 : i32 to index
      %swap3A_660 = arith.index_cast %scan3A_348 : i32 to index
      %swap3A_661 = arith.constant 384 : index
      %swap3A_662 = tpu.vector_load %arg7[%swap3A_659, %swap3A_660, %swap3A_661] {strides = array<i32>} : memref<2x48x512xf32, #tpu.memory_space<vmem>>, vector<16xf32>,
      tpu.vector_store %arg7[%swap3A_659, %swap3A_660, %swap3A_661], %gather3A_531 {strides = array<i32>} : memref<2x48x512xf32, #tpu.memory_space<vmem>>, vector<16xf32>,
      %swap3A_663 = arith.constant 1 : i32
      %swap3A_664 = arith.index_cast %swap3A_663 : i32 to index
      %swap3A_665 = arith.index_cast %scan3A_348 : i32 to index
      %swap3A_666 = arith.constant 400 : index
      %swap3A_667 = tpu.vector_load %arg7[%swap3A_664, %swap3A_665, %swap3A_666] {strides = array<i32>} : memref<2x48x512xf32, #tpu.memory_space<vmem>>, vector<16xf32>,
      tpu.vector_store %arg7[%swap3A_664, %swap3A_665, %swap3A_666], %gather3A_532 {strides = array<i32>} : memref<2x48x512xf32, #tpu.memory_space<vmem>>, vector<16xf32>,
      %swap3A_668 = arith.constant 1 : i32
      %swap3A_669 = arith.index_cast %swap3A_668 : i32 to index
      %swap3A_670 = arith.index_cast %scan3A_348 : i32 to index
      %swap3A_671 = arith.constant 416 : index
      %swap3A_672 = tpu.vector_load %arg7[%swap3A_669, %swap3A_670, %swap3A_671] {strides = array<i32>} : memref<2x48x512xf32, #tpu.memory_space<vmem>>, vector<16xf32>,
      tpu.vector_store %arg7[%swap3A_669, %swap3A_670, %swap3A_671], %gather3A_533 {strides = array<i32>} : memref<2x48x512xf32, #tpu.memory_space<vmem>>, vector<16xf32>,
      %swap3A_673 = arith.constant 1 : i32
      %swap3A_674 = arith.index_cast %swap3A_673 : i32 to index
      %swap3A_675 = arith.index_cast %scan3A_348 : i32 to index
      %swap3A_676 = arith.constant 432 : index
      %swap3A_677 = tpu.vector_load %arg7[%swap3A_674, %swap3A_675, %swap3A_676] {strides = array<i32>} : memref<2x48x512xf32, #tpu.memory_space<vmem>>, vector<16xf32>,
      tpu.vector_store %arg7[%swap3A_674, %swap3A_675, %swap3A_676], %gather3A_534 {strides = array<i32>} : memref<2x48x512xf32, #tpu.memory_space<vmem>>, vector<16xf32>,
      %swap3A_678 = arith.constant 1 : i32
      %swap3A_679 = arith.index_cast %swap3A_678 : i32 to index
      %swap3A_680 = arith.index_cast %scan3A_348 : i32 to index
      %swap3A_681 = arith.constant 448 : index
      %swap3A_682 = tpu.vector_load %arg7[%swap3A_679, %swap3A_680, %swap3A_681] {strides = array<i32>} : memref<2x48x512xf32, #tpu.memory_space<vmem>>, vector<16xf32>,
      tpu.vector_store %arg7[%swap3A_679, %swap3A_680, %swap3A_681], %gather3A_535 {strides = array<i32>} : memref<2x48x512xf32, #tpu.memory_space<vmem>>, vector<16xf32>,
      %swap3A_683 = arith.constant 1 : i32
      %swap3A_684 = arith.index_cast %swap3A_683 : i32 to index
      %swap3A_685 = arith.index_cast %scan3A_348 : i32 to index
      %swap3A_686 = arith.constant 464 : index
      %swap3A_687 = tpu.vector_load %arg7[%swap3A_684, %swap3A_685, %swap3A_686] {strides = array<i32>} : memref<2x48x512xf32, #tpu.memory_space<vmem>>, vector<16xf32>,
      tpu.vector_store %arg7[%swap3A_684, %swap3A_685, %swap3A_686], %gather3A_536 {strides = array<i32>} : memref<2x48x512xf32, #tpu.memory_space<vmem>>, vector<16xf32>,
      %swap3A_688 = arith.constant 1 : i32
      %swap3A_689 = arith.index_cast %swap3A_688 : i32 to index
      %swap3A_690 = arith.index_cast %scan3A_348 : i32 to index
      %swap3A_691 = arith.constant 480 : index
      %swap3A_692 = tpu.vector_load %arg7[%swap3A_689, %swap3A_690, %swap3A_691] {strides = array<i32>} : memref<2x48x512xf32, #tpu.memory_space<vmem>>, vector<16xf32>,
      tpu.vector_store %arg7[%swap3A_689, %swap3A_690, %swap3A_691], %gather3A_537 {strides = array<i32>} : memref<2x48x512xf32, #tpu.memory_space<vmem>>, vector<16xf32>,
      %swap3A_693 = arith.constant 1 : i32
      %swap3A_694 = arith.index_cast %swap3A_693 : i32 to index
      %swap3A_695 = arith.index_cast %scan3A_348 : i32 to index
      %swap3A_696 = arith.constant 496 : index
      %swap3A_697 = tpu.vector_load %arg7[%swap3A_694, %swap3A_695, %swap3A_696] {strides = array<i32>} : memref<2x48x512xf32, #tpu.memory_space<vmem>>, vector<16xf32>,
      tpu.vector_store %arg7[%swap3A_694, %swap3A_695, %swap3A_696], %gather3A_538 {strides = array<i32>} : memref<2x48x512xf32, #tpu.memory_space<vmem>>, vector<16xf32>,
    }
    %scan3A_89 = arith.constant 48 : i32
    %dma_start3A_90 = arith.constant 1 : i32
    %dma_start3A_91 = arith.constant 0 : i32
    %dma_start3A_92 = arith.constant 0 : i32
    %dma_start3A_93 = tpu.memref_slice %arg7[%dma_start3A_90, %dma_start3A_91, %dma_start3A_92] : memref<2x48x512xf32, #tpu.memory_space<vmem>> -> memref<1x48x512xf32, #tpu.memory_space<vmem>>
    %dma_start3A_94 = tpu.memref_squeeze %dma_start3A_93 : memref<1x48x512xf32, #tpu.memory_space<vmem>> -> memref<48x512xf32, #tpu.memory_space<vmem>>
    %dma_start3A_95 = arith.constant 8 : i32
    %dma_start3A_96 = tpu.memref_slice %arg4[%dma_start3A_95, %mul3A_2] : memref<200x16384xf32, #tpu.memory_space<hbm>> -> memref<48x512xf32, #tpu.memory_space<hbm>>
    %dma_start3A_97 = arith.constant 8 : i32
    %dma_start3A_98 = tpu.memref_slice %arg4[%dma_start3A_97, %mul3A_2] : memref<200x16384xf32, #tpu.memory_space<hbm>> -> memref<48x512xf32, #tpu.memory_space<hbm>>
    %dma_start3A_99 = arith.constant 0 : i32
    %dma_start3A_100 = arith.constant 0 : i32
    %dma_start3A_101 = tpu.memref_slice %arg7[%dma_start3A_90, %dma_start3A_99, %dma_start3A_100] : memref<2x48x512xf32, #tpu.memory_space<vmem>> -> memref<1x48x512xf32, #tpu.memory_space<vmem>>
    %dma_start3A_102 = tpu.memref_squeeze %dma_start3A_101 : memref<1x48x512xf32, #tpu.memory_space<vmem>> -> memref<48x512xf32, #tpu.memory_space<vmem>>
    tpu.enqueue_dma source(%dma_start3A_102 : memref<48x512xf32, #tpu.memory_space<vmem>>) target(%dma_start3A_98 : memref<48x512xf32, #tpu.memory_space<hbm>>) target_semaphore(%arg11 : memref<!tpu.dma_semaphore, #tpu.memory_space<semaphore_mem>>)
    %dma_start3A_103 = arith.constant 1 : i32
    %dma_start3A_104 = arith.constant 0 : i32
    %dma_start3A_105 = arith.constant 0 : i32
    %dma_start3A_106 = tpu.memref_slice %arg6[%dma_start3A_103, %dma_start3A_104, %dma_start3A_105] : memref<2x48x512xi32, #tpu.memory_space<vmem>> -> memref<1x48x512xi32, #tpu.memory_space<vmem>>
    %dma_start3A_107 = tpu.memref_squeeze %dma_start3A_106 : memref<1x48x512xi32, #tpu.memory_space<vmem>> -> memref<48x512xi32, #tpu.memory_space<vmem>>
    %dma_start3A_108 = arith.constant 104 : i32
    %dma_start3A_109 = tpu.memref_slice %arg2[%dma_start3A_108, %mul3A_2] : memref<200x16384xi32, #tpu.memory_space<hbm>> -> memref<48x512xi32, #tpu.memory_space<hbm>>
    %dma_start3A_110 = arith.constant 0 : i32
    %dma_start3A_111 = arith.constant 0 : i32
    %dma_start3A_112 = tpu.memref_slice %arg6[%dma_start3A_103, %dma_start3A_110, %dma_start3A_111] : memref<2x48x512xi32, #tpu.memory_space<vmem>> -> memref<1x48x512xi32, #tpu.memory_space<vmem>>
    %dma_start3A_113 = tpu.memref_squeeze %dma_start3A_112 : memref<1x48x512xi32, #tpu.memory_space<vmem>> -> memref<48x512xi32, #tpu.memory_space<vmem>>
    %dma_start3A_114 = arith.constant 104 : i32
    %dma_start3A_115 = tpu.memref_slice %arg2[%dma_start3A_114, %mul3A_2] : memref<200x16384xi32, #tpu.memory_space<hbm>> -> memref<48x512xi32, #tpu.memory_space<hbm>>
    tpu.enqueue_dma source(%dma_start3A_115 : memref<48x512xi32, #tpu.memory_space<hbm>>) target(%dma_start3A_113 : memref<48x512xi32, #tpu.memory_space<vmem>>) target_semaphore(%arg9 : memref<!tpu.dma_semaphore, #tpu.memory_space<semaphore_mem>>)
    %dma_wait3A_116 = arith.constant 0 : i32
    %dma_wait3A_117 = arith.constant 0 : i32
    %dma_wait3A_118 = arith.constant 0 : i32
    %dma_wait3A_119 = tpu.memref_slice %arg6[%dma_wait3A_116, %dma_wait3A_117, %dma_wait3A_118] : memref<2x48x512xi32, #tpu.memory_space<vmem>> -> memref<1x48x512xi32, #tpu.memory_space<vmem>>
    %dma_wait3A_120 = tpu.memref_squeeze %dma_wait3A_119 : memref<1x48x512xi32, #tpu.memory_space<vmem>> -> memref<48x512xi32, #tpu.memory_space<vmem>>
    %dma_wait3A_121 = arith.constant 56 : i32
    %dma_wait3A_122 = tpu.memref_slice %arg2[%dma_wait3A_121, %mul3A_2] : memref<200x16384xi32, #tpu.memory_space<hbm>> -> memref<48x512xi32, #tpu.memory_space<hbm>>
    %dma_wait3A_123 = arith.constant 0 : i32
    %dma_wait3A_124 = arith.constant 0 : i32
    %dma_wait3A_125 = tpu.memref_slice %arg6[%dma_wait3A_116, %dma_wait3A_123, %dma_wait3A_124] : memref<2x48x512xi32, #tpu.memory_space<vmem>> -> memref<1x48x512xi32, #tpu.memory_space<vmem>>
    %dma_wait3A_126 = tpu.memref_squeeze %dma_wait3A_125 : memref<1x48x512xi32, #tpu.memory_space<vmem>> -> memref<48x512xi32, #tpu.memory_space<vmem>>
    %dma_wait3A_127 = arith.constant 56 : i32
    %dma_wait3A_128 = tpu.memref_slice %arg2[%dma_wait3A_127, %mul3A_2] : memref<200x16384xi32, #tpu.memory_space<hbm>> -> memref<48x512xi32, #tpu.memory_space<hbm>>
    tpu.wait_dma2 semaphore(%arg8 : memref<!tpu.dma_semaphore, #tpu.memory_space<semaphore_mem>>) src(%dma_wait3A_128 : memref<48x512xi32, #tpu.memory_space<hbm>>) dst(%dma_wait3A_126 : memref<48x512xi32, #tpu.memory_space<vmem>>)
    %dma_wait3A_129 = arith.constant 0 : i32
    %dma_wait3A_130 = arith.constant 0 : i32
    %dma_wait3A_131 = arith.constant 0 : i32
    %dma_wait3A_132 = tpu.memref_slice %arg7[%dma_wait3A_129, %dma_wait3A_130, %dma_wait3A_131] : memref<2x48x512xf32, #tpu.memory_space<vmem>> -> memref<1x8x512xf32, #tpu.memory_space<vmem>>
    %dma_wait3A_133 = tpu.memref_squeeze %dma_wait3A_132 : memref<1x8x512xf32, #tpu.memory_space<vmem>> -> memref<8x512xf32, #tpu.memory_space<vmem>>
    %dma_wait3A_134 = arith.constant 0 : i32
    %dma_wait3A_135 = tpu.memref_slice %arg4[%dma_wait3A_134, %mul3A_2] : memref<200x16384xf32, #tpu.memory_space<hbm>> -> memref<8x512xf32, #tpu.memory_space<hbm>>
    %dma_wait3A_136 = arith.constant 0 : i32
    %dma_wait3A_137 = tpu.memref_slice %arg4[%dma_wait3A_136, %mul3A_2] : memref<200x16384xf32, #tpu.memory_space<hbm>> -> memref<8x512xf32, #tpu.memory_space<hbm>>
    %dma_wait3A_138 = arith.constant 0 : i32
    %dma_wait3A_139 = arith.constant 0 : i32
    %dma_wait3A_140 = tpu.memref_slice %arg7[%dma_wait3A_129, %dma_wait3A_138, %dma_wait3A_139] : memref<2x48x512xf32, #tpu.memory_space<vmem>> -> memref<1x8x512xf32, #tpu.memory_space<vmem>>
    %dma_wait3A_141 = tpu.memref_squeeze %dma_wait3A_140 : memref<1x8x512xf32, #tpu.memory_space<vmem>> -> memref<8x512xf32, #tpu.memory_space<vmem>>
    tpu.wait_dma2 semaphore(%arg10 : memref<!tpu.dma_semaphore, #tpu.memory_space<semaphore_mem>>) src(%dma_wait3A_141 : memref<8x512xf32, #tpu.memory_space<vmem>>) dst(%dma_wait3A_137 : memref<8x512xf32, #tpu.memory_space<hbm>>)
    %scan3A_142 = arith.constant 0 : i32
    %scan3A_143 = arith.constant 0 : i32
    %scan3A_144 = arith.constant 48 : i32
    %scan3A_145 = arith.addi %scan3A_143, %scan3A_144 : i32
    %scan3A_146 = arith.constant 1 : i32
    scf.for %scan3A_348 = %scan3A_143 to %scan3A_145 step %scan3A_146  : i32 {
      %get3A = arith.constant 0 : i32
      %get3A_349 = arith.index_cast %get3A : i32 to index
      %get3A_350 = arith.index_cast %scan3A_348 : i32 to index
      %get3A_351 = arith.constant 0 : index
      %get3A_352 = tpu.vector_load %arg6[%get3A_349, %get3A_350, %get3A_351] {strides = array<i32>} : memref<2x48x512xi32, #tpu.memory_space<vmem>>, vector<16xi32>,
      %get3A_353 = arith.constant 0 : i32
      %get3A_354 = arith.index_cast %get3A_353 : i32 to index
      %get3A_355 = arith.index_cast %scan3A_348 : i32 to index
      %get3A_356 = arith.constant 16 : index
      %get3A_357 = tpu.vector_load %arg6[%get3A_354, %get3A_355, %get3A_356] {strides = array<i32>} : memref<2x48x512xi32, #tpu.memory_space<vmem>>, vector<16xi32>,
      %get3A_358 = arith.constant 0 : i32
      %get3A_359 = arith.index_cast %get3A_358 : i32 to index
      %get3A_360 = arith.index_cast %scan3A_348 : i32 to index
      %get3A_361 = arith.constant 32 : index
      %get3A_362 = tpu.vector_load %arg6[%get3A_359, %get3A_360, %get3A_361] {strides = array<i32>} : memref<2x48x512xi32, #tpu.memory_space<vmem>>, vector<16xi32>,
      %get3A_363 = arith.constant 0 : i32
      %get3A_364 = arith.index_cast %get3A_363 : i32 to index
      %get3A_365 = arith.index_cast %scan3A_348 : i32 to index
      %get3A_366 = arith.constant 48 : index
      %get3A_367 = tpu.vector_load %arg6[%get3A_364, %get3A_365, %get3A_366] {strides = array<i32>} : memref<2x48x512xi32, #tpu.memory_space<vmem>>, vector<16xi32>,
      %get3A_368 = arith.constant 0 : i32
      %get3A_369 = arith.index_cast %get3A_368 : i32 to index
      %get3A_370 = arith.index_cast %scan3A_348 : i32 to index
      %get3A_371 = arith.constant 64 : index
      %get3A_372 = tpu.vector_load %arg6[%get3A_369, %get3A_370, %get3A_371] {strides = array<i32>} : memref<2x48x512xi32, #tpu.memory_space<vmem>>, vector<16xi32>,
      %get3A_373 = arith.constant 0 : i32
      %get3A_374 = arith.index_cast %get3A_373 : i32 to index
      %get3A_375 = arith.index_cast %scan3A_348 : i32 to index
      %get3A_376 = arith.constant 80 : index
      %get3A_377 = tpu.vector_load %arg6[%get3A_374, %get3A_375, %get3A_376] {strides = array<i32>} : memref<2x48x512xi32, #tpu.memory_space<vmem>>, vector<16xi32>,
      %get3A_378 = arith.constant 0 : i32
      %get3A_379 = arith.index_cast %get3A_378 : i32 to index
      %get3A_380 = arith.index_cast %scan3A_348 : i32 to index
      %get3A_381 = arith.constant 96 : index
      %get3A_382 = tpu.vector_load %arg6[%get3A_379, %get3A_380, %get3A_381] {strides = array<i32>} : memref<2x48x512xi32, #tpu.memory_space<vmem>>, vector<16xi32>,
      %get3A_383 = arith.constant 0 : i32
      %get3A_384 = arith.index_cast %get3A_383 : i32 to index
      %get3A_385 = arith.index_cast %scan3A_348 : i32 to index
      %get3A_386 = arith.constant 112 : index
      %get3A_387 = tpu.vector_load %arg6[%get3A_384, %get3A_385, %get3A_386] {strides = array<i32>} : memref<2x48x512xi32, #tpu.memory_space<vmem>>, vector<16xi32>,
      %get3A_388 = arith.constant 0 : i32
      %get3A_389 = arith.index_cast %get3A_388 : i32 to index
      %get3A_390 = arith.index_cast %scan3A_348 : i32 to index
      %get3A_391 = arith.constant 128 : index
      %get3A_392 = tpu.vector_load %arg6[%get3A_389, %get3A_390, %get3A_391] {strides = array<i32>} : memref<2x48x512xi32, #tpu.memory_space<vmem>>, vector<16xi32>,
      %get3A_393 = arith.constant 0 : i32
      %get3A_394 = arith.index_cast %get3A_393 : i32 to index
      %get3A_395 = arith.index_cast %scan3A_348 : i32 to index
      %get3A_396 = arith.constant 144 : index
      %get3A_397 = tpu.vector_load %arg6[%get3A_394, %get3A_395, %get3A_396] {strides = array<i32>} : memref<2x48x512xi32, #tpu.memory_space<vmem>>, vector<16xi32>,
      %get3A_398 = arith.constant 0 : i32
      %get3A_399 = arith.index_cast %get3A_398 : i32 to index
      %get3A_400 = arith.index_cast %scan3A_348 : i32 to index
      %get3A_401 = arith.constant 160 : index
      %get3A_402 = tpu.vector_load %arg6[%get3A_399, %get3A_400, %get3A_401] {strides = array<i32>} : memref<2x48x512xi32, #tpu.memory_space<vmem>>, vector<16xi32>,
      %get3A_403 = arith.constant 0 : i32
      %get3A_404 = arith.index_cast %get3A_403 : i32 to index
      %get3A_405 = arith.index_cast %scan3A_348 : i32 to index
      %get3A_406 = arith.constant 176 : index
      %get3A_407 = tpu.vector_load %arg6[%get3A_404, %get3A_405, %get3A_406] {strides = array<i32>} : memref<2x48x512xi32, #tpu.memory_space<vmem>>, vector<16xi32>,
      %get3A_408 = arith.constant 0 : i32
      %get3A_409 = arith.index_cast %get3A_408 : i32 to index
      %get3A_410 = arith.index_cast %scan3A_348 : i32 to index
      %get3A_411 = arith.constant 192 : index
      %get3A_412 = tpu.vector_load %arg6[%get3A_409, %get3A_410, %get3A_411] {strides = array<i32>} : memref<2x48x512xi32, #tpu.memory_space<vmem>>, vector<16xi32>,
      %get3A_413 = arith.constant 0 : i32
      %get3A_414 = arith.index_cast %get3A_413 : i32 to index
      %get3A_415 = arith.index_cast %scan3A_348 : i32 to index
      %get3A_416 = arith.constant 208 : index
      %get3A_417 = tpu.vector_load %arg6[%get3A_414, %get3A_415, %get3A_416] {strides = array<i32>} : memref<2x48x512xi32, #tpu.memory_space<vmem>>, vector<16xi32>,
      %get3A_418 = arith.constant 0 : i32
      %get3A_419 = arith.index_cast %get3A_418 : i32 to index
      %get3A_420 = arith.index_cast %scan3A_348 : i32 to index
      %get3A_421 = arith.constant 224 : index
      %get3A_422 = tpu.vector_load %arg6[%get3A_419, %get3A_420, %get3A_421] {strides = array<i32>} : memref<2x48x512xi32, #tpu.memory_space<vmem>>, vector<16xi32>,
      %get3A_423 = arith.constant 0 : i32
      %get3A_424 = arith.index_cast %get3A_423 : i32 to index
      %get3A_425 = arith.index_cast %scan3A_348 : i32 to index
      %get3A_426 = arith.constant 240 : index
      %get3A_427 = tpu.vector_load %arg6[%get3A_424, %get3A_425, %get3A_426] {strides = array<i32>} : memref<2x48x512xi32, #tpu.memory_space<vmem>>, vector<16xi32>,
      %get3A_428 = arith.constant 0 : i32
      %get3A_429 = arith.index_cast %get3A_428 : i32 to index
      %get3A_430 = arith.index_cast %scan3A_348 : i32 to index
      %get3A_431 = arith.constant 256 : index
      %get3A_432 = tpu.vector_load %arg6[%get3A_429, %get3A_430, %get3A_431] {strides = array<i32>} : memref<2x48x512xi32, #tpu.memory_space<vmem>>, vector<16xi32>,
      %get3A_433 = arith.constant 0 : i32
      %get3A_434 = arith.index_cast %get3A_433 : i32 to index
      %get3A_435 = arith.index_cast %scan3A_348 : i32 to index
      %get3A_436 = arith.constant 272 : index
      %get3A_437 = tpu.vector_load %arg6[%get3A_434, %get3A_435, %get3A_436] {strides = array<i32>} : memref<2x48x512xi32, #tpu.memory_space<vmem>>, vector<16xi32>,
      %get3A_438 = arith.constant 0 : i32
      %get3A_439 = arith.index_cast %get3A_438 : i32 to index
      %get3A_440 = arith.index_cast %scan3A_348 : i32 to index
      %get3A_441 = arith.constant 288 : index
      %get3A_442 = tpu.vector_load %arg6[%get3A_439, %get3A_440, %get3A_441] {strides = array<i32>} : memref<2x48x512xi32, #tpu.memory_space<vmem>>, vector<16xi32>,
      %get3A_443 = arith.constant 0 : i32
      %get3A_444 = arith.index_cast %get3A_443 : i32 to index
      %get3A_445 = arith.index_cast %scan3A_348 : i32 to index
      %get3A_446 = arith.constant 304 : index
      %get3A_447 = tpu.vector_load %arg6[%get3A_444, %get3A_445, %get3A_446] {strides = array<i32>} : memref<2x48x512xi32, #tpu.memory_space<vmem>>, vector<16xi32>,
      %get3A_448 = arith.constant 0 : i32
      %get3A_449 = arith.index_cast %get3A_448 : i32 to index
      %get3A_450 = arith.index_cast %scan3A_348 : i32 to index
      %get3A_451 = arith.constant 320 : index
      %get3A_452 = tpu.vector_load %arg6[%get3A_449, %get3A_450, %get3A_451] {strides = array<i32>} : memref<2x48x512xi32, #tpu.memory_space<vmem>>, vector<16xi32>,
      %get3A_453 = arith.constant 0 : i32
      %get3A_454 = arith.index_cast %get3A_453 : i32 to index
      %get3A_455 = arith.index_cast %scan3A_348 : i32 to index
      %get3A_456 = arith.constant 336 : index
      %get3A_457 = tpu.vector_load %arg6[%get3A_454, %get3A_455, %get3A_456] {strides = array<i32>} : memref<2x48x512xi32, #tpu.memory_space<vmem>>, vector<16xi32>,
      %get3A_458 = arith.constant 0 : i32
      %get3A_459 = arith.index_cast %get3A_458 : i32 to index
      %get3A_460 = arith.index_cast %scan3A_348 : i32 to index
      %get3A_461 = arith.constant 352 : index
      %get3A_462 = tpu.vector_load %arg6[%get3A_459, %get3A_460, %get3A_461] {strides = array<i32>} : memref<2x48x512xi32, #tpu.memory_space<vmem>>, vector<16xi32>,
      %get3A_463 = arith.constant 0 : i32
      %get3A_464 = arith.index_cast %get3A_463 : i32 to index
      %get3A_465 = arith.index_cast %scan3A_348 : i32 to index
      %get3A_466 = arith.constant 368 : index
      %get3A_467 = tpu.vector_load %arg6[%get3A_464, %get3A_465, %get3A_466] {strides = array<i32>} : memref<2x48x512xi32, #tpu.memory_space<vmem>>, vector<16xi32>,
      %get3A_468 = arith.constant 0 : i32
      %get3A_469 = arith.index_cast %get3A_468 : i32 to index
      %get3A_470 = arith.index_cast %scan3A_348 : i32 to index
      %get3A_471 = arith.constant 384 : index
      %get3A_472 = tpu.vector_load %arg6[%get3A_469, %get3A_470, %get3A_471] {strides = array<i32>} : memref<2x48x512xi32, #tpu.memory_space<vmem>>, vector<16xi32>,
      %get3A_473 = arith.constant 0 : i32
      %get3A_474 = arith.index_cast %get3A_473 : i32 to index
      %get3A_475 = arith.index_cast %scan3A_348 : i32 to index
      %get3A_476 = arith.constant 400 : index
      %get3A_477 = tpu.vector_load %arg6[%get3A_474, %get3A_475, %get3A_476] {strides = array<i32>} : memref<2x48x512xi32, #tpu.memory_space<vmem>>, vector<16xi32>,
      %get3A_478 = arith.constant 0 : i32
      %get3A_479 = arith.index_cast %get3A_478 : i32 to index
      %get3A_480 = arith.index_cast %scan3A_348 : i32 to index
      %get3A_481 = arith.constant 416 : index
      %get3A_482 = tpu.vector_load %arg6[%get3A_479, %get3A_480, %get3A_481] {strides = array<i32>} : memref<2x48x512xi32, #tpu.memory_space<vmem>>, vector<16xi32>,
      %get3A_483 = arith.constant 0 : i32
      %get3A_484 = arith.index_cast %get3A_483 : i32 to index
      %get3A_485 = arith.index_cast %scan3A_348 : i32 to index
      %get3A_486 = arith.constant 432 : index
      %get3A_487 = tpu.vector_load %arg6[%get3A_484, %get3A_485, %get3A_486] {strides = array<i32>} : memref<2x48x512xi32, #tpu.memory_space<vmem>>, vector<16xi32>,
      %get3A_488 = arith.constant 0 : i32
      %get3A_489 = arith.index_cast %get3A_488 : i32 to index
      %get3A_490 = arith.index_cast %scan3A_348 : i32 to index
      %get3A_491 = arith.constant 448 : index
      %get3A_492 = tpu.vector_load %arg6[%get3A_489, %get3A_490, %get3A_491] {strides = array<i32>} : memref<2x48x512xi32, #tpu.memory_space<vmem>>, vector<16xi32>,
      %get3A_493 = arith.constant 0 : i32
      %get3A_494 = arith.index_cast %get3A_493 : i32 to index
      %get3A_495 = arith.index_cast %scan3A_348 : i32 to index
      %get3A_496 = arith.constant 464 : index
      %get3A_497 = tpu.vector_load %arg6[%get3A_494, %get3A_495, %get3A_496] {strides = array<i32>} : memref<2x48x512xi32, #tpu.memory_space<vmem>>, vector<16xi32>,
      %get3A_498 = arith.constant 0 : i32
      %get3A_499 = arith.index_cast %get3A_498 : i32 to index
      %get3A_500 = arith.index_cast %scan3A_348 : i32 to index
      %get3A_501 = arith.constant 480 : index
      %get3A_502 = tpu.vector_load %arg6[%get3A_499, %get3A_500, %get3A_501] {strides = array<i32>} : memref<2x48x512xi32, #tpu.memory_space<vmem>>, vector<16xi32>,
      %get3A_503 = arith.constant 0 : i32
      %get3A_504 = arith.index_cast %get3A_503 : i32 to index
      %get3A_505 = arith.index_cast %scan3A_348 : i32 to index
      %get3A_506 = arith.constant 496 : index
      %get3A_507 = tpu.vector_load %arg6[%get3A_504, %get3A_505, %get3A_506] {strides = array<i32>} : memref<2x48x512xi32, #tpu.memory_space<vmem>>, vector<16xi32>,
      %gather3A = tpu.vector_load_idx %arg5[%get3A_352] : memref<1000xf32, #tpu.memory_space<vmem>>[vector<16xi32>], vector<16xf32>,
      %gather3A_508 = tpu.vector_load_idx %arg5[%get3A_357] : memref<1000xf32, #tpu.memory_space<vmem>>[vector<16xi32>], vector<16xf32>,
      %gather3A_509 = tpu.vector_load_idx %arg5[%get3A_362] : memref<1000xf32, #tpu.memory_space<vmem>>[vector<16xi32>], vector<16xf32>,
      %gather3A_510 = tpu.vector_load_idx %arg5[%get3A_367] : memref<1000xf32, #tpu.memory_space<vmem>>[vector<16xi32>], vector<16xf32>,
      %gather3A_511 = tpu.vector_load_idx %arg5[%get3A_372] : memref<1000xf32, #tpu.memory_space<vmem>>[vector<16xi32>], vector<16xf32>,
      %gather3A_512 = tpu.vector_load_idx %arg5[%get3A_377] : memref<1000xf32, #tpu.memory_space<vmem>>[vector<16xi32>], vector<16xf32>,
      %gather3A_513 = tpu.vector_load_idx %arg5[%get3A_382] : memref<1000xf32, #tpu.memory_space<vmem>>[vector<16xi32>], vector<16xf32>,
      %gather3A_514 = tpu.vector_load_idx %arg5[%get3A_387] : memref<1000xf32, #tpu.memory_space<vmem>>[vector<16xi32>], vector<16xf32>,
      %gather3A_515 = tpu.vector_load_idx %arg5[%get3A_392] : memref<1000xf32, #tpu.memory_space<vmem>>[vector<16xi32>], vector<16xf32>,
      %gather3A_516 = tpu.vector_load_idx %arg5[%get3A_397] : memref<1000xf32, #tpu.memory_space<vmem>>[vector<16xi32>], vector<16xf32>,
      %gather3A_517 = tpu.vector_load_idx %arg5[%get3A_402] : memref<1000xf32, #tpu.memory_space<vmem>>[vector<16xi32>], vector<16xf32>,
      %gather3A_518 = tpu.vector_load_idx %arg5[%get3A_407] : memref<1000xf32, #tpu.memory_space<vmem>>[vector<16xi32>], vector<16xf32>,
      %gather3A_519 = tpu.vector_load_idx %arg5[%get3A_412] : memref<1000xf32, #tpu.memory_space<vmem>>[vector<16xi32>], vector<16xf32>,
      %gather3A_520 = tpu.vector_load_idx %arg5[%get3A_417] : memref<1000xf32, #tpu.memory_space<vmem>>[vector<16xi32>], vector<16xf32>,
      %gather3A_521 = tpu.vector_load_idx %arg5[%get3A_422] : memref<1000xf32, #tpu.memory_space<vmem>>[vector<16xi32>], vector<16xf32>,
      %gather3A_522 = tpu.vector_load_idx %arg5[%get3A_427] : memref<1000xf32, #tpu.memory_space<vmem>>[vector<16xi32>], vector<16xf32>,
      %gather3A_523 = tpu.vector_load_idx %arg5[%get3A_432] : memref<1000xf32, #tpu.memory_space<vmem>>[vector<16xi32>], vector<16xf32>,
      %gather3A_524 = tpu.vector_load_idx %arg5[%get3A_437] : memref<1000xf32, #tpu.memory_space<vmem>>[vector<16xi32>], vector<16xf32>,
      %gather3A_525 = tpu.vector_load_idx %arg5[%get3A_442] : memref<1000xf32, #tpu.memory_space<vmem>>[vector<16xi32>], vector<16xf32>,
      %gather3A_526 = tpu.vector_load_idx %arg5[%get3A_447] : memref<1000xf32, #tpu.memory_space<vmem>>[vector<16xi32>], vector<16xf32>,
      %gather3A_527 = tpu.vector_load_idx %arg5[%get3A_452] : memref<1000xf32, #tpu.memory_space<vmem>>[vector<16xi32>], vector<16xf32>,
      %gather3A_528 = tpu.vector_load_idx %arg5[%get3A_457] : memref<1000xf32, #tpu.memory_space<vmem>>[vector<16xi32>], vector<16xf32>,
      %gather3A_529 = tpu.vector_load_idx %arg5[%get3A_462] : memref<1000xf32, #tpu.memory_space<vmem>>[vector<16xi32>], vector<16xf32>,
      %gather3A_530 = tpu.vector_load_idx %arg5[%get3A_467] : memref<1000xf32, #tpu.memory_space<vmem>>[vector<16xi32>], vector<16xf32>,
      %gather3A_531 = tpu.vector_load_idx %arg5[%get3A_472] : memref<1000xf32, #tpu.memory_space<vmem>>[vector<16xi32>], vector<16xf32>,
      %gather3A_532 = tpu.vector_load_idx %arg5[%get3A_477] : memref<1000xf32, #tpu.memory_space<vmem>>[vector<16xi32>], vector<16xf32>,
      %gather3A_533 = tpu.vector_load_idx %arg5[%get3A_482] : memref<1000xf32, #tpu.memory_space<vmem>>[vector<16xi32>], vector<16xf32>,
      %gather3A_534 = tpu.vector_load_idx %arg5[%get3A_487] : memref<1000xf32, #tpu.memory_space<vmem>>[vector<16xi32>], vector<16xf32>,
      %gather3A_535 = tpu.vector_load_idx %arg5[%get3A_492] : memref<1000xf32, #tpu.memory_space<vmem>>[vector<16xi32>], vector<16xf32>,
      %gather3A_536 = tpu.vector_load_idx %arg5[%get3A_497] : memref<1000xf32, #tpu.memory_space<vmem>>[vector<16xi32>], vector<16xf32>,
      %gather3A_537 = tpu.vector_load_idx %arg5[%get3A_502] : memref<1000xf32, #tpu.memory_space<vmem>>[vector<16xi32>], vector<16xf32>,
      %gather3A_538 = tpu.vector_load_idx %arg5[%get3A_507] : memref<1000xf32, #tpu.memory_space<vmem>>[vector<16xi32>], vector<16xf32>,
      %swap3A = arith.constant 0 : i32
      %swap3A_539 = arith.index_cast %swap3A : i32 to index
      %swap3A_540 = arith.index_cast %scan3A_348 : i32 to index
      %swap3A_541 = arith.constant 0 : index
      %swap3A_542 = tpu.vector_load %arg7[%swap3A_539, %swap3A_540, %swap3A_541] {strides = array<i32>} : memref<2x48x512xf32, #tpu.memory_space<vmem>>, vector<16xf32>,
      tpu.vector_store %arg7[%swap3A_539, %swap3A_540, %swap3A_541], %gather3A {strides = array<i32>} : memref<2x48x512xf32, #tpu.memory_space<vmem>>, vector<16xf32>,
      %swap3A_543 = arith.constant 0 : i32
      %swap3A_544 = arith.index_cast %swap3A_543 : i32 to index
      %swap3A_545 = arith.index_cast %scan3A_348 : i32 to index
      %swap3A_546 = arith.constant 16 : index
      %swap3A_547 = tpu.vector_load %arg7[%swap3A_544, %swap3A_545, %swap3A_546] {strides = array<i32>} : memref<2x48x512xf32, #tpu.memory_space<vmem>>, vector<16xf32>,
      tpu.vector_store %arg7[%swap3A_544, %swap3A_545, %swap3A_546], %gather3A_508 {strides = array<i32>} : memref<2x48x512xf32, #tpu.memory_space<vmem>>, vector<16xf32>,
      %swap3A_548 = arith.constant 0 : i32
      %swap3A_549 = arith.index_cast %swap3A_548 : i32 to index
      %swap3A_550 = arith.index_cast %scan3A_348 : i32 to index
      %swap3A_551 = arith.constant 32 : index
      %swap3A_552 = tpu.vector_load %arg7[%swap3A_549, %swap3A_550, %swap3A_551] {strides = array<i32>} : memref<2x48x512xf32, #tpu.memory_space<vmem>>, vector<16xf32>,
      tpu.vector_store %arg7[%swap3A_549, %swap3A_550, %swap3A_551], %gather3A_509 {strides = array<i32>} : memref<2x48x512xf32, #tpu.memory_space<vmem>>, vector<16xf32>,
      %swap3A_553 = arith.constant 0 : i32
      %swap3A_554 = arith.index_cast %swap3A_553 : i32 to index
      %swap3A_555 = arith.index_cast %scan3A_348 : i32 to index
      %swap3A_556 = arith.constant 48 : index
      %swap3A_557 = tpu.vector_load %arg7[%swap3A_554, %swap3A_555, %swap3A_556] {strides = array<i32>} : memref<2x48x512xf32, #tpu.memory_space<vmem>>, vector<16xf32>,
      tpu.vector_store %arg7[%swap3A_554, %swap3A_555, %swap3A_556], %gather3A_510 {strides = array<i32>} : memref<2x48x512xf32, #tpu.memory_space<vmem>>, vector<16xf32>,
      %swap3A_558 = arith.constant 0 : i32
      %swap3A_559 = arith.index_cast %swap3A_558 : i32 to index
      %swap3A_560 = arith.index_cast %scan3A_348 : i32 to index
      %swap3A_561 = arith.constant 64 : index
      %swap3A_562 = tpu.vector_load %arg7[%swap3A_559, %swap3A_560, %swap3A_561] {strides = array<i32>} : memref<2x48x512xf32, #tpu.memory_space<vmem>>, vector<16xf32>,
      tpu.vector_store %arg7[%swap3A_559, %swap3A_560, %swap3A_561], %gather3A_511 {strides = array<i32>} : memref<2x48x512xf32, #tpu.memory_space<vmem>>, vector<16xf32>,
      %swap3A_563 = arith.constant 0 : i32
      %swap3A_564 = arith.index_cast %swap3A_563 : i32 to index
      %swap3A_565 = arith.index_cast %scan3A_348 : i32 to index
      %swap3A_566 = arith.constant 80 : index
      %swap3A_567 = tpu.vector_load %arg7[%swap3A_564, %swap3A_565, %swap3A_566] {strides = array<i32>} : memref<2x48x512xf32, #tpu.memory_space<vmem>>, vector<16xf32>,
      tpu.vector_store %arg7[%swap3A_564, %swap3A_565, %swap3A_566], %gather3A_512 {strides = array<i32>} : memref<2x48x512xf32, #tpu.memory_space<vmem>>, vector<16xf32>,
      %swap3A_568 = arith.constant 0 : i32
      %swap3A_569 = arith.index_cast %swap3A_568 : i32 to index
      %swap3A_570 = arith.index_cast %scan3A_348 : i32 to index
      %swap3A_571 = arith.constant 96 : index
      %swap3A_572 = tpu.vector_load %arg7[%swap3A_569, %swap3A_570, %swap3A_571] {strides = array<i32>} : memref<2x48x512xf32, #tpu.memory_space<vmem>>, vector<16xf32>,
      tpu.vector_store %arg7[%swap3A_569, %swap3A_570, %swap3A_571], %gather3A_513 {strides = array<i32>} : memref<2x48x512xf32, #tpu.memory_space<vmem>>, vector<16xf32>,
      %swap3A_573 = arith.constant 0 : i32
      %swap3A_574 = arith.index_cast %swap3A_573 : i32 to index
      %swap3A_575 = arith.index_cast %scan3A_348 : i32 to index
      %swap3A_576 = arith.constant 112 : index
      %swap3A_577 = tpu.vector_load %arg7[%swap3A_574, %swap3A_575, %swap3A_576] {strides = array<i32>} : memref<2x48x512xf32, #tpu.memory_space<vmem>>, vector<16xf32>,
      tpu.vector_store %arg7[%swap3A_574, %swap3A_575, %swap3A_576], %gather3A_514 {strides = array<i32>} : memref<2x48x512xf32, #tpu.memory_space<vmem>>, vector<16xf32>,
      %swap3A_578 = arith.constant 0 : i32
      %swap3A_579 = arith.index_cast %swap3A_578 : i32 to index
      %swap3A_580 = arith.index_cast %scan3A_348 : i32 to index
      %swap3A_581 = arith.constant 128 : index
      %swap3A_582 = tpu.vector_load %arg7[%swap3A_579, %swap3A_580, %swap3A_581] {strides = array<i32>} : memref<2x48x512xf32, #tpu.memory_space<vmem>>, vector<16xf32>,
      tpu.vector_store %arg7[%swap3A_579, %swap3A_580, %swap3A_581], %gather3A_515 {strides = array<i32>} : memref<2x48x512xf32, #tpu.memory_space<vmem>>, vector<16xf32>,
      %swap3A_583 = arith.constant 0 : i32
      %swap3A_584 = arith.index_cast %swap3A_583 : i32 to index
      %swap3A_585 = arith.index_cast %scan3A_348 : i32 to index
      %swap3A_586 = arith.constant 144 : index
      %swap3A_587 = tpu.vector_load %arg7[%swap3A_584, %swap3A_585, %swap3A_586] {strides = array<i32>} : memref<2x48x512xf32, #tpu.memory_space<vmem>>, vector<16xf32>,
      tpu.vector_store %arg7[%swap3A_584, %swap3A_585, %swap3A_586], %gather3A_516 {strides = array<i32>} : memref<2x48x512xf32, #tpu.memory_space<vmem>>, vector<16xf32>,
      %swap3A_588 = arith.constant 0 : i32
      %swap3A_589 = arith.index_cast %swap3A_588 : i32 to index
      %swap3A_590 = arith.index_cast %scan3A_348 : i32 to index
      %swap3A_591 = arith.constant 160 : index
      %swap3A_592 = tpu.vector_load %arg7[%swap3A_589, %swap3A_590, %swap3A_591] {strides = array<i32>} : memref<2x48x512xf32, #tpu.memory_space<vmem>>, vector<16xf32>,
      tpu.vector_store %arg7[%swap3A_589, %swap3A_590, %swap3A_591], %gather3A_517 {strides = array<i32>} : memref<2x48x512xf32, #tpu.memory_space<vmem>>, vector<16xf32>,
      %swap3A_593 = arith.constant 0 : i32
      %swap3A_594 = arith.index_cast %swap3A_593 : i32 to index
      %swap3A_595 = arith.index_cast %scan3A_348 : i32 to index
      %swap3A_596 = arith.constant 176 : index
      %swap3A_597 = tpu.vector_load %arg7[%swap3A_594, %swap3A_595, %swap3A_596] {strides = array<i32>} : memref<2x48x512xf32, #tpu.memory_space<vmem>>, vector<16xf32>,
      tpu.vector_store %arg7[%swap3A_594, %swap3A_595, %swap3A_596], %gather3A_518 {strides = array<i32>} : memref<2x48x512xf32, #tpu.memory_space<vmem>>, vector<16xf32>,
      %swap3A_598 = arith.constant 0 : i32
      %swap3A_599 = arith.index_cast %swap3A_598 : i32 to index
      %swap3A_600 = arith.index_cast %scan3A_348 : i32 to index
      %swap3A_601 = arith.constant 192 : index
      %swap3A_602 = tpu.vector_load %arg7[%swap3A_599, %swap3A_600, %swap3A_601] {strides = array<i32>} : memref<2x48x512xf32, #tpu.memory_space<vmem>>, vector<16xf32>,
      tpu.vector_store %arg7[%swap3A_599, %swap3A_600, %swap3A_601], %gather3A_519 {strides = array<i32>} : memref<2x48x512xf32, #tpu.memory_space<vmem>>, vector<16xf32>,
      %swap3A_603 = arith.constant 0 : i32
      %swap3A_604 = arith.index_cast %swap3A_603 : i32 to index
      %swap3A_605 = arith.index_cast %scan3A_348 : i32 to index
      %swap3A_606 = arith.constant 208 : index
      %swap3A_607 = tpu.vector_load %arg7[%swap3A_604, %swap3A_605, %swap3A_606] {strides = array<i32>} : memref<2x48x512xf32, #tpu.memory_space<vmem>>, vector<16xf32>,
      tpu.vector_store %arg7[%swap3A_604, %swap3A_605, %swap3A_606], %gather3A_520 {strides = array<i32>} : memref<2x48x512xf32, #tpu.memory_space<vmem>>, vector<16xf32>,
      %swap3A_608 = arith.constant 0 : i32
      %swap3A_609 = arith.index_cast %swap3A_608 : i32 to index
      %swap3A_610 = arith.index_cast %scan3A_348 : i32 to index
      %swap3A_611 = arith.constant 224 : index
      %swap3A_612 = tpu.vector_load %arg7[%swap3A_609, %swap3A_610, %swap3A_611] {strides = array<i32>} : memref<2x48x512xf32, #tpu.memory_space<vmem>>, vector<16xf32>,
      tpu.vector_store %arg7[%swap3A_609, %swap3A_610, %swap3A_611], %gather3A_521 {strides = array<i32>} : memref<2x48x512xf32, #tpu.memory_space<vmem>>, vector<16xf32>,
      %swap3A_613 = arith.constant 0 : i32
      %swap3A_614 = arith.index_cast %swap3A_613 : i32 to index
      %swap3A_615 = arith.index_cast %scan3A_348 : i32 to index
      %swap3A_616 = arith.constant 240 : index
      %swap3A_617 = tpu.vector_load %arg7[%swap3A_614, %swap3A_615, %swap3A_616] {strides = array<i32>} : memref<2x48x512xf32, #tpu.memory_space<vmem>>, vector<16xf32>,
      tpu.vector_store %arg7[%swap3A_614, %swap3A_615, %swap3A_616], %gather3A_522 {strides = array<i32>} : memref<2x48x512xf32, #tpu.memory_space<vmem>>, vector<16xf32>,
      %swap3A_618 = arith.constant 0 : i32
      %swap3A_619 = arith.index_cast %swap3A_618 : i32 to index
      %swap3A_620 = arith.index_cast %scan3A_348 : i32 to index
      %swap3A_621 = arith.constant 256 : index
      %swap3A_622 = tpu.vector_load %arg7[%swap3A_619, %swap3A_620, %swap3A_621] {strides = array<i32>} : memref<2x48x512xf32, #tpu.memory_space<vmem>>, vector<16xf32>,
      tpu.vector_store %arg7[%swap3A_619, %swap3A_620, %swap3A_621], %gather3A_523 {strides = array<i32>} : memref<2x48x512xf32, #tpu.memory_space<vmem>>, vector<16xf32>,
      %swap3A_623 = arith.constant 0 : i32
      %swap3A_624 = arith.index_cast %swap3A_623 : i32 to index
      %swap3A_625 = arith.index_cast %scan3A_348 : i32 to index
      %swap3A_626 = arith.constant 272 : index
      %swap3A_627 = tpu.vector_load %arg7[%swap3A_624, %swap3A_625, %swap3A_626] {strides = array<i32>} : memref<2x48x512xf32, #tpu.memory_space<vmem>>, vector<16xf32>,
      tpu.vector_store %arg7[%swap3A_624, %swap3A_625, %swap3A_626], %gather3A_524 {strides = array<i32>} : memref<2x48x512xf32, #tpu.memory_space<vmem>>, vector<16xf32>,
      %swap3A_628 = arith.constant 0 : i32
      %swap3A_629 = arith.index_cast %swap3A_628 : i32 to index
      %swap3A_630 = arith.index_cast %scan3A_348 : i32 to index
      %swap3A_631 = arith.constant 288 : index
      %swap3A_632 = tpu.vector_load %arg7[%swap3A_629, %swap3A_630, %swap3A_631] {strides = array<i32>} : memref<2x48x512xf32, #tpu.memory_space<vmem>>, vector<16xf32>,
      tpu.vector_store %arg7[%swap3A_629, %swap3A_630, %swap3A_631], %gather3A_525 {strides = array<i32>} : memref<2x48x512xf32, #tpu.memory_space<vmem>>, vector<16xf32>,
      %swap3A_633 = arith.constant 0 : i32
      %swap3A_634 = arith.index_cast %swap3A_633 : i32 to index
      %swap3A_635 = arith.index_cast %scan3A_348 : i32 to index
      %swap3A_636 = arith.constant 304 : index
      %swap3A_637 = tpu.vector_load %arg7[%swap3A_634, %swap3A_635, %swap3A_636] {strides = array<i32>} : memref<2x48x512xf32, #tpu.memory_space<vmem>>, vector<16xf32>,
      tpu.vector_store %arg7[%swap3A_634, %swap3A_635, %swap3A_636], %gather3A_526 {strides = array<i32>} : memref<2x48x512xf32, #tpu.memory_space<vmem>>, vector<16xf32>,
      %swap3A_638 = arith.constant 0 : i32
      %swap3A_639 = arith.index_cast %swap3A_638 : i32 to index
      %swap3A_640 = arith.index_cast %scan3A_348 : i32 to index
      %swap3A_641 = arith.constant 320 : index
      %swap3A_642 = tpu.vector_load %arg7[%swap3A_639, %swap3A_640, %swap3A_641] {strides = array<i32>} : memref<2x48x512xf32, #tpu.memory_space<vmem>>, vector<16xf32>,
      tpu.vector_store %arg7[%swap3A_639, %swap3A_640, %swap3A_641], %gather3A_527 {strides = array<i32>} : memref<2x48x512xf32, #tpu.memory_space<vmem>>, vector<16xf32>,
      %swap3A_643 = arith.constant 0 : i32
      %swap3A_644 = arith.index_cast %swap3A_643 : i32 to index
      %swap3A_645 = arith.index_cast %scan3A_348 : i32 to index
      %swap3A_646 = arith.constant 336 : index
      %swap3A_647 = tpu.vector_load %arg7[%swap3A_644, %swap3A_645, %swap3A_646] {strides = array<i32>} : memref<2x48x512xf32, #tpu.memory_space<vmem>>, vector<16xf32>,
      tpu.vector_store %arg7[%swap3A_644, %swap3A_645, %swap3A_646], %gather3A_528 {strides = array<i32>} : memref<2x48x512xf32, #tpu.memory_space<vmem>>, vector<16xf32>,
      %swap3A_648 = arith.constant 0 : i32
      %swap3A_649 = arith.index_cast %swap3A_648 : i32 to index
      %swap3A_650 = arith.index_cast %scan3A_348 : i32 to index
      %swap3A_651 = arith.constant 352 : index
      %swap3A_652 = tpu.vector_load %arg7[%swap3A_649, %swap3A_650, %swap3A_651] {strides = array<i32>} : memref<2x48x512xf32, #tpu.memory_space<vmem>>, vector<16xf32>,
      tpu.vector_store %arg7[%swap3A_649, %swap3A_650, %swap3A_651], %gather3A_529 {strides = array<i32>} : memref<2x48x512xf32, #tpu.memory_space<vmem>>, vector<16xf32>,
      %swap3A_653 = arith.constant 0 : i32
      %swap3A_654 = arith.index_cast %swap3A_653 : i32 to index
      %swap3A_655 = arith.index_cast %scan3A_348 : i32 to index
      %swap3A_656 = arith.constant 368 : index
      %swap3A_657 = tpu.vector_load %arg7[%swap3A_654, %swap3A_655, %swap3A_656] {strides = array<i32>} : memref<2x48x512xf32, #tpu.memory_space<vmem>>, vector<16xf32>,
      tpu.vector_store %arg7[%swap3A_654, %swap3A_655, %swap3A_656], %gather3A_530 {strides = array<i32>} : memref<2x48x512xf32, #tpu.memory_space<vmem>>, vector<16xf32>,
      %swap3A_658 = arith.constant 0 : i32
      %swap3A_659 = arith.index_cast %swap3A_658 : i32 to index
      %swap3A_660 = arith.index_cast %scan3A_348 : i32 to index
      %swap3A_661 = arith.constant 384 : index
      %swap3A_662 = tpu.vector_load %arg7[%swap3A_659, %swap3A_660, %swap3A_661] {strides = array<i32>} : memref<2x48x512xf32, #tpu.memory_space<vmem>>, vector<16xf32>,
      tpu.vector_store %arg7[%swap3A_659, %swap3A_660, %swap3A_661], %gather3A_531 {strides = array<i32>} : memref<2x48x512xf32, #tpu.memory_space<vmem>>, vector<16xf32>,
      %swap3A_663 = arith.constant 0 : i32
      %swap3A_664 = arith.index_cast %swap3A_663 : i32 to index
      %swap3A_665 = arith.index_cast %scan3A_348 : i32 to index
      %swap3A_666 = arith.constant 400 : index
      %swap3A_667 = tpu.vector_load %arg7[%swap3A_664, %swap3A_665, %swap3A_666] {strides = array<i32>} : memref<2x48x512xf32, #tpu.memory_space<vmem>>, vector<16xf32>,
      tpu.vector_store %arg7[%swap3A_664, %swap3A_665, %swap3A_666], %gather3A_532 {strides = array<i32>} : memref<2x48x512xf32, #tpu.memory_space<vmem>>, vector<16xf32>,
      %swap3A_668 = arith.constant 0 : i32
      %swap3A_669 = arith.index_cast %swap3A_668 : i32 to index
      %swap3A_670 = arith.index_cast %scan3A_348 : i32 to index
      %swap3A_671 = arith.constant 416 : index
      %swap3A_672 = tpu.vector_load %arg7[%swap3A_669, %swap3A_670, %swap3A_671] {strides = array<i32>} : memref<2x48x512xf32, #tpu.memory_space<vmem>>, vector<16xf32>,
      tpu.vector_store %arg7[%swap3A_669, %swap3A_670, %swap3A_671], %gather3A_533 {strides = array<i32>} : memref<2x48x512xf32, #tpu.memory_space<vmem>>, vector<16xf32>,
      %swap3A_673 = arith.constant 0 : i32
      %swap3A_674 = arith.index_cast %swap3A_673 : i32 to index
      %swap3A_675 = arith.index_cast %scan3A_348 : i32 to index
      %swap3A_676 = arith.constant 432 : index
      %swap3A_677 = tpu.vector_load %arg7[%swap3A_674, %swap3A_675, %swap3A_676] {strides = array<i32>} : memref<2x48x512xf32, #tpu.memory_space<vmem>>, vector<16xf32>,
      tpu.vector_store %arg7[%swap3A_674, %swap3A_675, %swap3A_676], %gather3A_534 {strides = array<i32>} : memref<2x48x512xf32, #tpu.memory_space<vmem>>, vector<16xf32>,
      %swap3A_678 = arith.constant 0 : i32
      %swap3A_679 = arith.index_cast %swap3A_678 : i32 to index
      %swap3A_680 = arith.index_cast %scan3A_348 : i32 to index
      %swap3A_681 = arith.constant 448 : index
      %swap3A_682 = tpu.vector_load %arg7[%swap3A_679, %swap3A_680, %swap3A_681] {strides = array<i32>} : memref<2x48x512xf32, #tpu.memory_space<vmem>>, vector<16xf32>,
      tpu.vector_store %arg7[%swap3A_679, %swap3A_680, %swap3A_681], %gather3A_535 {strides = array<i32>} : memref<2x48x512xf32, #tpu.memory_space<vmem>>, vector<16xf32>,
      %swap3A_683 = arith.constant 0 : i32
      %swap3A_684 = arith.index_cast %swap3A_683 : i32 to index
      %swap3A_685 = arith.index_cast %scan3A_348 : i32 to index
      %swap3A_686 = arith.constant 464 : index
      %swap3A_687 = tpu.vector_load %arg7[%swap3A_684, %swap3A_685, %swap3A_686] {strides = array<i32>} : memref<2x48x512xf32, #tpu.memory_space<vmem>>, vector<16xf32>,
      tpu.vector_store %arg7[%swap3A_684, %swap3A_685, %swap3A_686], %gather3A_536 {strides = array<i32>} : memref<2x48x512xf32, #tpu.memory_space<vmem>>, vector<16xf32>,
      %swap3A_688 = arith.constant 0 : i32
      %swap3A_689 = arith.index_cast %swap3A_688 : i32 to index
      %swap3A_690 = arith.index_cast %scan3A_348 : i32 to index
      %swap3A_691 = arith.constant 480 : index
      %swap3A_692 = tpu.vector_load %arg7[%swap3A_689, %swap3A_690, %swap3A_691] {strides = array<i32>} : memref<2x48x512xf32, #tpu.memory_space<vmem>>, vector<16xf32>,
      tpu.vector_store %arg7[%swap3A_689, %swap3A_690, %swap3A_691], %gather3A_537 {strides = array<i32>} : memref<2x48x512xf32, #tpu.memory_space<vmem>>, vector<16xf32>,
      %swap3A_693 = arith.constant 0 : i32
      %swap3A_694 = arith.index_cast %swap3A_693 : i32 to index
      %swap3A_695 = arith.index_cast %scan3A_348 : i32 to index
      %swap3A_696 = arith.constant 496 : index
      %swap3A_697 = tpu.vector_load %arg7[%swap3A_694, %swap3A_695, %swap3A_696] {strides = array<i32>} : memref<2x48x512xf32, #tpu.memory_space<vmem>>, vector<16xf32>,
      tpu.vector_store %arg7[%swap3A_694, %swap3A_695, %swap3A_696], %gather3A_538 {strides = array<i32>} : memref<2x48x512xf32, #tpu.memory_space<vmem>>, vector<16xf32>,
    }
    %scan3A_147 = arith.constant 48 : i32
    %dma_start3A_148 = arith.constant 0 : i32
    %dma_start3A_149 = arith.constant 0 : i32
    %dma_start3A_150 = arith.constant 0 : i32
    %dma_start3A_151 = tpu.memref_slice %arg7[%dma_start3A_148, %dma_start3A_149, %dma_start3A_150] : memref<2x48x512xf32, #tpu.memory_space<vmem>> -> memref<1x48x512xf32, #tpu.memory_space<vmem>>
    %dma_start3A_152 = tpu.memref_squeeze %dma_start3A_151 : memref<1x48x512xf32, #tpu.memory_space<vmem>> -> memref<48x512xf32, #tpu.memory_space<vmem>>
    %dma_start3A_153 = arith.constant 56 : i32
    %dma_start3A_154 = tpu.memref_slice %arg4[%dma_start3A_153, %mul3A_2] : memref<200x16384xf32, #tpu.memory_space<hbm>> -> memref<48x512xf32, #tpu.memory_space<hbm>>
    %dma_start3A_155 = arith.constant 56 : i32
    %dma_start3A_156 = tpu.memref_slice %arg4[%dma_start3A_155, %mul3A_2] : memref<200x16384xf32, #tpu.memory_space<hbm>> -> memref<48x512xf32, #tpu.memory_space<hbm>>
    %dma_start3A_157 = arith.constant 0 : i32
    %dma_start3A_158 = arith.constant 0 : i32
    %dma_start3A_159 = tpu.memref_slice %arg7[%dma_start3A_148, %dma_start3A_157, %dma_start3A_158] : memref<2x48x512xf32, #tpu.memory_space<vmem>> -> memref<1x48x512xf32, #tpu.memory_space<vmem>>
    %dma_start3A_160 = tpu.memref_squeeze %dma_start3A_159 : memref<1x48x512xf32, #tpu.memory_space<vmem>> -> memref<48x512xf32, #tpu.memory_space<vmem>>
    tpu.enqueue_dma source(%dma_start3A_160 : memref<48x512xf32, #tpu.memory_space<vmem>>) target(%dma_start3A_156 : memref<48x512xf32, #tpu.memory_space<hbm>>) target_semaphore(%arg10 : memref<!tpu.dma_semaphore, #tpu.memory_space<semaphore_mem>>)
    %dma_start3A_161 = arith.constant 0 : i32
    %dma_start3A_162 = arith.constant 0 : i32
    %dma_start3A_163 = arith.constant 0 : i32
    %dma_start3A_164 = tpu.memref_slice %arg6[%dma_start3A_161, %dma_start3A_162, %dma_start3A_163] : memref<2x48x512xi32, #tpu.memory_space<vmem>> -> memref<1x40x512xi32, #tpu.memory_space<vmem>>
    %dma_start3A_165 = tpu.memref_squeeze %dma_start3A_164 : memref<1x40x512xi32, #tpu.memory_space<vmem>> -> memref<40x512xi32, #tpu.memory_space<vmem>>
    %dma_start3A_166 = arith.constant 152 : i32
    %dma_start3A_167 = tpu.memref_slice %arg2[%dma_start3A_166, %mul3A_2] : memref<200x16384xi32, #tpu.memory_space<hbm>> -> memref<40x512xi32, #tpu.memory_space<hbm>>
    %dma_start3A_168 = arith.constant 0 : i32
    %dma_start3A_169 = arith.constant 0 : i32
    %dma_start3A_170 = tpu.memref_slice %arg6[%dma_start3A_161, %dma_start3A_168, %dma_start3A_169] : memref<2x48x512xi32, #tpu.memory_space<vmem>> -> memref<1x40x512xi32, #tpu.memory_space<vmem>>
    %dma_start3A_171 = tpu.memref_squeeze %dma_start3A_170 : memref<1x40x512xi32, #tpu.memory_space<vmem>> -> memref<40x512xi32, #tpu.memory_space<vmem>>
    %dma_start3A_172 = arith.constant 152 : i32
    %dma_start3A_173 = tpu.memref_slice %arg2[%dma_start3A_172, %mul3A_2] : memref<200x16384xi32, #tpu.memory_space<hbm>> -> memref<40x512xi32, #tpu.memory_space<hbm>>
    tpu.enqueue_dma source(%dma_start3A_173 : memref<40x512xi32, #tpu.memory_space<hbm>>) target(%dma_start3A_171 : memref<40x512xi32, #tpu.memory_space<vmem>>) target_semaphore(%arg8 : memref<!tpu.dma_semaphore, #tpu.memory_space<semaphore_mem>>)
    %dma_wait3A_174 = arith.constant 1 : i32
    %dma_wait3A_175 = arith.constant 0 : i32
    %dma_wait3A_176 = arith.constant 0 : i32
    %dma_wait3A_177 = tpu.memref_slice %arg6[%dma_wait3A_174, %dma_wait3A_175, %dma_wait3A_176] : memref<2x48x512xi32, #tpu.memory_space<vmem>> -> memref<1x48x512xi32, #tpu.memory_space<vmem>>
    %dma_wait3A_178 = tpu.memref_squeeze %dma_wait3A_177 : memref<1x48x512xi32, #tpu.memory_space<vmem>> -> memref<48x512xi32, #tpu.memory_space<vmem>>
    %dma_wait3A_179 = arith.constant 104 : i32
    %dma_wait3A_180 = tpu.memref_slice %arg2[%dma_wait3A_179, %mul3A_2] : memref<200x16384xi32, #tpu.memory_space<hbm>> -> memref<48x512xi32, #tpu.memory_space<hbm>>
    %dma_wait3A_181 = arith.constant 0 : i32
    %dma_wait3A_182 = arith.constant 0 : i32
    %dma_wait3A_183 = tpu.memref_slice %arg6[%dma_wait3A_174, %dma_wait3A_181, %dma_wait3A_182] : memref<2x48x512xi32, #tpu.memory_space<vmem>> -> memref<1x48x512xi32, #tpu.memory_space<vmem>>
    %dma_wait3A_184 = tpu.memref_squeeze %dma_wait3A_183 : memref<1x48x512xi32, #tpu.memory_space<vmem>> -> memref<48x512xi32, #tpu.memory_space<vmem>>
    %dma_wait3A_185 = arith.constant 104 : i32
    %dma_wait3A_186 = tpu.memref_slice %arg2[%dma_wait3A_185, %mul3A_2] : memref<200x16384xi32, #tpu.memory_space<hbm>> -> memref<48x512xi32, #tpu.memory_space<hbm>>
    tpu.wait_dma2 semaphore(%arg9 : memref<!tpu.dma_semaphore, #tpu.memory_space<semaphore_mem>>) src(%dma_wait3A_186 : memref<48x512xi32, #tpu.memory_space<hbm>>) dst(%dma_wait3A_184 : memref<48x512xi32, #tpu.memory_space<vmem>>)
    %dma_wait3A_187 = arith.constant 1 : i32
    %dma_wait3A_188 = arith.constant 0 : i32
    %dma_wait3A_189 = arith.constant 0 : i32
    %dma_wait3A_190 = tpu.memref_slice %arg7[%dma_wait3A_187, %dma_wait3A_188, %dma_wait3A_189] : memref<2x48x512xf32, #tpu.memory_space<vmem>> -> memref<1x48x512xf32, #tpu.memory_space<vmem>>
    %dma_wait3A_191 = tpu.memref_squeeze %dma_wait3A_190 : memref<1x48x512xf32, #tpu.memory_space<vmem>> -> memref<48x512xf32, #tpu.memory_space<vmem>>
    %dma_wait3A_192 = arith.constant 8 : i32
    %dma_wait3A_193 = tpu.memref_slice %arg4[%dma_wait3A_192, %mul3A_2] : memref<200x16384xf32, #tpu.memory_space<hbm>> -> memref<48x512xf32, #tpu.memory_space<hbm>>
    %dma_wait3A_194 = arith.constant 8 : i32
    %dma_wait3A_195 = tpu.memref_slice %arg4[%dma_wait3A_194, %mul3A_2] : memref<200x16384xf32, #tpu.memory_space<hbm>> -> memref<48x512xf32, #tpu.memory_space<hbm>>
    %dma_wait3A_196 = arith.constant 0 : i32
    %dma_wait3A_197 = arith.constant 0 : i32
    %dma_wait3A_198 = tpu.memref_slice %arg7[%dma_wait3A_187, %dma_wait3A_196, %dma_wait3A_197] : memref<2x48x512xf32, #tpu.memory_space<vmem>> -> memref<1x48x512xf32, #tpu.memory_space<vmem>>
    %dma_wait3A_199 = tpu.memref_squeeze %dma_wait3A_198 : memref<1x48x512xf32, #tpu.memory_space<vmem>> -> memref<48x512xf32, #tpu.memory_space<vmem>>
    tpu.wait_dma2 semaphore(%arg11 : memref<!tpu.dma_semaphore, #tpu.memory_space<semaphore_mem>>) src(%dma_wait3A_199 : memref<48x512xf32, #tpu.memory_space<vmem>>) dst(%dma_wait3A_195 : memref<48x512xf32, #tpu.memory_space<hbm>>)
    %scan3A_200 = arith.constant 0 : i32
    %scan3A_201 = arith.constant 0 : i32
    %scan3A_202 = arith.constant 48 : i32
    %scan3A_203 = arith.addi %scan3A_201, %scan3A_202 : i32
    %scan3A_204 = arith.constant 1 : i32
    scf.for %scan3A_348 = %scan3A_201 to %scan3A_203 step %scan3A_204  : i32 {
      %get3A = arith.constant 1 : i32
      %get3A_349 = arith.index_cast %get3A : i32 to index
      %get3A_350 = arith.index_cast %scan3A_348 : i32 to index
      %get3A_351 = arith.constant 0 : index
      %get3A_352 = tpu.vector_load %arg6[%get3A_349, %get3A_350, %get3A_351] {strides = array<i32>} : memref<2x48x512xi32, #tpu.memory_space<vmem>>, vector<16xi32>,
      %get3A_353 = arith.constant 1 : i32
      %get3A_354 = arith.index_cast %get3A_353 : i32 to index
      %get3A_355 = arith.index_cast %scan3A_348 : i32 to index
      %get3A_356 = arith.constant 16 : index
      %get3A_357 = tpu.vector_load %arg6[%get3A_354, %get3A_355, %get3A_356] {strides = array<i32>} : memref<2x48x512xi32, #tpu.memory_space<vmem>>, vector<16xi32>,
      %get3A_358 = arith.constant 1 : i32
      %get3A_359 = arith.index_cast %get3A_358 : i32 to index
      %get3A_360 = arith.index_cast %scan3A_348 : i32 to index
      %get3A_361 = arith.constant 32 : index
      %get3A_362 = tpu.vector_load %arg6[%get3A_359, %get3A_360, %get3A_361] {strides = array<i32>} : memref<2x48x512xi32, #tpu.memory_space<vmem>>, vector<16xi32>,
      %get3A_363 = arith.constant 1 : i32
      %get3A_364 = arith.index_cast %get3A_363 : i32 to index
      %get3A_365 = arith.index_cast %scan3A_348 : i32 to index
      %get3A_366 = arith.constant 48 : index
      %get3A_367 = tpu.vector_load %arg6[%get3A_364, %get3A_365, %get3A_366] {strides = array<i32>} : memref<2x48x512xi32, #tpu.memory_space<vmem>>, vector<16xi32>,
      %get3A_368 = arith.constant 1 : i32
      %get3A_369 = arith.index_cast %get3A_368 : i32 to index
      %get3A_370 = arith.index_cast %scan3A_348 : i32 to index
      %get3A_371 = arith.constant 64 : index
      %get3A_372 = tpu.vector_load %arg6[%get3A_369, %get3A_370, %get3A_371] {strides = array<i32>} : memref<2x48x512xi32, #tpu.memory_space<vmem>>, vector<16xi32>,
      %get3A_373 = arith.constant 1 : i32
      %get3A_374 = arith.index_cast %get3A_373 : i32 to index
      %get3A_375 = arith.index_cast %scan3A_348 : i32 to index
      %get3A_376 = arith.constant 80 : index
      %get3A_377 = tpu.vector_load %arg6[%get3A_374, %get3A_375, %get3A_376] {strides = array<i32>} : memref<2x48x512xi32, #tpu.memory_space<vmem>>, vector<16xi32>,
      %get3A_378 = arith.constant 1 : i32
      %get3A_379 = arith.index_cast %get3A_378 : i32 to index
      %get3A_380 = arith.index_cast %scan3A_348 : i32 to index
      %get3A_381 = arith.constant 96 : index
      %get3A_382 = tpu.vector_load %arg6[%get3A_379, %get3A_380, %get3A_381] {strides = array<i32>} : memref<2x48x512xi32, #tpu.memory_space<vmem>>, vector<16xi32>,
      %get3A_383 = arith.constant 1 : i32
      %get3A_384 = arith.index_cast %get3A_383 : i32 to index
      %get3A_385 = arith.index_cast %scan3A_348 : i32 to index
      %get3A_386 = arith.constant 112 : index
      %get3A_387 = tpu.vector_load %arg6[%get3A_384, %get3A_385, %get3A_386] {strides = array<i32>} : memref<2x48x512xi32, #tpu.memory_space<vmem>>, vector<16xi32>,
      %get3A_388 = arith.constant 1 : i32
      %get3A_389 = arith.index_cast %get3A_388 : i32 to index
      %get3A_390 = arith.index_cast %scan3A_348 : i32 to index
      %get3A_391 = arith.constant 128 : index
      %get3A_392 = tpu.vector_load %arg6[%get3A_389, %get3A_390, %get3A_391] {strides = array<i32>} : memref<2x48x512xi32, #tpu.memory_space<vmem>>, vector<16xi32>,
      %get3A_393 = arith.constant 1 : i32
      %get3A_394 = arith.index_cast %get3A_393 : i32 to index
      %get3A_395 = arith.index_cast %scan3A_348 : i32 to index
      %get3A_396 = arith.constant 144 : index
      %get3A_397 = tpu.vector_load %arg6[%get3A_394, %get3A_395, %get3A_396] {strides = array<i32>} : memref<2x48x512xi32, #tpu.memory_space<vmem>>, vector<16xi32>,
      %get3A_398 = arith.constant 1 : i32
      %get3A_399 = arith.index_cast %get3A_398 : i32 to index
      %get3A_400 = arith.index_cast %scan3A_348 : i32 to index
      %get3A_401 = arith.constant 160 : index
      %get3A_402 = tpu.vector_load %arg6[%get3A_399, %get3A_400, %get3A_401] {strides = array<i32>} : memref<2x48x512xi32, #tpu.memory_space<vmem>>, vector<16xi32>,
      %get3A_403 = arith.constant 1 : i32
      %get3A_404 = arith.index_cast %get3A_403 : i32 to index
      %get3A_405 = arith.index_cast %scan3A_348 : i32 to index
      %get3A_406 = arith.constant 176 : index
      %get3A_407 = tpu.vector_load %arg6[%get3A_404, %get3A_405, %get3A_406] {strides = array<i32>} : memref<2x48x512xi32, #tpu.memory_space<vmem>>, vector<16xi32>,
      %get3A_408 = arith.constant 1 : i32
      %get3A_409 = arith.index_cast %get3A_408 : i32 to index
      %get3A_410 = arith.index_cast %scan3A_348 : i32 to index
      %get3A_411 = arith.constant 192 : index
      %get3A_412 = tpu.vector_load %arg6[%get3A_409, %get3A_410, %get3A_411] {strides = array<i32>} : memref<2x48x512xi32, #tpu.memory_space<vmem>>, vector<16xi32>,
      %get3A_413 = arith.constant 1 : i32
      %get3A_414 = arith.index_cast %get3A_413 : i32 to index
      %get3A_415 = arith.index_cast %scan3A_348 : i32 to index
      %get3A_416 = arith.constant 208 : index
      %get3A_417 = tpu.vector_load %arg6[%get3A_414, %get3A_415, %get3A_416] {strides = array<i32>} : memref<2x48x512xi32, #tpu.memory_space<vmem>>, vector<16xi32>,
      %get3A_418 = arith.constant 1 : i32
      %get3A_419 = arith.index_cast %get3A_418 : i32 to index
      %get3A_420 = arith.index_cast %scan3A_348 : i32 to index
      %get3A_421 = arith.constant 224 : index
      %get3A_422 = tpu.vector_load %arg6[%get3A_419, %get3A_420, %get3A_421] {strides = array<i32>} : memref<2x48x512xi32, #tpu.memory_space<vmem>>, vector<16xi32>,
      %get3A_423 = arith.constant 1 : i32
      %get3A_424 = arith.index_cast %get3A_423 : i32 to index
      %get3A_425 = arith.index_cast %scan3A_348 : i32 to index
      %get3A_426 = arith.constant 240 : index
      %get3A_427 = tpu.vector_load %arg6[%get3A_424, %get3A_425, %get3A_426] {strides = array<i32>} : memref<2x48x512xi32, #tpu.memory_space<vmem>>, vector<16xi32>,
      %get3A_428 = arith.constant 1 : i32
      %get3A_429 = arith.index_cast %get3A_428 : i32 to index
      %get3A_430 = arith.index_cast %scan3A_348 : i32 to index
      %get3A_431 = arith.constant 256 : index
      %get3A_432 = tpu.vector_load %arg6[%get3A_429, %get3A_430, %get3A_431] {strides = array<i32>} : memref<2x48x512xi32, #tpu.memory_space<vmem>>, vector<16xi32>,
      %get3A_433 = arith.constant 1 : i32
      %get3A_434 = arith.index_cast %get3A_433 : i32 to index
      %get3A_435 = arith.index_cast %scan3A_348 : i32 to index
      %get3A_436 = arith.constant 272 : index
      %get3A_437 = tpu.vector_load %arg6[%get3A_434, %get3A_435, %get3A_436] {strides = array<i32>} : memref<2x48x512xi32, #tpu.memory_space<vmem>>, vector<16xi32>,
      %get3A_438 = arith.constant 1 : i32
      %get3A_439 = arith.index_cast %get3A_438 : i32 to index
      %get3A_440 = arith.index_cast %scan3A_348 : i32 to index
      %get3A_441 = arith.constant 288 : index
      %get3A_442 = tpu.vector_load %arg6[%get3A_439, %get3A_440, %get3A_441] {strides = array<i32>} : memref<2x48x512xi32, #tpu.memory_space<vmem>>, vector<16xi32>,
      %get3A_443 = arith.constant 1 : i32
      %get3A_444 = arith.index_cast %get3A_443 : i32 to index
      %get3A_445 = arith.index_cast %scan3A_348 : i32 to index
      %get3A_446 = arith.constant 304 : index
      %get3A_447 = tpu.vector_load %arg6[%get3A_444, %get3A_445, %get3A_446] {strides = array<i32>} : memref<2x48x512xi32, #tpu.memory_space<vmem>>, vector<16xi32>,
      %get3A_448 = arith.constant 1 : i32
      %get3A_449 = arith.index_cast %get3A_448 : i32 to index
      %get3A_450 = arith.index_cast %scan3A_348 : i32 to index
      %get3A_451 = arith.constant 320 : index
      %get3A_452 = tpu.vector_load %arg6[%get3A_449, %get3A_450, %get3A_451] {strides = array<i32>} : memref<2x48x512xi32, #tpu.memory_space<vmem>>, vector<16xi32>,
      %get3A_453 = arith.constant 1 : i32
      %get3A_454 = arith.index_cast %get3A_453 : i32 to index
      %get3A_455 = arith.index_cast %scan3A_348 : i32 to index
      %get3A_456 = arith.constant 336 : index
      %get3A_457 = tpu.vector_load %arg6[%get3A_454, %get3A_455, %get3A_456] {strides = array<i32>} : memref<2x48x512xi32, #tpu.memory_space<vmem>>, vector<16xi32>,
      %get3A_458 = arith.constant 1 : i32
      %get3A_459 = arith.index_cast %get3A_458 : i32 to index
      %get3A_460 = arith.index_cast %scan3A_348 : i32 to index
      %get3A_461 = arith.constant 352 : index
      %get3A_462 = tpu.vector_load %arg6[%get3A_459, %get3A_460, %get3A_461] {strides = array<i32>} : memref<2x48x512xi32, #tpu.memory_space<vmem>>, vector<16xi32>,
      %get3A_463 = arith.constant 1 : i32
      %get3A_464 = arith.index_cast %get3A_463 : i32 to index
      %get3A_465 = arith.index_cast %scan3A_348 : i32 to index
      %get3A_466 = arith.constant 368 : index
      %get3A_467 = tpu.vector_load %arg6[%get3A_464, %get3A_465, %get3A_466] {strides = array<i32>} : memref<2x48x512xi32, #tpu.memory_space<vmem>>, vector<16xi32>,
      %get3A_468 = arith.constant 1 : i32
      %get3A_469 = arith.index_cast %get3A_468 : i32 to index
      %get3A_470 = arith.index_cast %scan3A_348 : i32 to index
      %get3A_471 = arith.constant 384 : index
      %get3A_472 = tpu.vector_load %arg6[%get3A_469, %get3A_470, %get3A_471] {strides = array<i32>} : memref<2x48x512xi32, #tpu.memory_space<vmem>>, vector<16xi32>,
      %get3A_473 = arith.constant 1 : i32
      %get3A_474 = arith.index_cast %get3A_473 : i32 to index
      %get3A_475 = arith.index_cast %scan3A_348 : i32 to index
      %get3A_476 = arith.constant 400 : index
      %get3A_477 = tpu.vector_load %arg6[%get3A_474, %get3A_475, %get3A_476] {strides = array<i32>} : memref<2x48x512xi32, #tpu.memory_space<vmem>>, vector<16xi32>,
      %get3A_478 = arith.constant 1 : i32
      %get3A_479 = arith.index_cast %get3A_478 : i32 to index
      %get3A_480 = arith.index_cast %scan3A_348 : i32 to index
      %get3A_481 = arith.constant 416 : index
      %get3A_482 = tpu.vector_load %arg6[%get3A_479, %get3A_480, %get3A_481] {strides = array<i32>} : memref<2x48x512xi32, #tpu.memory_space<vmem>>, vector<16xi32>,
      %get3A_483 = arith.constant 1 : i32
      %get3A_484 = arith.index_cast %get3A_483 : i32 to index
      %get3A_485 = arith.index_cast %scan3A_348 : i32 to index
      %get3A_486 = arith.constant 432 : index
      %get3A_487 = tpu.vector_load %arg6[%get3A_484, %get3A_485, %get3A_486] {strides = array<i32>} : memref<2x48x512xi32, #tpu.memory_space<vmem>>, vector<16xi32>,
      %get3A_488 = arith.constant 1 : i32
      %get3A_489 = arith.index_cast %get3A_488 : i32 to index
      %get3A_490 = arith.index_cast %scan3A_348 : i32 to index
      %get3A_491 = arith.constant 448 : index
      %get3A_492 = tpu.vector_load %arg6[%get3A_489, %get3A_490, %get3A_491] {strides = array<i32>} : memref<2x48x512xi32, #tpu.memory_space<vmem>>, vector<16xi32>,
      %get3A_493 = arith.constant 1 : i32
      %get3A_494 = arith.index_cast %get3A_493 : i32 to index
      %get3A_495 = arith.index_cast %scan3A_348 : i32 to index
      %get3A_496 = arith.constant 464 : index
      %get3A_497 = tpu.vector_load %arg6[%get3A_494, %get3A_495, %get3A_496] {strides = array<i32>} : memref<2x48x512xi32, #tpu.memory_space<vmem>>, vector<16xi32>,
      %get3A_498 = arith.constant 1 : i32
      %get3A_499 = arith.index_cast %get3A_498 : i32 to index
      %get3A_500 = arith.index_cast %scan3A_348 : i32 to index
      %get3A_501 = arith.constant 480 : index
      %get3A_502 = tpu.vector_load %arg6[%get3A_499, %get3A_500, %get3A_501] {strides = array<i32>} : memref<2x48x512xi32, #tpu.memory_space<vmem>>, vector<16xi32>,
      %get3A_503 = arith.constant 1 : i32
      %get3A_504 = arith.index_cast %get3A_503 : i32 to index
      %get3A_505 = arith.index_cast %scan3A_348 : i32 to index
      %get3A_506 = arith.constant 496 : index
      %get3A_507 = tpu.vector_load %arg6[%get3A_504, %get3A_505, %get3A_506] {strides = array<i32>} : memref<2x48x512xi32, #tpu.memory_space<vmem>>, vector<16xi32>,
      %gather3A = tpu.vector_load_idx %arg5[%get3A_352] : memref<1000xf32, #tpu.memory_space<vmem>>[vector<16xi32>], vector<16xf32>,
      %gather3A_508 = tpu.vector_load_idx %arg5[%get3A_357] : memref<1000xf32, #tpu.memory_space<vmem>>[vector<16xi32>], vector<16xf32>,
      %gather3A_509 = tpu.vector_load_idx %arg5[%get3A_362] : memref<1000xf32, #tpu.memory_space<vmem>>[vector<16xi32>], vector<16xf32>,
      %gather3A_510 = tpu.vector_load_idx %arg5[%get3A_367] : memref<1000xf32, #tpu.memory_space<vmem>>[vector<16xi32>], vector<16xf32>,
      %gather3A_511 = tpu.vector_load_idx %arg5[%get3A_372] : memref<1000xf32, #tpu.memory_space<vmem>>[vector<16xi32>], vector<16xf32>,
      %gather3A_512 = tpu.vector_load_idx %arg5[%get3A_377] : memref<1000xf32, #tpu.memory_space<vmem>>[vector<16xi32>], vector<16xf32>,
      %gather3A_513 = tpu.vector_load_idx %arg5[%get3A_382] : memref<1000xf32, #tpu.memory_space<vmem>>[vector<16xi32>], vector<16xf32>,
      %gather3A_514 = tpu.vector_load_idx %arg5[%get3A_387] : memref<1000xf32, #tpu.memory_space<vmem>>[vector<16xi32>], vector<16xf32>,
      %gather3A_515 = tpu.vector_load_idx %arg5[%get3A_392] : memref<1000xf32, #tpu.memory_space<vmem>>[vector<16xi32>], vector<16xf32>,
      %gather3A_516 = tpu.vector_load_idx %arg5[%get3A_397] : memref<1000xf32, #tpu.memory_space<vmem>>[vector<16xi32>], vector<16xf32>,
      %gather3A_517 = tpu.vector_load_idx %arg5[%get3A_402] : memref<1000xf32, #tpu.memory_space<vmem>>[vector<16xi32>], vector<16xf32>,
      %gather3A_518 = tpu.vector_load_idx %arg5[%get3A_407] : memref<1000xf32, #tpu.memory_space<vmem>>[vector<16xi32>], vector<16xf32>,
      %gather3A_519 = tpu.vector_load_idx %arg5[%get3A_412] : memref<1000xf32, #tpu.memory_space<vmem>>[vector<16xi32>], vector<16xf32>,
      %gather3A_520 = tpu.vector_load_idx %arg5[%get3A_417] : memref<1000xf32, #tpu.memory_space<vmem>>[vector<16xi32>], vector<16xf32>,
      %gather3A_521 = tpu.vector_load_idx %arg5[%get3A_422] : memref<1000xf32, #tpu.memory_space<vmem>>[vector<16xi32>], vector<16xf32>,
      %gather3A_522 = tpu.vector_load_idx %arg5[%get3A_427] : memref<1000xf32, #tpu.memory_space<vmem>>[vector<16xi32>], vector<16xf32>,
      %gather3A_523 = tpu.vector_load_idx %arg5[%get3A_432] : memref<1000xf32, #tpu.memory_space<vmem>>[vector<16xi32>], vector<16xf32>,
      %gather3A_524 = tpu.vector_load_idx %arg5[%get3A_437] : memref<1000xf32, #tpu.memory_space<vmem>>[vector<16xi32>], vector<16xf32>,
      %gather3A_525 = tpu.vector_load_idx %arg5[%get3A_442] : memref<1000xf32, #tpu.memory_space<vmem>>[vector<16xi32>], vector<16xf32>,
      %gather3A_526 = tpu.vector_load_idx %arg5[%get3A_447] : memref<1000xf32, #tpu.memory_space<vmem>>[vector<16xi32>], vector<16xf32>,
      %gather3A_527 = tpu.vector_load_idx %arg5[%get3A_452] : memref<1000xf32, #tpu.memory_space<vmem>>[vector<16xi32>], vector<16xf32>,
      %gather3A_528 = tpu.vector_load_idx %arg5[%get3A_457] : memref<1000xf32, #tpu.memory_space<vmem>>[vector<16xi32>], vector<16xf32>,
      %gather3A_529 = tpu.vector_load_idx %arg5[%get3A_462] : memref<1000xf32, #tpu.memory_space<vmem>>[vector<16xi32>], vector<16xf32>,
      %gather3A_530 = tpu.vector_load_idx %arg5[%get3A_467] : memref<1000xf32, #tpu.memory_space<vmem>>[vector<16xi32>], vector<16xf32>,
      %gather3A_531 = tpu.vector_load_idx %arg5[%get3A_472] : memref<1000xf32, #tpu.memory_space<vmem>>[vector<16xi32>], vector<16xf32>,
      %gather3A_532 = tpu.vector_load_idx %arg5[%get3A_477] : memref<1000xf32, #tpu.memory_space<vmem>>[vector<16xi32>], vector<16xf32>,
      %gather3A_533 = tpu.vector_load_idx %arg5[%get3A_482] : memref<1000xf32, #tpu.memory_space<vmem>>[vector<16xi32>], vector<16xf32>,
      %gather3A_534 = tpu.vector_load_idx %arg5[%get3A_487] : memref<1000xf32, #tpu.memory_space<vmem>>[vector<16xi32>], vector<16xf32>,
      %gather3A_535 = tpu.vector_load_idx %arg5[%get3A_492] : memref<1000xf32, #tpu.memory_space<vmem>>[vector<16xi32>], vector<16xf32>,
      %gather3A_536 = tpu.vector_load_idx %arg5[%get3A_497] : memref<1000xf32, #tpu.memory_space<vmem>>[vector<16xi32>], vector<16xf32>,
      %gather3A_537 = tpu.vector_load_idx %arg5[%get3A_502] : memref<1000xf32, #tpu.memory_space<vmem>>[vector<16xi32>], vector<16xf32>,
      %gather3A_538 = tpu.vector_load_idx %arg5[%get3A_507] : memref<1000xf32, #tpu.memory_space<vmem>>[vector<16xi32>], vector<16xf32>,
      %swap3A = arith.constant 1 : i32
      %swap3A_539 = arith.index_cast %swap3A : i32 to index
      %swap3A_540 = arith.index_cast %scan3A_348 : i32 to index
      %swap3A_541 = arith.constant 0 : index
      %swap3A_542 = tpu.vector_load %arg7[%swap3A_539, %swap3A_540, %swap3A_541] {strides = array<i32>} : memref<2x48x512xf32, #tpu.memory_space<vmem>>, vector<16xf32>,
      tpu.vector_store %arg7[%swap3A_539, %swap3A_540, %swap3A_541], %gather3A {strides = array<i32>} : memref<2x48x512xf32, #tpu.memory_space<vmem>>, vector<16xf32>,
      %swap3A_543 = arith.constant 1 : i32
      %swap3A_544 = arith.index_cast %swap3A_543 : i32 to index
      %swap3A_545 = arith.index_cast %scan3A_348 : i32 to index
      %swap3A_546 = arith.constant 16 : index
      %swap3A_547 = tpu.vector_load %arg7[%swap3A_544, %swap3A_545, %swap3A_546] {strides = array<i32>} : memref<2x48x512xf32, #tpu.memory_space<vmem>>, vector<16xf32>,
      tpu.vector_store %arg7[%swap3A_544, %swap3A_545, %swap3A_546], %gather3A_508 {strides = array<i32>} : memref<2x48x512xf32, #tpu.memory_space<vmem>>, vector<16xf32>,
      %swap3A_548 = arith.constant 1 : i32
      %swap3A_549 = arith.index_cast %swap3A_548 : i32 to index
      %swap3A_550 = arith.index_cast %scan3A_348 : i32 to index
      %swap3A_551 = arith.constant 32 : index
      %swap3A_552 = tpu.vector_load %arg7[%swap3A_549, %swap3A_550, %swap3A_551] {strides = array<i32>} : memref<2x48x512xf32, #tpu.memory_space<vmem>>, vector<16xf32>,
      tpu.vector_store %arg7[%swap3A_549, %swap3A_550, %swap3A_551], %gather3A_509 {strides = array<i32>} : memref<2x48x512xf32, #tpu.memory_space<vmem>>, vector<16xf32>,
      %swap3A_553 = arith.constant 1 : i32
      %swap3A_554 = arith.index_cast %swap3A_553 : i32 to index
      %swap3A_555 = arith.index_cast %scan3A_348 : i32 to index
      %swap3A_556 = arith.constant 48 : index
      %swap3A_557 = tpu.vector_load %arg7[%swap3A_554, %swap3A_555, %swap3A_556] {strides = array<i32>} : memref<2x48x512xf32, #tpu.memory_space<vmem>>, vector<16xf32>,
      tpu.vector_store %arg7[%swap3A_554, %swap3A_555, %swap3A_556], %gather3A_510 {strides = array<i32>} : memref<2x48x512xf32, #tpu.memory_space<vmem>>, vector<16xf32>,
      %swap3A_558 = arith.constant 1 : i32
      %swap3A_559 = arith.index_cast %swap3A_558 : i32 to index
      %swap3A_560 = arith.index_cast %scan3A_348 : i32 to index
      %swap3A_561 = arith.constant 64 : index
      %swap3A_562 = tpu.vector_load %arg7[%swap3A_559, %swap3A_560, %swap3A_561] {strides = array<i32>} : memref<2x48x512xf32, #tpu.memory_space<vmem>>, vector<16xf32>,
      tpu.vector_store %arg7[%swap3A_559, %swap3A_560, %swap3A_561], %gather3A_511 {strides = array<i32>} : memref<2x48x512xf32, #tpu.memory_space<vmem>>, vector<16xf32>,
      %swap3A_563 = arith.constant 1 : i32
      %swap3A_564 = arith.index_cast %swap3A_563 : i32 to index
      %swap3A_565 = arith.index_cast %scan3A_348 : i32 to index
      %swap3A_566 = arith.constant 80 : index
      %swap3A_567 = tpu.vector_load %arg7[%swap3A_564, %swap3A_565, %swap3A_566] {strides = array<i32>} : memref<2x48x512xf32, #tpu.memory_space<vmem>>, vector<16xf32>,
      tpu.vector_store %arg7[%swap3A_564, %swap3A_565, %swap3A_566], %gather3A_512 {strides = array<i32>} : memref<2x48x512xf32, #tpu.memory_space<vmem>>, vector<16xf32>,
      %swap3A_568 = arith.constant 1 : i32
      %swap3A_569 = arith.index_cast %swap3A_568 : i32 to index
      %swap3A_570 = arith.index_cast %scan3A_348 : i32 to index
      %swap3A_571 = arith.constant 96 : index
      %swap3A_572 = tpu.vector_load %arg7[%swap3A_569, %swap3A_570, %swap3A_571] {strides = array<i32>} : memref<2x48x512xf32, #tpu.memory_space<vmem>>, vector<16xf32>,
      tpu.vector_store %arg7[%swap3A_569, %swap3A_570, %swap3A_571], %gather3A_513 {strides = array<i32>} : memref<2x48x512xf32, #tpu.memory_space<vmem>>, vector<16xf32>,
      %swap3A_573 = arith.constant 1 : i32
      %swap3A_574 = arith.index_cast %swap3A_573 : i32 to index
      %swap3A_575 = arith.index_cast %scan3A_348 : i32 to index
      %swap3A_576 = arith.constant 112 : index
      %swap3A_577 = tpu.vector_load %arg7[%swap3A_574, %swap3A_575, %swap3A_576] {strides = array<i32>} : memref<2x48x512xf32, #tpu.memory_space<vmem>>, vector<16xf32>,
      tpu.vector_store %arg7[%swap3A_574, %swap3A_575, %swap3A_576], %gather3A_514 {strides = array<i32>} : memref<2x48x512xf32, #tpu.memory_space<vmem>>, vector<16xf32>,
      %swap3A_578 = arith.constant 1 : i32
      %swap3A_579 = arith.index_cast %swap3A_578 : i32 to index
      %swap3A_580 = arith.index_cast %scan3A_348 : i32 to index
      %swap3A_581 = arith.constant 128 : index
      %swap3A_582 = tpu.vector_load %arg7[%swap3A_579, %swap3A_580, %swap3A_581] {strides = array<i32>} : memref<2x48x512xf32, #tpu.memory_space<vmem>>, vector<16xf32>,
      tpu.vector_store %arg7[%swap3A_579, %swap3A_580, %swap3A_581], %gather3A_515 {strides = array<i32>} : memref<2x48x512xf32, #tpu.memory_space<vmem>>, vector<16xf32>,
      %swap3A_583 = arith.constant 1 : i32
      %swap3A_584 = arith.index_cast %swap3A_583 : i32 to index
      %swap3A_585 = arith.index_cast %scan3A_348 : i32 to index
      %swap3A_586 = arith.constant 144 : index
      %swap3A_587 = tpu.vector_load %arg7[%swap3A_584, %swap3A_585, %swap3A_586] {strides = array<i32>} : memref<2x48x512xf32, #tpu.memory_space<vmem>>, vector<16xf32>,
      tpu.vector_store %arg7[%swap3A_584, %swap3A_585, %swap3A_586], %gather3A_516 {strides = array<i32>} : memref<2x48x512xf32, #tpu.memory_space<vmem>>, vector<16xf32>,
      %swap3A_588 = arith.constant 1 : i32
      %swap3A_589 = arith.index_cast %swap3A_588 : i32 to index
      %swap3A_590 = arith.index_cast %scan3A_348 : i32 to index
      %swap3A_591 = arith.constant 160 : index
      %swap3A_592 = tpu.vector_load %arg7[%swap3A_589, %swap3A_590, %swap3A_591] {strides = array<i32>} : memref<2x48x512xf32, #tpu.memory_space<vmem>>, vector<16xf32>,
      tpu.vector_store %arg7[%swap3A_589, %swap3A_590, %swap3A_591], %gather3A_517 {strides = array<i32>} : memref<2x48x512xf32, #tpu.memory_space<vmem>>, vector<16xf32>,
      %swap3A_593 = arith.constant 1 : i32
      %swap3A_594 = arith.index_cast %swap3A_593 : i32 to index
      %swap3A_595 = arith.index_cast %scan3A_348 : i32 to index
      %swap3A_596 = arith.constant 176 : index
      %swap3A_597 = tpu.vector_load %arg7[%swap3A_594, %swap3A_595, %swap3A_596] {strides = array<i32>} : memref<2x48x512xf32, #tpu.memory_space<vmem>>, vector<16xf32>,
      tpu.vector_store %arg7[%swap3A_594, %swap3A_595, %swap3A_596], %gather3A_518 {strides = array<i32>} : memref<2x48x512xf32, #tpu.memory_space<vmem>>, vector<16xf32>,
      %swap3A_598 = arith.constant 1 : i32
      %swap3A_599 = arith.index_cast %swap3A_598 : i32 to index
      %swap3A_600 = arith.index_cast %scan3A_348 : i32 to index
      %swap3A_601 = arith.constant 192 : index
      %swap3A_602 = tpu.vector_load %arg7[%swap3A_599, %swap3A_600, %swap3A_601] {strides = array<i32>} : memref<2x48x512xf32, #tpu.memory_space<vmem>>, vector<16xf32>,
      tpu.vector_store %arg7[%swap3A_599, %swap3A_600, %swap3A_601], %gather3A_519 {strides = array<i32>} : memref<2x48x512xf32, #tpu.memory_space<vmem>>, vector<16xf32>,
      %swap3A_603 = arith.constant 1 : i32
      %swap3A_604 = arith.index_cast %swap3A_603 : i32 to index
      %swap3A_605 = arith.index_cast %scan3A_348 : i32 to index
      %swap3A_606 = arith.constant 208 : index
      %swap3A_607 = tpu.vector_load %arg7[%swap3A_604, %swap3A_605, %swap3A_606] {strides = array<i32>} : memref<2x48x512xf32, #tpu.memory_space<vmem>>, vector<16xf32>,
      tpu.vector_store %arg7[%swap3A_604, %swap3A_605, %swap3A_606], %gather3A_520 {strides = array<i32>} : memref<2x48x512xf32, #tpu.memory_space<vmem>>, vector<16xf32>,
      %swap3A_608 = arith.constant 1 : i32
      %swap3A_609 = arith.index_cast %swap3A_608 : i32 to index
      %swap3A_610 = arith.index_cast %scan3A_348 : i32 to index
      %swap3A_611 = arith.constant 224 : index
      %swap3A_612 = tpu.vector_load %arg7[%swap3A_609, %swap3A_610, %swap3A_611] {strides = array<i32>} : memref<2x48x512xf32, #tpu.memory_space<vmem>>, vector<16xf32>,
      tpu.vector_store %arg7[%swap3A_609, %swap3A_610, %swap3A_611], %gather3A_521 {strides = array<i32>} : memref<2x48x512xf32, #tpu.memory_space<vmem>>, vector<16xf32>,
      %swap3A_613 = arith.constant 1 : i32
      %swap3A_614 = arith.index_cast %swap3A_613 : i32 to index
      %swap3A_615 = arith.index_cast %scan3A_348 : i32 to index
      %swap3A_616 = arith.constant 240 : index
      %swap3A_617 = tpu.vector_load %arg7[%swap3A_614, %swap3A_615, %swap3A_616] {strides = array<i32>} : memref<2x48x512xf32, #tpu.memory_space<vmem>>, vector<16xf32>,
      tpu.vector_store %arg7[%swap3A_614, %swap3A_615, %swap3A_616], %gather3A_522 {strides = array<i32>} : memref<2x48x512xf32, #tpu.memory_space<vmem>>, vector<16xf32>,
      %swap3A_618 = arith.constant 1 : i32
      %swap3A_619 = arith.index_cast %swap3A_618 : i32 to index
      %swap3A_620 = arith.index_cast %scan3A_348 : i32 to index
      %swap3A_621 = arith.constant 256 : index
      %swap3A_622 = tpu.vector_load %arg7[%swap3A_619, %swap3A_620, %swap3A_621] {strides = array<i32>} : memref<2x48x512xf32, #tpu.memory_space<vmem>>, vector<16xf32>,
      tpu.vector_store %arg7[%swap3A_619, %swap3A_620, %swap3A_621], %gather3A_523 {strides = array<i32>} : memref<2x48x512xf32, #tpu.memory_space<vmem>>, vector<16xf32>,
      %swap3A_623 = arith.constant 1 : i32
      %swap3A_624 = arith.index_cast %swap3A_623 : i32 to index
      %swap3A_625 = arith.index_cast %scan3A_348 : i32 to index
      %swap3A_626 = arith.constant 272 : index
      %swap3A_627 = tpu.vector_load %arg7[%swap3A_624, %swap3A_625, %swap3A_626] {strides = array<i32>} : memref<2x48x512xf32, #tpu.memory_space<vmem>>, vector<16xf32>,
      tpu.vector_store %arg7[%swap3A_624, %swap3A_625, %swap3A_626], %gather3A_524 {strides = array<i32>} : memref<2x48x512xf32, #tpu.memory_space<vmem>>, vector<16xf32>,
      %swap3A_628 = arith.constant 1 : i32
      %swap3A_629 = arith.index_cast %swap3A_628 : i32 to index
      %swap3A_630 = arith.index_cast %scan3A_348 : i32 to index
      %swap3A_631 = arith.constant 288 : index
      %swap3A_632 = tpu.vector_load %arg7[%swap3A_629, %swap3A_630, %swap3A_631] {strides = array<i32>} : memref<2x48x512xf32, #tpu.memory_space<vmem>>, vector<16xf32>,
      tpu.vector_store %arg7[%swap3A_629, %swap3A_630, %swap3A_631], %gather3A_525 {strides = array<i32>} : memref<2x48x512xf32, #tpu.memory_space<vmem>>, vector<16xf32>,
      %swap3A_633 = arith.constant 1 : i32
      %swap3A_634 = arith.index_cast %swap3A_633 : i32 to index
      %swap3A_635 = arith.index_cast %scan3A_348 : i32 to index
      %swap3A_636 = arith.constant 304 : index
      %swap3A_637 = tpu.vector_load %arg7[%swap3A_634, %swap3A_635, %swap3A_636] {strides = array<i32>} : memref<2x48x512xf32, #tpu.memory_space<vmem>>, vector<16xf32>,
      tpu.vector_store %arg7[%swap3A_634, %swap3A_635, %swap3A_636], %gather3A_526 {strides = array<i32>} : memref<2x48x512xf32, #tpu.memory_space<vmem>>, vector<16xf32>,
      %swap3A_638 = arith.constant 1 : i32
      %swap3A_639 = arith.index_cast %swap3A_638 : i32 to index
      %swap3A_640 = arith.index_cast %scan3A_348 : i32 to index
      %swap3A_641 = arith.constant 320 : index
      %swap3A_642 = tpu.vector_load %arg7[%swap3A_639, %swap3A_640, %swap3A_641] {strides = array<i32>} : memref<2x48x512xf32, #tpu.memory_space<vmem>>, vector<16xf32>,
      tpu.vector_store %arg7[%swap3A_639, %swap3A_640, %swap3A_641], %gather3A_527 {strides = array<i32>} : memref<2x48x512xf32, #tpu.memory_space<vmem>>, vector<16xf32>,
      %swap3A_643 = arith.constant 1 : i32
      %swap3A_644 = arith.index_cast %swap3A_643 : i32 to index
      %swap3A_645 = arith.index_cast %scan3A_348 : i32 to index
      %swap3A_646 = arith.constant 336 : index
      %swap3A_647 = tpu.vector_load %arg7[%swap3A_644, %swap3A_645, %swap3A_646] {strides = array<i32>} : memref<2x48x512xf32, #tpu.memory_space<vmem>>, vector<16xf32>,
      tpu.vector_store %arg7[%swap3A_644, %swap3A_645, %swap3A_646], %gather3A_528 {strides = array<i32>} : memref<2x48x512xf32, #tpu.memory_space<vmem>>, vector<16xf32>,
      %swap3A_648 = arith.constant 1 : i32
      %swap3A_649 = arith.index_cast %swap3A_648 : i32 to index
      %swap3A_650 = arith.index_cast %scan3A_348 : i32 to index
      %swap3A_651 = arith.constant 352 : index
      %swap3A_652 = tpu.vector_load %arg7[%swap3A_649, %swap3A_650, %swap3A_651] {strides = array<i32>} : memref<2x48x512xf32, #tpu.memory_space<vmem>>, vector<16xf32>,
      tpu.vector_store %arg7[%swap3A_649, %swap3A_650, %swap3A_651], %gather3A_529 {strides = array<i32>} : memref<2x48x512xf32, #tpu.memory_space<vmem>>, vector<16xf32>,
      %swap3A_653 = arith.constant 1 : i32
      %swap3A_654 = arith.index_cast %swap3A_653 : i32 to index
      %swap3A_655 = arith.index_cast %scan3A_348 : i32 to index
      %swap3A_656 = arith.constant 368 : index
      %swap3A_657 = tpu.vector_load %arg7[%swap3A_654, %swap3A_655, %swap3A_656] {strides = array<i32>} : memref<2x48x512xf32, #tpu.memory_space<vmem>>, vector<16xf32>,
      tpu.vector_store %arg7[%swap3A_654, %swap3A_655, %swap3A_656], %gather3A_530 {strides = array<i32>} : memref<2x48x512xf32, #tpu.memory_space<vmem>>, vector<16xf32>,
      %swap3A_658 = arith.constant 1 : i32
      %swap3A_659 = arith.index_cast %swap3A_658 : i32 to index
      %swap3A_660 = arith.index_cast %scan3A_348 : i32 to index
      %swap3A_661 = arith.constant 384 : index
      %swap3A_662 = tpu.vector_load %arg7[%swap3A_659, %swap3A_660, %swap3A_661] {strides = array<i32>} : memref<2x48x512xf32, #tpu.memory_space<vmem>>, vector<16xf32>,
      tpu.vector_store %arg7[%swap3A_659, %swap3A_660, %swap3A_661], %gather3A_531 {strides = array<i32>} : memref<2x48x512xf32, #tpu.memory_space<vmem>>, vector<16xf32>,
      %swap3A_663 = arith.constant 1 : i32
      %swap3A_664 = arith.index_cast %swap3A_663 : i32 to index
      %swap3A_665 = arith.index_cast %scan3A_348 : i32 to index
      %swap3A_666 = arith.constant 400 : index
      %swap3A_667 = tpu.vector_load %arg7[%swap3A_664, %swap3A_665, %swap3A_666] {strides = array<i32>} : memref<2x48x512xf32, #tpu.memory_space<vmem>>, vector<16xf32>,
      tpu.vector_store %arg7[%swap3A_664, %swap3A_665, %swap3A_666], %gather3A_532 {strides = array<i32>} : memref<2x48x512xf32, #tpu.memory_space<vmem>>, vector<16xf32>,
      %swap3A_668 = arith.constant 1 : i32
      %swap3A_669 = arith.index_cast %swap3A_668 : i32 to index
      %swap3A_670 = arith.index_cast %scan3A_348 : i32 to index
      %swap3A_671 = arith.constant 416 : index
      %swap3A_672 = tpu.vector_load %arg7[%swap3A_669, %swap3A_670, %swap3A_671] {strides = array<i32>} : memref<2x48x512xf32, #tpu.memory_space<vmem>>, vector<16xf32>,
      tpu.vector_store %arg7[%swap3A_669, %swap3A_670, %swap3A_671], %gather3A_533 {strides = array<i32>} : memref<2x48x512xf32, #tpu.memory_space<vmem>>, vector<16xf32>,
      %swap3A_673 = arith.constant 1 : i32
      %swap3A_674 = arith.index_cast %swap3A_673 : i32 to index
      %swap3A_675 = arith.index_cast %scan3A_348 : i32 to index
      %swap3A_676 = arith.constant 432 : index
      %swap3A_677 = tpu.vector_load %arg7[%swap3A_674, %swap3A_675, %swap3A_676] {strides = array<i32>} : memref<2x48x512xf32, #tpu.memory_space<vmem>>, vector<16xf32>,
      tpu.vector_store %arg7[%swap3A_674, %swap3A_675, %swap3A_676], %gather3A_534 {strides = array<i32>} : memref<2x48x512xf32, #tpu.memory_space<vmem>>, vector<16xf32>,
      %swap3A_678 = arith.constant 1 : i32
      %swap3A_679 = arith.index_cast %swap3A_678 : i32 to index
      %swap3A_680 = arith.index_cast %scan3A_348 : i32 to index
      %swap3A_681 = arith.constant 448 : index
      %swap3A_682 = tpu.vector_load %arg7[%swap3A_679, %swap3A_680, %swap3A_681] {strides = array<i32>} : memref<2x48x512xf32, #tpu.memory_space<vmem>>, vector<16xf32>,
      tpu.vector_store %arg7[%swap3A_679, %swap3A_680, %swap3A_681], %gather3A_535 {strides = array<i32>} : memref<2x48x512xf32, #tpu.memory_space<vmem>>, vector<16xf32>,
      %swap3A_683 = arith.constant 1 : i32
      %swap3A_684 = arith.index_cast %swap3A_683 : i32 to index
      %swap3A_685 = arith.index_cast %scan3A_348 : i32 to index
      %swap3A_686 = arith.constant 464 : index
      %swap3A_687 = tpu.vector_load %arg7[%swap3A_684, %swap3A_685, %swap3A_686] {strides = array<i32>} : memref<2x48x512xf32, #tpu.memory_space<vmem>>, vector<16xf32>,
      tpu.vector_store %arg7[%swap3A_684, %swap3A_685, %swap3A_686], %gather3A_536 {strides = array<i32>} : memref<2x48x512xf32, #tpu.memory_space<vmem>>, vector<16xf32>,
      %swap3A_688 = arith.constant 1 : i32
      %swap3A_689 = arith.index_cast %swap3A_688 : i32 to index
      %swap3A_690 = arith.index_cast %scan3A_348 : i32 to index
      %swap3A_691 = arith.constant 480 : index
      %swap3A_692 = tpu.vector_load %arg7[%swap3A_689, %swap3A_690, %swap3A_691] {strides = array<i32>} : memref<2x48x512xf32, #tpu.memory_space<vmem>>, vector<16xf32>,
      tpu.vector_store %arg7[%swap3A_689, %swap3A_690, %swap3A_691], %gather3A_537 {strides = array<i32>} : memref<2x48x512xf32, #tpu.memory_space<vmem>>, vector<16xf32>,
      %swap3A_693 = arith.constant 1 : i32
      %swap3A_694 = arith.index_cast %swap3A_693 : i32 to index
      %swap3A_695 = arith.index_cast %scan3A_348 : i32 to index
      %swap3A_696 = arith.constant 496 : index
      %swap3A_697 = tpu.vector_load %arg7[%swap3A_694, %swap3A_695, %swap3A_696] {strides = array<i32>} : memref<2x48x512xf32, #tpu.memory_space<vmem>>, vector<16xf32>,
      tpu.vector_store %arg7[%swap3A_694, %swap3A_695, %swap3A_696], %gather3A_538 {strides = array<i32>} : memref<2x48x512xf32, #tpu.memory_space<vmem>>, vector<16xf32>,
    }
    %scan3A_205 = arith.constant 48 : i32
    %dma_start3A_206 = arith.constant 1 : i32
    %dma_start3A_207 = arith.constant 0 : i32
    %dma_start3A_208 = arith.constant 0 : i32
    %dma_start3A_209 = tpu.memref_slice %arg7[%dma_start3A_206, %dma_start3A_207, %dma_start3A_208] : memref<2x48x512xf32, #tpu.memory_space<vmem>> -> memref<1x48x512xf32, #tpu.memory_space<vmem>>
    %dma_start3A_210 = tpu.memref_squeeze %dma_start3A_209 : memref<1x48x512xf32, #tpu.memory_space<vmem>> -> memref<48x512xf32, #tpu.memory_space<vmem>>
    %dma_start3A_211 = arith.constant 104 : i32
    %dma_start3A_212 = tpu.memref_slice %arg4[%dma_start3A_211, %mul3A_2] : memref<200x16384xf32, #tpu.memory_space<hbm>> -> memref<48x512xf32, #tpu.memory_space<hbm>>
    %dma_start3A_213 = arith.constant 104 : i32
    %dma_start3A_214 = tpu.memref_slice %arg4[%dma_start3A_213, %mul3A_2] : memref<200x16384xf32, #tpu.memory_space<hbm>> -> memref<48x512xf32, #tpu.memory_space<hbm>>
    %dma_start3A_215 = arith.constant 0 : i32
    %dma_start3A_216 = arith.constant 0 : i32
    %dma_start3A_217 = tpu.memref_slice %arg7[%dma_start3A_206, %dma_start3A_215, %dma_start3A_216] : memref<2x48x512xf32, #tpu.memory_space<vmem>> -> memref<1x48x512xf32, #tpu.memory_space<vmem>>
    %dma_start3A_218 = tpu.memref_squeeze %dma_start3A_217 : memref<1x48x512xf32, #tpu.memory_space<vmem>> -> memref<48x512xf32, #tpu.memory_space<vmem>>
    tpu.enqueue_dma source(%dma_start3A_218 : memref<48x512xf32, #tpu.memory_space<vmem>>) target(%dma_start3A_214 : memref<48x512xf32, #tpu.memory_space<hbm>>) target_semaphore(%arg11 : memref<!tpu.dma_semaphore, #tpu.memory_space<semaphore_mem>>)
    %dma_start3A_219 = arith.constant 1 : i32
    %dma_start3A_220 = arith.constant 0 : i32
    %dma_start3A_221 = arith.constant 0 : i32
    %dma_start3A_222 = tpu.memref_slice %arg6[%dma_start3A_219, %dma_start3A_220, %dma_start3A_221] : memref<2x48x512xi32, #tpu.memory_space<vmem>> -> memref<1x8x512xi32, #tpu.memory_space<vmem>>
    %dma_start3A_223 = tpu.memref_squeeze %dma_start3A_222 : memref<1x8x512xi32, #tpu.memory_space<vmem>> -> memref<8x512xi32, #tpu.memory_space<vmem>>
    %dma_start3A_224 = arith.constant 192 : i32
    %dma_start3A_225 = tpu.memref_slice %arg2[%dma_start3A_224, %mul3A_2] : memref<200x16384xi32, #tpu.memory_space<hbm>> -> memref<8x512xi32, #tpu.memory_space<hbm>>
    %dma_start3A_226 = arith.constant 0 : i32
    %dma_start3A_227 = arith.constant 0 : i32
    %dma_start3A_228 = tpu.memref_slice %arg6[%dma_start3A_219, %dma_start3A_226, %dma_start3A_227] : memref<2x48x512xi32, #tpu.memory_space<vmem>> -> memref<1x8x512xi32, #tpu.memory_space<vmem>>
    %dma_start3A_229 = tpu.memref_squeeze %dma_start3A_228 : memref<1x8x512xi32, #tpu.memory_space<vmem>> -> memref<8x512xi32, #tpu.memory_space<vmem>>
    %dma_start3A_230 = arith.constant 192 : i32
    %dma_start3A_231 = tpu.memref_slice %arg2[%dma_start3A_230, %mul3A_2] : memref<200x16384xi32, #tpu.memory_space<hbm>> -> memref<8x512xi32, #tpu.memory_space<hbm>>
    tpu.enqueue_dma source(%dma_start3A_231 : memref<8x512xi32, #tpu.memory_space<hbm>>) target(%dma_start3A_229 : memref<8x512xi32, #tpu.memory_space<vmem>>) target_semaphore(%arg9 : memref<!tpu.dma_semaphore, #tpu.memory_space<semaphore_mem>>)
    %dma_wait3A_232 = arith.constant 0 : i32
    %dma_wait3A_233 = arith.constant 0 : i32
    %dma_wait3A_234 = arith.constant 0 : i32
    %dma_wait3A_235 = tpu.memref_slice %arg6[%dma_wait3A_232, %dma_wait3A_233, %dma_wait3A_234] : memref<2x48x512xi32, #tpu.memory_space<vmem>> -> memref<1x40x512xi32, #tpu.memory_space<vmem>>
    %dma_wait3A_236 = tpu.memref_squeeze %dma_wait3A_235 : memref<1x40x512xi32, #tpu.memory_space<vmem>> -> memref<40x512xi32, #tpu.memory_space<vmem>>
    %dma_wait3A_237 = arith.constant 152 : i32
    %dma_wait3A_238 = tpu.memref_slice %arg2[%dma_wait3A_237, %mul3A_2] : memref<200x16384xi32, #tpu.memory_space<hbm>> -> memref<40x512xi32, #tpu.memory_space<hbm>>
    %dma_wait3A_239 = arith.constant 0 : i32
    %dma_wait3A_240 = arith.constant 0 : i32
    %dma_wait3A_241 = tpu.memref_slice %arg6[%dma_wait3A_232, %dma_wait3A_239, %dma_wait3A_240] : memref<2x48x512xi32, #tpu.memory_space<vmem>> -> memref<1x40x512xi32, #tpu.memory_space<vmem>>
    %dma_wait3A_242 = tpu.memref_squeeze %dma_wait3A_241 : memref<1x40x512xi32, #tpu.memory_space<vmem>> -> memref<40x512xi32, #tpu.memory_space<vmem>>
    %dma_wait3A_243 = arith.constant 152 : i32
    %dma_wait3A_244 = tpu.memref_slice %arg2[%dma_wait3A_243, %mul3A_2] : memref<200x16384xi32, #tpu.memory_space<hbm>> -> memref<40x512xi32, #tpu.memory_space<hbm>>
    tpu.wait_dma2 semaphore(%arg8 : memref<!tpu.dma_semaphore, #tpu.memory_space<semaphore_mem>>) src(%dma_wait3A_244 : memref<40x512xi32, #tpu.memory_space<hbm>>) dst(%dma_wait3A_242 : memref<40x512xi32, #tpu.memory_space<vmem>>)
    %dma_wait3A_245 = arith.constant 0 : i32
    %dma_wait3A_246 = arith.constant 0 : i32
    %dma_wait3A_247 = arith.constant 0 : i32
    %dma_wait3A_248 = tpu.memref_slice %arg7[%dma_wait3A_245, %dma_wait3A_246, %dma_wait3A_247] : memref<2x48x512xf32, #tpu.memory_space<vmem>> -> memref<1x48x512xf32, #tpu.memory_space<vmem>>
    %dma_wait3A_249 = tpu.memref_squeeze %dma_wait3A_248 : memref<1x48x512xf32, #tpu.memory_space<vmem>> -> memref<48x512xf32, #tpu.memory_space<vmem>>
    %dma_wait3A_250 = arith.constant 56 : i32
    %dma_wait3A_251 = tpu.memref_slice %arg4[%dma_wait3A_250, %mul3A_2] : memref<200x16384xf32, #tpu.memory_space<hbm>> -> memref<48x512xf32, #tpu.memory_space<hbm>>
    %dma_wait3A_252 = arith.constant 56 : i32
    %dma_wait3A_253 = tpu.memref_slice %arg4[%dma_wait3A_252, %mul3A_2] : memref<200x16384xf32, #tpu.memory_space<hbm>> -> memref<48x512xf32, #tpu.memory_space<hbm>>
    %dma_wait3A_254 = arith.constant 0 : i32
    %dma_wait3A_255 = arith.constant 0 : i32
    %dma_wait3A_256 = tpu.memref_slice %arg7[%dma_wait3A_245, %dma_wait3A_254, %dma_wait3A_255] : memref<2x48x512xf32, #tpu.memory_space<vmem>> -> memref<1x48x512xf32, #tpu.memory_space<vmem>>
    %dma_wait3A_257 = tpu.memref_squeeze %dma_wait3A_256 : memref<1x48x512xf32, #tpu.memory_space<vmem>> -> memref<48x512xf32, #tpu.memory_space<vmem>>
    tpu.wait_dma2 semaphore(%arg10 : memref<!tpu.dma_semaphore, #tpu.memory_space<semaphore_mem>>) src(%dma_wait3A_257 : memref<48x512xf32, #tpu.memory_space<vmem>>) dst(%dma_wait3A_253 : memref<48x512xf32, #tpu.memory_space<hbm>>)
    %scan3A_258 = arith.constant 0 : i32
    %scan3A_259 = arith.constant 0 : i32
    %scan3A_260 = arith.constant 40 : i32
    %scan3A_261 = arith.addi %scan3A_259, %scan3A_260 : i32
    %scan3A_262 = arith.constant 1 : i32
    scf.for %scan3A_348 = %scan3A_259 to %scan3A_261 step %scan3A_262  : i32 {
      %get3A = arith.constant 0 : i32
      %get3A_349 = arith.index_cast %get3A : i32 to index
      %get3A_350 = arith.index_cast %scan3A_348 : i32 to index
      %get3A_351 = arith.constant 0 : index
      %get3A_352 = tpu.vector_load %arg6[%get3A_349, %get3A_350, %get3A_351] {strides = array<i32>} : memref<2x48x512xi32, #tpu.memory_space<vmem>>, vector<16xi32>,
      %get3A_353 = arith.constant 0 : i32
      %get3A_354 = arith.index_cast %get3A_353 : i32 to index
      %get3A_355 = arith.index_cast %scan3A_348 : i32 to index
      %get3A_356 = arith.constant 16 : index
      %get3A_357 = tpu.vector_load %arg6[%get3A_354, %get3A_355, %get3A_356] {strides = array<i32>} : memref<2x48x512xi32, #tpu.memory_space<vmem>>, vector<16xi32>,
      %get3A_358 = arith.constant 0 : i32
      %get3A_359 = arith.index_cast %get3A_358 : i32 to index
      %get3A_360 = arith.index_cast %scan3A_348 : i32 to index
      %get3A_361 = arith.constant 32 : index
      %get3A_362 = tpu.vector_load %arg6[%get3A_359, %get3A_360, %get3A_361] {strides = array<i32>} : memref<2x48x512xi32, #tpu.memory_space<vmem>>, vector<16xi32>,
      %get3A_363 = arith.constant 0 : i32
      %get3A_364 = arith.index_cast %get3A_363 : i32 to index
      %get3A_365 = arith.index_cast %scan3A_348 : i32 to index
      %get3A_366 = arith.constant 48 : index
      %get3A_367 = tpu.vector_load %arg6[%get3A_364, %get3A_365, %get3A_366] {strides = array<i32>} : memref<2x48x512xi32, #tpu.memory_space<vmem>>, vector<16xi32>,
      %get3A_368 = arith.constant 0 : i32
      %get3A_369 = arith.index_cast %get3A_368 : i32 to index
      %get3A_370 = arith.index_cast %scan3A_348 : i32 to index
      %get3A_371 = arith.constant 64 : index
      %get3A_372 = tpu.vector_load %arg6[%get3A_369, %get3A_370, %get3A_371] {strides = array<i32>} : memref<2x48x512xi32, #tpu.memory_space<vmem>>, vector<16xi32>,
      %get3A_373 = arith.constant 0 : i32
      %get3A_374 = arith.index_cast %get3A_373 : i32 to index
      %get3A_375 = arith.index_cast %scan3A_348 : i32 to index
      %get3A_376 = arith.constant 80 : index
      %get3A_377 = tpu.vector_load %arg6[%get3A_374, %get3A_375, %get3A_376] {strides = array<i32>} : memref<2x48x512xi32, #tpu.memory_space<vmem>>, vector<16xi32>,
      %get3A_378 = arith.constant 0 : i32
      %get3A_379 = arith.index_cast %get3A_378 : i32 to index
      %get3A_380 = arith.index_cast %scan3A_348 : i32 to index
      %get3A_381 = arith.constant 96 : index
      %get3A_382 = tpu.vector_load %arg6[%get3A_379, %get3A_380, %get3A_381] {strides = array<i32>} : memref<2x48x512xi32, #tpu.memory_space<vmem>>, vector<16xi32>,
      %get3A_383 = arith.constant 0 : i32
      %get3A_384 = arith.index_cast %get3A_383 : i32 to index
      %get3A_385 = arith.index_cast %scan3A_348 : i32 to index
      %get3A_386 = arith.constant 112 : index
      %get3A_387 = tpu.vector_load %arg6[%get3A_384, %get3A_385, %get3A_386] {strides = array<i32>} : memref<2x48x512xi32, #tpu.memory_space<vmem>>, vector<16xi32>,
      %get3A_388 = arith.constant 0 : i32
      %get3A_389 = arith.index_cast %get3A_388 : i32 to index
      %get3A_390 = arith.index_cast %scan3A_348 : i32 to index
      %get3A_391 = arith.constant 128 : index
      %get3A_392 = tpu.vector_load %arg6[%get3A_389, %get3A_390, %get3A_391] {strides = array<i32>} : memref<2x48x512xi32, #tpu.memory_space<vmem>>, vector<16xi32>,
      %get3A_393 = arith.constant 0 : i32
      %get3A_394 = arith.index_cast %get3A_393 : i32 to index
      %get3A_395 = arith.index_cast %scan3A_348 : i32 to index
      %get3A_396 = arith.constant 144 : index
      %get3A_397 = tpu.vector_load %arg6[%get3A_394, %get3A_395, %get3A_396] {strides = array<i32>} : memref<2x48x512xi32, #tpu.memory_space<vmem>>, vector<16xi32>,
      %get3A_398 = arith.constant 0 : i32
      %get3A_399 = arith.index_cast %get3A_398 : i32 to index
      %get3A_400 = arith.index_cast %scan3A_348 : i32 to index
      %get3A_401 = arith.constant 160 : index
      %get3A_402 = tpu.vector_load %arg6[%get3A_399, %get3A_400, %get3A_401] {strides = array<i32>} : memref<2x48x512xi32, #tpu.memory_space<vmem>>, vector<16xi32>,
      %get3A_403 = arith.constant 0 : i32
      %get3A_404 = arith.index_cast %get3A_403 : i32 to index
      %get3A_405 = arith.index_cast %scan3A_348 : i32 to index
      %get3A_406 = arith.constant 176 : index
      %get3A_407 = tpu.vector_load %arg6[%get3A_404, %get3A_405, %get3A_406] {strides = array<i32>} : memref<2x48x512xi32, #tpu.memory_space<vmem>>, vector<16xi32>,
      %get3A_408 = arith.constant 0 : i32
      %get3A_409 = arith.index_cast %get3A_408 : i32 to index
      %get3A_410 = arith.index_cast %scan3A_348 : i32 to index
      %get3A_411 = arith.constant 192 : index
      %get3A_412 = tpu.vector_load %arg6[%get3A_409, %get3A_410, %get3A_411] {strides = array<i32>} : memref<2x48x512xi32, #tpu.memory_space<vmem>>, vector<16xi32>,
      %get3A_413 = arith.constant 0 : i32
      %get3A_414 = arith.index_cast %get3A_413 : i32 to index
      %get3A_415 = arith.index_cast %scan3A_348 : i32 to index
      %get3A_416 = arith.constant 208 : index
      %get3A_417 = tpu.vector_load %arg6[%get3A_414, %get3A_415, %get3A_416] {strides = array<i32>} : memref<2x48x512xi32, #tpu.memory_space<vmem>>, vector<16xi32>,
      %get3A_418 = arith.constant 0 : i32
      %get3A_419 = arith.index_cast %get3A_418 : i32 to index
      %get3A_420 = arith.index_cast %scan3A_348 : i32 to index
      %get3A_421 = arith.constant 224 : index
      %get3A_422 = tpu.vector_load %arg6[%get3A_419, %get3A_420, %get3A_421] {strides = array<i32>} : memref<2x48x512xi32, #tpu.memory_space<vmem>>, vector<16xi32>,
      %get3A_423 = arith.constant 0 : i32
      %get3A_424 = arith.index_cast %get3A_423 : i32 to index
      %get3A_425 = arith.index_cast %scan3A_348 : i32 to index
      %get3A_426 = arith.constant 240 : index
      %get3A_427 = tpu.vector_load %arg6[%get3A_424, %get3A_425, %get3A_426] {strides = array<i32>} : memref<2x48x512xi32, #tpu.memory_space<vmem>>, vector<16xi32>,
      %get3A_428 = arith.constant 0 : i32
      %get3A_429 = arith.index_cast %get3A_428 : i32 to index
      %get3A_430 = arith.index_cast %scan3A_348 : i32 to index
      %get3A_431 = arith.constant 256 : index
      %get3A_432 = tpu.vector_load %arg6[%get3A_429, %get3A_430, %get3A_431] {strides = array<i32>} : memref<2x48x512xi32, #tpu.memory_space<vmem>>, vector<16xi32>,
      %get3A_433 = arith.constant 0 : i32
      %get3A_434 = arith.index_cast %get3A_433 : i32 to index
      %get3A_435 = arith.index_cast %scan3A_348 : i32 to index
      %get3A_436 = arith.constant 272 : index
      %get3A_437 = tpu.vector_load %arg6[%get3A_434, %get3A_435, %get3A_436] {strides = array<i32>} : memref<2x48x512xi32, #tpu.memory_space<vmem>>, vector<16xi32>,
      %get3A_438 = arith.constant 0 : i32
      %get3A_439 = arith.index_cast %get3A_438 : i32 to index
      %get3A_440 = arith.index_cast %scan3A_348 : i32 to index
      %get3A_441 = arith.constant 288 : index
      %get3A_442 = tpu.vector_load %arg6[%get3A_439, %get3A_440, %get3A_441] {strides = array<i32>} : memref<2x48x512xi32, #tpu.memory_space<vmem>>, vector<16xi32>,
      %get3A_443 = arith.constant 0 : i32
      %get3A_444 = arith.index_cast %get3A_443 : i32 to index
      %get3A_445 = arith.index_cast %scan3A_348 : i32 to index
      %get3A_446 = arith.constant 304 : index
      %get3A_447 = tpu.vector_load %arg6[%get3A_444, %get3A_445, %get3A_446] {strides = array<i32>} : memref<2x48x512xi32, #tpu.memory_space<vmem>>, vector<16xi32>,
      %get3A_448 = arith.constant 0 : i32
      %get3A_449 = arith.index_cast %get3A_448 : i32 to index
      %get3A_450 = arith.index_cast %scan3A_348 : i32 to index
      %get3A_451 = arith.constant 320 : index
      %get3A_452 = tpu.vector_load %arg6[%get3A_449, %get3A_450, %get3A_451] {strides = array<i32>} : memref<2x48x512xi32, #tpu.memory_space<vmem>>, vector<16xi32>,
      %get3A_453 = arith.constant 0 : i32
      %get3A_454 = arith.index_cast %get3A_453 : i32 to index
      %get3A_455 = arith.index_cast %scan3A_348 : i32 to index
      %get3A_456 = arith.constant 336 : index
      %get3A_457 = tpu.vector_load %arg6[%get3A_454, %get3A_455, %get3A_456] {strides = array<i32>} : memref<2x48x512xi32, #tpu.memory_space<vmem>>, vector<16xi32>,
      %get3A_458 = arith.constant 0 : i32
      %get3A_459 = arith.index_cast %get3A_458 : i32 to index
      %get3A_460 = arith.index_cast %scan3A_348 : i32 to index
      %get3A_461 = arith.constant 352 : index
      %get3A_462 = tpu.vector_load %arg6[%get3A_459, %get3A_460, %get3A_461] {strides = array<i32>} : memref<2x48x512xi32, #tpu.memory_space<vmem>>, vector<16xi32>,
      %get3A_463 = arith.constant 0 : i32
      %get3A_464 = arith.index_cast %get3A_463 : i32 to index
      %get3A_465 = arith.index_cast %scan3A_348 : i32 to index
      %get3A_466 = arith.constant 368 : index
      %get3A_467 = tpu.vector_load %arg6[%get3A_464, %get3A_465, %get3A_466] {strides = array<i32>} : memref<2x48x512xi32, #tpu.memory_space<vmem>>, vector<16xi32>,
      %get3A_468 = arith.constant 0 : i32
      %get3A_469 = arith.index_cast %get3A_468 : i32 to index
      %get3A_470 = arith.index_cast %scan3A_348 : i32 to index
      %get3A_471 = arith.constant 384 : index
      %get3A_472 = tpu.vector_load %arg6[%get3A_469, %get3A_470, %get3A_471] {strides = array<i32>} : memref<2x48x512xi32, #tpu.memory_space<vmem>>, vector<16xi32>,
      %get3A_473 = arith.constant 0 : i32
      %get3A_474 = arith.index_cast %get3A_473 : i32 to index
      %get3A_475 = arith.index_cast %scan3A_348 : i32 to index
      %get3A_476 = arith.constant 400 : index
      %get3A_477 = tpu.vector_load %arg6[%get3A_474, %get3A_475, %get3A_476] {strides = array<i32>} : memref<2x48x512xi32, #tpu.memory_space<vmem>>, vector<16xi32>,
      %get3A_478 = arith.constant 0 : i32
      %get3A_479 = arith.index_cast %get3A_478 : i32 to index
      %get3A_480 = arith.index_cast %scan3A_348 : i32 to index
      %get3A_481 = arith.constant 416 : index
      %get3A_482 = tpu.vector_load %arg6[%get3A_479, %get3A_480, %get3A_481] {strides = array<i32>} : memref<2x48x512xi32, #tpu.memory_space<vmem>>, vector<16xi32>,
      %get3A_483 = arith.constant 0 : i32
      %get3A_484 = arith.index_cast %get3A_483 : i32 to index
      %get3A_485 = arith.index_cast %scan3A_348 : i32 to index
      %get3A_486 = arith.constant 432 : index
      %get3A_487 = tpu.vector_load %arg6[%get3A_484, %get3A_485, %get3A_486] {strides = array<i32>} : memref<2x48x512xi32, #tpu.memory_space<vmem>>, vector<16xi32>,
      %get3A_488 = arith.constant 0 : i32
      %get3A_489 = arith.index_cast %get3A_488 : i32 to index
      %get3A_490 = arith.index_cast %scan3A_348 : i32 to index
      %get3A_491 = arith.constant 448 : index
      %get3A_492 = tpu.vector_load %arg6[%get3A_489, %get3A_490, %get3A_491] {strides = array<i32>} : memref<2x48x512xi32, #tpu.memory_space<vmem>>, vector<16xi32>,
      %get3A_493 = arith.constant 0 : i32
      %get3A_494 = arith.index_cast %get3A_493 : i32 to index
      %get3A_495 = arith.index_cast %scan3A_348 : i32 to index
      %get3A_496 = arith.constant 464 : index
      %get3A_497 = tpu.vector_load %arg6[%get3A_494, %get3A_495, %get3A_496] {strides = array<i32>} : memref<2x48x512xi32, #tpu.memory_space<vmem>>, vector<16xi32>,
      %get3A_498 = arith.constant 0 : i32
      %get3A_499 = arith.index_cast %get3A_498 : i32 to index
      %get3A_500 = arith.index_cast %scan3A_348 : i32 to index
      %get3A_501 = arith.constant 480 : index
      %get3A_502 = tpu.vector_load %arg6[%get3A_499, %get3A_500, %get3A_501] {strides = array<i32>} : memref<2x48x512xi32, #tpu.memory_space<vmem>>, vector<16xi32>,
      %get3A_503 = arith.constant 0 : i32
      %get3A_504 = arith.index_cast %get3A_503 : i32 to index
      %get3A_505 = arith.index_cast %scan3A_348 : i32 to index
      %get3A_506 = arith.constant 496 : index
      %get3A_507 = tpu.vector_load %arg6[%get3A_504, %get3A_505, %get3A_506] {strides = array<i32>} : memref<2x48x512xi32, #tpu.memory_space<vmem>>, vector<16xi32>,
      %gather3A = tpu.vector_load_idx %arg5[%get3A_352] : memref<1000xf32, #tpu.memory_space<vmem>>[vector<16xi32>], vector<16xf32>,
      %gather3A_508 = tpu.vector_load_idx %arg5[%get3A_357] : memref<1000xf32, #tpu.memory_space<vmem>>[vector<16xi32>], vector<16xf32>,
      %gather3A_509 = tpu.vector_load_idx %arg5[%get3A_362] : memref<1000xf32, #tpu.memory_space<vmem>>[vector<16xi32>], vector<16xf32>,
      %gather3A_510 = tpu.vector_load_idx %arg5[%get3A_367] : memref<1000xf32, #tpu.memory_space<vmem>>[vector<16xi32>], vector<16xf32>,
      %gather3A_511 = tpu.vector_load_idx %arg5[%get3A_372] : memref<1000xf32, #tpu.memory_space<vmem>>[vector<16xi32>], vector<16xf32>,
      %gather3A_512 = tpu.vector_load_idx %arg5[%get3A_377] : memref<1000xf32, #tpu.memory_space<vmem>>[vector<16xi32>], vector<16xf32>,
      %gather3A_513 = tpu.vector_load_idx %arg5[%get3A_382] : memref<1000xf32, #tpu.memory_space<vmem>>[vector<16xi32>], vector<16xf32>,
      %gather3A_514 = tpu.vector_load_idx %arg5[%get3A_387] : memref<1000xf32, #tpu.memory_space<vmem>>[vector<16xi32>], vector<16xf32>,
      %gather3A_515 = tpu.vector_load_idx %arg5[%get3A_392] : memref<1000xf32, #tpu.memory_space<vmem>>[vector<16xi32>], vector<16xf32>,
      %gather3A_516 = tpu.vector_load_idx %arg5[%get3A_397] : memref<1000xf32, #tpu.memory_space<vmem>>[vector<16xi32>], vector<16xf32>,
      %gather3A_517 = tpu.vector_load_idx %arg5[%get3A_402] : memref<1000xf32, #tpu.memory_space<vmem>>[vector<16xi32>], vector<16xf32>,
      %gather3A_518 = tpu.vector_load_idx %arg5[%get3A_407] : memref<1000xf32, #tpu.memory_space<vmem>>[vector<16xi32>], vector<16xf32>,
      %gather3A_519 = tpu.vector_load_idx %arg5[%get3A_412] : memref<1000xf32, #tpu.memory_space<vmem>>[vector<16xi32>], vector<16xf32>,
      %gather3A_520 = tpu.vector_load_idx %arg5[%get3A_417] : memref<1000xf32, #tpu.memory_space<vmem>>[vector<16xi32>], vector<16xf32>,
      %gather3A_521 = tpu.vector_load_idx %arg5[%get3A_422] : memref<1000xf32, #tpu.memory_space<vmem>>[vector<16xi32>], vector<16xf32>,
      %gather3A_522 = tpu.vector_load_idx %arg5[%get3A_427] : memref<1000xf32, #tpu.memory_space<vmem>>[vector<16xi32>], vector<16xf32>,
      %gather3A_523 = tpu.vector_load_idx %arg5[%get3A_432] : memref<1000xf32, #tpu.memory_space<vmem>>[vector<16xi32>], vector<16xf32>,
      %gather3A_524 = tpu.vector_load_idx %arg5[%get3A_437] : memref<1000xf32, #tpu.memory_space<vmem>>[vector<16xi32>], vector<16xf32>,
      %gather3A_525 = tpu.vector_load_idx %arg5[%get3A_442] : memref<1000xf32, #tpu.memory_space<vmem>>[vector<16xi32>], vector<16xf32>,
      %gather3A_526 = tpu.vector_load_idx %arg5[%get3A_447] : memref<1000xf32, #tpu.memory_space<vmem>>[vector<16xi32>], vector<16xf32>,
      %gather3A_527 = tpu.vector_load_idx %arg5[%get3A_452] : memref<1000xf32, #tpu.memory_space<vmem>>[vector<16xi32>], vector<16xf32>,
      %gather3A_528 = tpu.vector_load_idx %arg5[%get3A_457] : memref<1000xf32, #tpu.memory_space<vmem>>[vector<16xi32>], vector<16xf32>,
      %gather3A_529 = tpu.vector_load_idx %arg5[%get3A_462] : memref<1000xf32, #tpu.memory_space<vmem>>[vector<16xi32>], vector<16xf32>,
      %gather3A_530 = tpu.vector_load_idx %arg5[%get3A_467] : memref<1000xf32, #tpu.memory_space<vmem>>[vector<16xi32>], vector<16xf32>,
      %gather3A_531 = tpu.vector_load_idx %arg5[%get3A_472] : memref<1000xf32, #tpu.memory_space<vmem>>[vector<16xi32>], vector<16xf32>,
      %gather3A_532 = tpu.vector_load_idx %arg5[%get3A_477] : memref<1000xf32, #tpu.memory_space<vmem>>[vector<16xi32>], vector<16xf32>,
      %gather3A_533 = tpu.vector_load_idx %arg5[%get3A_482] : memref<1000xf32, #tpu.memory_space<vmem>>[vector<16xi32>], vector<16xf32>,
      %gather3A_534 = tpu.vector_load_idx %arg5[%get3A_487] : memref<1000xf32, #tpu.memory_space<vmem>>[vector<16xi32>], vector<16xf32>,
      %gather3A_535 = tpu.vector_load_idx %arg5[%get3A_492] : memref<1000xf32, #tpu.memory_space<vmem>>[vector<16xi32>], vector<16xf32>,
      %gather3A_536 = tpu.vector_load_idx %arg5[%get3A_497] : memref<1000xf32, #tpu.memory_space<vmem>>[vector<16xi32>], vector<16xf32>,
      %gather3A_537 = tpu.vector_load_idx %arg5[%get3A_502] : memref<1000xf32, #tpu.memory_space<vmem>>[vector<16xi32>], vector<16xf32>,
      %gather3A_538 = tpu.vector_load_idx %arg5[%get3A_507] : memref<1000xf32, #tpu.memory_space<vmem>>[vector<16xi32>], vector<16xf32>,
      %swap3A = arith.constant 0 : i32
      %swap3A_539 = arith.index_cast %swap3A : i32 to index
      %swap3A_540 = arith.index_cast %scan3A_348 : i32 to index
      %swap3A_541 = arith.constant 0 : index
      %swap3A_542 = tpu.vector_load %arg7[%swap3A_539, %swap3A_540, %swap3A_541] {strides = array<i32>} : memref<2x48x512xf32, #tpu.memory_space<vmem>>, vector<16xf32>,
      tpu.vector_store %arg7[%swap3A_539, %swap3A_540, %swap3A_541], %gather3A {strides = array<i32>} : memref<2x48x512xf32, #tpu.memory_space<vmem>>, vector<16xf32>,
      %swap3A_543 = arith.constant 0 : i32
      %swap3A_544 = arith.index_cast %swap3A_543 : i32 to index
      %swap3A_545 = arith.index_cast %scan3A_348 : i32 to index
      %swap3A_546 = arith.constant 16 : index
      %swap3A_547 = tpu.vector_load %arg7[%swap3A_544, %swap3A_545, %swap3A_546] {strides = array<i32>} : memref<2x48x512xf32, #tpu.memory_space<vmem>>, vector<16xf32>,
      tpu.vector_store %arg7[%swap3A_544, %swap3A_545, %swap3A_546], %gather3A_508 {strides = array<i32>} : memref<2x48x512xf32, #tpu.memory_space<vmem>>, vector<16xf32>,
      %swap3A_548 = arith.constant 0 : i32
      %swap3A_549 = arith.index_cast %swap3A_548 : i32 to index
      %swap3A_550 = arith.index_cast %scan3A_348 : i32 to index
      %swap3A_551 = arith.constant 32 : index
      %swap3A_552 = tpu.vector_load %arg7[%swap3A_549, %swap3A_550, %swap3A_551] {strides = array<i32>} : memref<2x48x512xf32, #tpu.memory_space<vmem>>, vector<16xf32>,
      tpu.vector_store %arg7[%swap3A_549, %swap3A_550, %swap3A_551], %gather3A_509 {strides = array<i32>} : memref<2x48x512xf32, #tpu.memory_space<vmem>>, vector<16xf32>,
      %swap3A_553 = arith.constant 0 : i32
      %swap3A_554 = arith.index_cast %swap3A_553 : i32 to index
      %swap3A_555 = arith.index_cast %scan3A_348 : i32 to index
      %swap3A_556 = arith.constant 48 : index
      %swap3A_557 = tpu.vector_load %arg7[%swap3A_554, %swap3A_555, %swap3A_556] {strides = array<i32>} : memref<2x48x512xf32, #tpu.memory_space<vmem>>, vector<16xf32>,
      tpu.vector_store %arg7[%swap3A_554, %swap3A_555, %swap3A_556], %gather3A_510 {strides = array<i32>} : memref<2x48x512xf32, #tpu.memory_space<vmem>>, vector<16xf32>,
      %swap3A_558 = arith.constant 0 : i32
      %swap3A_559 = arith.index_cast %swap3A_558 : i32 to index
      %swap3A_560 = arith.index_cast %scan3A_348 : i32 to index
      %swap3A_561 = arith.constant 64 : index
      %swap3A_562 = tpu.vector_load %arg7[%swap3A_559, %swap3A_560, %swap3A_561] {strides = array<i32>} : memref<2x48x512xf32, #tpu.memory_space<vmem>>, vector<16xf32>,
      tpu.vector_store %arg7[%swap3A_559, %swap3A_560, %swap3A_561], %gather3A_511 {strides = array<i32>} : memref<2x48x512xf32, #tpu.memory_space<vmem>>, vector<16xf32>,
      %swap3A_563 = arith.constant 0 : i32
      %swap3A_564 = arith.index_cast %swap3A_563 : i32 to index
      %swap3A_565 = arith.index_cast %scan3A_348 : i32 to index
      %swap3A_566 = arith.constant 80 : index
      %swap3A_567 = tpu.vector_load %arg7[%swap3A_564, %swap3A_565, %swap3A_566] {strides = array<i32>} : memref<2x48x512xf32, #tpu.memory_space<vmem>>, vector<16xf32>,
      tpu.vector_store %arg7[%swap3A_564, %swap3A_565, %swap3A_566], %gather3A_512 {strides = array<i32>} : memref<2x48x512xf32, #tpu.memory_space<vmem>>, vector<16xf32>,
      %swap3A_568 = arith.constant 0 : i32
      %swap3A_569 = arith.index_cast %swap3A_568 : i32 to index
      %swap3A_570 = arith.index_cast %scan3A_348 : i32 to index
      %swap3A_571 = arith.constant 96 : index
      %swap3A_572 = tpu.vector_load %arg7[%swap3A_569, %swap3A_570, %swap3A_571] {strides = array<i32>} : memref<2x48x512xf32, #tpu.memory_space<vmem>>, vector<16xf32>,
      tpu.vector_store %arg7[%swap3A_569, %swap3A_570, %swap3A_571], %gather3A_513 {strides = array<i32>} : memref<2x48x512xf32, #tpu.memory_space<vmem>>, vector<16xf32>,
      %swap3A_573 = arith.constant 0 : i32
      %swap3A_574 = arith.index_cast %swap3A_573 : i32 to index
      %swap3A_575 = arith.index_cast %scan3A_348 : i32 to index
      %swap3A_576 = arith.constant 112 : index
      %swap3A_577 = tpu.vector_load %arg7[%swap3A_574, %swap3A_575, %swap3A_576] {strides = array<i32>} : memref<2x48x512xf32, #tpu.memory_space<vmem>>, vector<16xf32>,
      tpu.vector_store %arg7[%swap3A_574, %swap3A_575, %swap3A_576], %gather3A_514 {strides = array<i32>} : memref<2x48x512xf32, #tpu.memory_space<vmem>>, vector<16xf32>,
      %swap3A_578 = arith.constant 0 : i32
      %swap3A_579 = arith.index_cast %swap3A_578 : i32 to index
      %swap3A_580 = arith.index_cast %scan3A_348 : i32 to index
      %swap3A_581 = arith.constant 128 : index
      %swap3A_582 = tpu.vector_load %arg7[%swap3A_579, %swap3A_580, %swap3A_581] {strides = array<i32>} : memref<2x48x512xf32, #tpu.memory_space<vmem>>, vector<16xf32>,
      tpu.vector_store %arg7[%swap3A_579, %swap3A_580, %swap3A_581], %gather3A_515 {strides = array<i32>} : memref<2x48x512xf32, #tpu.memory_space<vmem>>, vector<16xf32>,
      %swap3A_583 = arith.constant 0 : i32
      %swap3A_584 = arith.index_cast %swap3A_583 : i32 to index
      %swap3A_585 = arith.index_cast %scan3A_348 : i32 to index
      %swap3A_586 = arith.constant 144 : index
      %swap3A_587 = tpu.vector_load %arg7[%swap3A_584, %swap3A_585, %swap3A_586] {strides = array<i32>} : memref<2x48x512xf32, #tpu.memory_space<vmem>>, vector<16xf32>,
      tpu.vector_store %arg7[%swap3A_584, %swap3A_585, %swap3A_586], %gather3A_516 {strides = array<i32>} : memref<2x48x512xf32, #tpu.memory_space<vmem>>, vector<16xf32>,
      %swap3A_588 = arith.constant 0 : i32
      %swap3A_589 = arith.index_cast %swap3A_588 : i32 to index
      %swap3A_590 = arith.index_cast %scan3A_348 : i32 to index
      %swap3A_591 = arith.constant 160 : index
      %swap3A_592 = tpu.vector_load %arg7[%swap3A_589, %swap3A_590, %swap3A_591] {strides = array<i32>} : memref<2x48x512xf32, #tpu.memory_space<vmem>>, vector<16xf32>,
      tpu.vector_store %arg7[%swap3A_589, %swap3A_590, %swap3A_591], %gather3A_517 {strides = array<i32>} : memref<2x48x512xf32, #tpu.memory_space<vmem>>, vector<16xf32>,
      %swap3A_593 = arith.constant 0 : i32
      %swap3A_594 = arith.index_cast %swap3A_593 : i32 to index
      %swap3A_595 = arith.index_cast %scan3A_348 : i32 to index
      %swap3A_596 = arith.constant 176 : index
      %swap3A_597 = tpu.vector_load %arg7[%swap3A_594, %swap3A_595, %swap3A_596] {strides = array<i32>} : memref<2x48x512xf32, #tpu.memory_space<vmem>>, vector<16xf32>,
      tpu.vector_store %arg7[%swap3A_594, %swap3A_595, %swap3A_596], %gather3A_518 {strides = array<i32>} : memref<2x48x512xf32, #tpu.memory_space<vmem>>, vector<16xf32>,
      %swap3A_598 = arith.constant 0 : i32
      %swap3A_599 = arith.index_cast %swap3A_598 : i32 to index
      %swap3A_600 = arith.index_cast %scan3A_348 : i32 to index
      %swap3A_601 = arith.constant 192 : index
      %swap3A_602 = tpu.vector_load %arg7[%swap3A_599, %swap3A_600, %swap3A_601] {strides = array<i32>} : memref<2x48x512xf32, #tpu.memory_space<vmem>>, vector<16xf32>,
      tpu.vector_store %arg7[%swap3A_599, %swap3A_600, %swap3A_601], %gather3A_519 {strides = array<i32>} : memref<2x48x512xf32, #tpu.memory_space<vmem>>, vector<16xf32>,
      %swap3A_603 = arith.constant 0 : i32
      %swap3A_604 = arith.index_cast %swap3A_603 : i32 to index
      %swap3A_605 = arith.index_cast %scan3A_348 : i32 to index
      %swap3A_606 = arith.constant 208 : index
      %swap3A_607 = tpu.vector_load %arg7[%swap3A_604, %swap3A_605, %swap3A_606] {strides = array<i32>} : memref<2x48x512xf32, #tpu.memory_space<vmem>>, vector<16xf32>,
      tpu.vector_store %arg7[%swap3A_604, %swap3A_605, %swap3A_606], %gather3A_520 {strides = array<i32>} : memref<2x48x512xf32, #tpu.memory_space<vmem>>, vector<16xf32>,
      %swap3A_608 = arith.constant 0 : i32
      %swap3A_609 = arith.index_cast %swap3A_608 : i32 to index
      %swap3A_610 = arith.index_cast %scan3A_348 : i32 to index
      %swap3A_611 = arith.constant 224 : index
      %swap3A_612 = tpu.vector_load %arg7[%swap3A_609, %swap3A_610, %swap3A_611] {strides = array<i32>} : memref<2x48x512xf32, #tpu.memory_space<vmem>>, vector<16xf32>,
      tpu.vector_store %arg7[%swap3A_609, %swap3A_610, %swap3A_611], %gather3A_521 {strides = array<i32>} : memref<2x48x512xf32, #tpu.memory_space<vmem>>, vector<16xf32>,
      %swap3A_613 = arith.constant 0 : i32
      %swap3A_614 = arith.index_cast %swap3A_613 : i32 to index
      %swap3A_615 = arith.index_cast %scan3A_348 : i32 to index
      %swap3A_616 = arith.constant 240 : index
      %swap3A_617 = tpu.vector_load %arg7[%swap3A_614, %swap3A_615, %swap3A_616] {strides = array<i32>} : memref<2x48x512xf32, #tpu.memory_space<vmem>>, vector<16xf32>,
      tpu.vector_store %arg7[%swap3A_614, %swap3A_615, %swap3A_616], %gather3A_522 {strides = array<i32>} : memref<2x48x512xf32, #tpu.memory_space<vmem>>, vector<16xf32>,
      %swap3A_618 = arith.constant 0 : i32
      %swap3A_619 = arith.index_cast %swap3A_618 : i32 to index
      %swap3A_620 = arith.index_cast %scan3A_348 : i32 to index
      %swap3A_621 = arith.constant 256 : index
      %swap3A_622 = tpu.vector_load %arg7[%swap3A_619, %swap3A_620, %swap3A_621] {strides = array<i32>} : memref<2x48x512xf32, #tpu.memory_space<vmem>>, vector<16xf32>,
      tpu.vector_store %arg7[%swap3A_619, %swap3A_620, %swap3A_621], %gather3A_523 {strides = array<i32>} : memref<2x48x512xf32, #tpu.memory_space<vmem>>, vector<16xf32>,
      %swap3A_623 = arith.constant 0 : i32
      %swap3A_624 = arith.index_cast %swap3A_623 : i32 to index
      %swap3A_625 = arith.index_cast %scan3A_348 : i32 to index
      %swap3A_626 = arith.constant 272 : index
      %swap3A_627 = tpu.vector_load %arg7[%swap3A_624, %swap3A_625, %swap3A_626] {strides = array<i32>} : memref<2x48x512xf32, #tpu.memory_space<vmem>>, vector<16xf32>,
      tpu.vector_store %arg7[%swap3A_624, %swap3A_625, %swap3A_626], %gather3A_524 {strides = array<i32>} : memref<2x48x512xf32, #tpu.memory_space<vmem>>, vector<16xf32>,
      %swap3A_628 = arith.constant 0 : i32
      %swap3A_629 = arith.index_cast %swap3A_628 : i32 to index
      %swap3A_630 = arith.index_cast %scan3A_348 : i32 to index
      %swap3A_631 = arith.constant 288 : index
      %swap3A_632 = tpu.vector_load %arg7[%swap3A_629, %swap3A_630, %swap3A_631] {strides = array<i32>} : memref<2x48x512xf32, #tpu.memory_space<vmem>>, vector<16xf32>,
      tpu.vector_store %arg7[%swap3A_629, %swap3A_630, %swap3A_631], %gather3A_525 {strides = array<i32>} : memref<2x48x512xf32, #tpu.memory_space<vmem>>, vector<16xf32>,
      %swap3A_633 = arith.constant 0 : i32
      %swap3A_634 = arith.index_cast %swap3A_633 : i32 to index
      %swap3A_635 = arith.index_cast %scan3A_348 : i32 to index
      %swap3A_636 = arith.constant 304 : index
      %swap3A_637 = tpu.vector_load %arg7[%swap3A_634, %swap3A_635, %swap3A_636] {strides = array<i32>} : memref<2x48x512xf32, #tpu.memory_space<vmem>>, vector<16xf32>,
      tpu.vector_store %arg7[%swap3A_634, %swap3A_635, %swap3A_636], %gather3A_526 {strides = array<i32>} : memref<2x48x512xf32, #tpu.memory_space<vmem>>, vector<16xf32>,
      %swap3A_638 = arith.constant 0 : i32
      %swap3A_639 = arith.index_cast %swap3A_638 : i32 to index
      %swap3A_640 = arith.index_cast %scan3A_348 : i32 to index
      %swap3A_641 = arith.constant 320 : index
      %swap3A_642 = tpu.vector_load %arg7[%swap3A_639, %swap3A_640, %swap3A_641] {strides = array<i32>} : memref<2x48x512xf32, #tpu.memory_space<vmem>>, vector<16xf32>,
      tpu.vector_store %arg7[%swap3A_639, %swap3A_640, %swap3A_641], %gather3A_527 {strides = array<i32>} : memref<2x48x512xf32, #tpu.memory_space<vmem>>, vector<16xf32>,
      %swap3A_643 = arith.constant 0 : i32
      %swap3A_644 = arith.index_cast %swap3A_643 : i32 to index
      %swap3A_645 = arith.index_cast %scan3A_348 : i32 to index
      %swap3A_646 = arith.constant 336 : index
      %swap3A_647 = tpu.vector_load %arg7[%swap3A_644, %swap3A_645, %swap3A_646] {strides = array<i32>} : memref<2x48x512xf32, #tpu.memory_space<vmem>>, vector<16xf32>,
      tpu.vector_store %arg7[%swap3A_644, %swap3A_645, %swap3A_646], %gather3A_528 {strides = array<i32>} : memref<2x48x512xf32, #tpu.memory_space<vmem>>, vector<16xf32>,
      %swap3A_648 = arith.constant 0 : i32
      %swap3A_649 = arith.index_cast %swap3A_648 : i32 to index
      %swap3A_650 = arith.index_cast %scan3A_348 : i32 to index
      %swap3A_651 = arith.constant 352 : index
      %swap3A_652 = tpu.vector_load %arg7[%swap3A_649, %swap3A_650, %swap3A_651] {strides = array<i32>} : memref<2x48x512xf32, #tpu.memory_space<vmem>>, vector<16xf32>,
      tpu.vector_store %arg7[%swap3A_649, %swap3A_650, %swap3A_651], %gather3A_529 {strides = array<i32>} : memref<2x48x512xf32, #tpu.memory_space<vmem>>, vector<16xf32>,
      %swap3A_653 = arith.constant 0 : i32
      %swap3A_654 = arith.index_cast %swap3A_653 : i32 to index
      %swap3A_655 = arith.index_cast %scan3A_348 : i32 to index
      %swap3A_656 = arith.constant 368 : index
      %swap3A_657 = tpu.vector_load %arg7[%swap3A_654, %swap3A_655, %swap3A_656] {strides = array<i32>} : memref<2x48x512xf32, #tpu.memory_space<vmem>>, vector<16xf32>,
      tpu.vector_store %arg7[%swap3A_654, %swap3A_655, %swap3A_656], %gather3A_530 {strides = array<i32>} : memref<2x48x512xf32, #tpu.memory_space<vmem>>, vector<16xf32>,
      %swap3A_658 = arith.constant 0 : i32
      %swap3A_659 = arith.index_cast %swap3A_658 : i32 to index
      %swap3A_660 = arith.index_cast %scan3A_348 : i32 to index
      %swap3A_661 = arith.constant 384 : index
      %swap3A_662 = tpu.vector_load %arg7[%swap3A_659, %swap3A_660, %swap3A_661] {strides = array<i32>} : memref<2x48x512xf32, #tpu.memory_space<vmem>>, vector<16xf32>,
      tpu.vector_store %arg7[%swap3A_659, %swap3A_660, %swap3A_661], %gather3A_531 {strides = array<i32>} : memref<2x48x512xf32, #tpu.memory_space<vmem>>, vector<16xf32>,
      %swap3A_663 = arith.constant 0 : i32
      %swap3A_664 = arith.index_cast %swap3A_663 : i32 to index
      %swap3A_665 = arith.index_cast %scan3A_348 : i32 to index
      %swap3A_666 = arith.constant 400 : index
      %swap3A_667 = tpu.vector_load %arg7[%swap3A_664, %swap3A_665, %swap3A_666] {strides = array<i32>} : memref<2x48x512xf32, #tpu.memory_space<vmem>>, vector<16xf32>,
      tpu.vector_store %arg7[%swap3A_664, %swap3A_665, %swap3A_666], %gather3A_532 {strides = array<i32>} : memref<2x48x512xf32, #tpu.memory_space<vmem>>, vector<16xf32>,
      %swap3A_668 = arith.constant 0 : i32
      %swap3A_669 = arith.index_cast %swap3A_668 : i32 to index
      %swap3A_670 = arith.index_cast %scan3A_348 : i32 to index
      %swap3A_671 = arith.constant 416 : index
      %swap3A_672 = tpu.vector_load %arg7[%swap3A_669, %swap3A_670, %swap3A_671] {strides = array<i32>} : memref<2x48x512xf32, #tpu.memory_space<vmem>>, vector<16xf32>,
      tpu.vector_store %arg7[%swap3A_669, %swap3A_670, %swap3A_671], %gather3A_533 {strides = array<i32>} : memref<2x48x512xf32, #tpu.memory_space<vmem>>, vector<16xf32>,
      %swap3A_673 = arith.constant 0 : i32
      %swap3A_674 = arith.index_cast %swap3A_673 : i32 to index
      %swap3A_675 = arith.index_cast %scan3A_348 : i32 to index
      %swap3A_676 = arith.constant 432 : index
      %swap3A_677 = tpu.vector_load %arg7[%swap3A_674, %swap3A_675, %swap3A_676] {strides = array<i32>} : memref<2x48x512xf32, #tpu.memory_space<vmem>>, vector<16xf32>,
      tpu.vector_store %arg7[%swap3A_674, %swap3A_675, %swap3A_676], %gather3A_534 {strides = array<i32>} : memref<2x48x512xf32, #tpu.memory_space<vmem>>, vector<16xf32>,
      %swap3A_678 = arith.constant 0 : i32
      %swap3A_679 = arith.index_cast %swap3A_678 : i32 to index
      %swap3A_680 = arith.index_cast %scan3A_348 : i32 to index
      %swap3A_681 = arith.constant 448 : index
      %swap3A_682 = tpu.vector_load %arg7[%swap3A_679, %swap3A_680, %swap3A_681] {strides = array<i32>} : memref<2x48x512xf32, #tpu.memory_space<vmem>>, vector<16xf32>,
      tpu.vector_store %arg7[%swap3A_679, %swap3A_680, %swap3A_681], %gather3A_535 {strides = array<i32>} : memref<2x48x512xf32, #tpu.memory_space<vmem>>, vector<16xf32>,
      %swap3A_683 = arith.constant 0 : i32
      %swap3A_684 = arith.index_cast %swap3A_683 : i32 to index
      %swap3A_685 = arith.index_cast %scan3A_348 : i32 to index
      %swap3A_686 = arith.constant 464 : index
      %swap3A_687 = tpu.vector_load %arg7[%swap3A_684, %swap3A_685, %swap3A_686] {strides = array<i32>} : memref<2x48x512xf32, #tpu.memory_space<vmem>>, vector<16xf32>,
      tpu.vector_store %arg7[%swap3A_684, %swap3A_685, %swap3A_686], %gather3A_536 {strides = array<i32>} : memref<2x48x512xf32, #tpu.memory_space<vmem>>, vector<16xf32>,
      %swap3A_688 = arith.constant 0 : i32
      %swap3A_689 = arith.index_cast %swap3A_688 : i32 to index
      %swap3A_690 = arith.index_cast %scan3A_348 : i32 to index
      %swap3A_691 = arith.constant 480 : index
      %swap3A_692 = tpu.vector_load %arg7[%swap3A_689, %swap3A_690, %swap3A_691] {strides = array<i32>} : memref<2x48x512xf32, #tpu.memory_space<vmem>>, vector<16xf32>,
      tpu.vector_store %arg7[%swap3A_689, %swap3A_690, %swap3A_691], %gather3A_537 {strides = array<i32>} : memref<2x48x512xf32, #tpu.memory_space<vmem>>, vector<16xf32>,
      %swap3A_693 = arith.constant 0 : i32
      %swap3A_694 = arith.index_cast %swap3A_693 : i32 to index
      %swap3A_695 = arith.index_cast %scan3A_348 : i32 to index
      %swap3A_696 = arith.constant 496 : index
      %swap3A_697 = tpu.vector_load %arg7[%swap3A_694, %swap3A_695, %swap3A_696] {strides = array<i32>} : memref<2x48x512xf32, #tpu.memory_space<vmem>>, vector<16xf32>,
      tpu.vector_store %arg7[%swap3A_694, %swap3A_695, %swap3A_696], %gather3A_538 {strides = array<i32>} : memref<2x48x512xf32, #tpu.memory_space<vmem>>, vector<16xf32>,
    }
    %scan3A_263 = arith.constant 40 : i32
    %dma_start3A_264 = arith.constant 0 : i32
    %dma_start3A_265 = arith.constant 0 : i32
    %dma_start3A_266 = arith.constant 0 : i32
    %dma_start3A_267 = tpu.memref_slice %arg7[%dma_start3A_264, %dma_start3A_265, %dma_start3A_266] : memref<2x48x512xf32, #tpu.memory_space<vmem>> -> memref<1x40x512xf32, #tpu.memory_space<vmem>>
    %dma_start3A_268 = tpu.memref_squeeze %dma_start3A_267 : memref<1x40x512xf32, #tpu.memory_space<vmem>> -> memref<40x512xf32, #tpu.memory_space<vmem>>
    %dma_start3A_269 = arith.constant 152 : i32
    %dma_start3A_270 = tpu.memref_slice %arg4[%dma_start3A_269, %mul3A_2] : memref<200x16384xf32, #tpu.memory_space<hbm>> -> memref<40x512xf32, #tpu.memory_space<hbm>>
    %dma_start3A_271 = arith.constant 152 : i32
    %dma_start3A_272 = tpu.memref_slice %arg4[%dma_start3A_271, %mul3A_2] : memref<200x16384xf32, #tpu.memory_space<hbm>> -> memref<40x512xf32, #tpu.memory_space<hbm>>
    %dma_start3A_273 = arith.constant 0 : i32
    %dma_start3A_274 = arith.constant 0 : i32
    %dma_start3A_275 = tpu.memref_slice %arg7[%dma_start3A_264, %dma_start3A_273, %dma_start3A_274] : memref<2x48x512xf32, #tpu.memory_space<vmem>> -> memref<1x40x512xf32, #tpu.memory_space<vmem>>
    %dma_start3A_276 = tpu.memref_squeeze %dma_start3A_275 : memref<1x40x512xf32, #tpu.memory_space<vmem>> -> memref<40x512xf32, #tpu.memory_space<vmem>>
    tpu.enqueue_dma source(%dma_start3A_276 : memref<40x512xf32, #tpu.memory_space<vmem>>) target(%dma_start3A_272 : memref<40x512xf32, #tpu.memory_space<hbm>>) target_semaphore(%arg10 : memref<!tpu.dma_semaphore, #tpu.memory_space<semaphore_mem>>)
    %dma_wait3A_277 = arith.constant 1 : i32
    %dma_wait3A_278 = arith.constant 0 : i32
    %dma_wait3A_279 = arith.constant 0 : i32
    %dma_wait3A_280 = tpu.memref_slice %arg6[%dma_wait3A_277, %dma_wait3A_278, %dma_wait3A_279] : memref<2x48x512xi32, #tpu.memory_space<vmem>> -> memref<1x8x512xi32, #tpu.memory_space<vmem>>
    %dma_wait3A_281 = tpu.memref_squeeze %dma_wait3A_280 : memref<1x8x512xi32, #tpu.memory_space<vmem>> -> memref<8x512xi32, #tpu.memory_space<vmem>>
    %dma_wait3A_282 = arith.constant 192 : i32
    %dma_wait3A_283 = tpu.memref_slice %arg2[%dma_wait3A_282, %mul3A_2] : memref<200x16384xi32, #tpu.memory_space<hbm>> -> memref<8x512xi32, #tpu.memory_space<hbm>>
    %dma_wait3A_284 = arith.constant 0 : i32
    %dma_wait3A_285 = arith.constant 0 : i32
    %dma_wait3A_286 = tpu.memref_slice %arg6[%dma_wait3A_277, %dma_wait3A_284, %dma_wait3A_285] : memref<2x48x512xi32, #tpu.memory_space<vmem>> -> memref<1x8x512xi32, #tpu.memory_space<vmem>>
    %dma_wait3A_287 = tpu.memref_squeeze %dma_wait3A_286 : memref<1x8x512xi32, #tpu.memory_space<vmem>> -> memref<8x512xi32, #tpu.memory_space<vmem>>
    %dma_wait3A_288 = arith.constant 192 : i32
    %dma_wait3A_289 = tpu.memref_slice %arg2[%dma_wait3A_288, %mul3A_2] : memref<200x16384xi32, #tpu.memory_space<hbm>> -> memref<8x512xi32, #tpu.memory_space<hbm>>
    tpu.wait_dma2 semaphore(%arg9 : memref<!tpu.dma_semaphore, #tpu.memory_space<semaphore_mem>>) src(%dma_wait3A_289 : memref<8x512xi32, #tpu.memory_space<hbm>>) dst(%dma_wait3A_287 : memref<8x512xi32, #tpu.memory_space<vmem>>)
    %dma_wait3A_290 = arith.constant 1 : i32
    %dma_wait3A_291 = arith.constant 0 : i32
    %dma_wait3A_292 = arith.constant 0 : i32
    %dma_wait3A_293 = tpu.memref_slice %arg7[%dma_wait3A_290, %dma_wait3A_291, %dma_wait3A_292] : memref<2x48x512xf32, #tpu.memory_space<vmem>> -> memref<1x48x512xf32, #tpu.memory_space<vmem>>
    %dma_wait3A_294 = tpu.memref_squeeze %dma_wait3A_293 : memref<1x48x512xf32, #tpu.memory_space<vmem>> -> memref<48x512xf32, #tpu.memory_space<vmem>>
    %dma_wait3A_295 = arith.constant 104 : i32
    %dma_wait3A_296 = tpu.memref_slice %arg4[%dma_wait3A_295, %mul3A_2] : memref<200x16384xf32, #tpu.memory_space<hbm>> -> memref<48x512xf32, #tpu.memory_space<hbm>>
    %dma_wait3A_297 = arith.constant 104 : i32
    %dma_wait3A_298 = tpu.memref_slice %arg4[%dma_wait3A_297, %mul3A_2] : memref<200x16384xf32, #tpu.memory_space<hbm>> -> memref<48x512xf32, #tpu.memory_space<hbm>>
    %dma_wait3A_299 = arith.constant 0 : i32
    %dma_wait3A_300 = arith.constant 0 : i32
    %dma_wait3A_301 = tpu.memref_slice %arg7[%dma_wait3A_290, %dma_wait3A_299, %dma_wait3A_300] : memref<2x48x512xf32, #tpu.memory_space<vmem>> -> memref<1x48x512xf32, #tpu.memory_space<vmem>>
    %dma_wait3A_302 = tpu.memref_squeeze %dma_wait3A_301 : memref<1x48x512xf32, #tpu.memory_space<vmem>> -> memref<48x512xf32, #tpu.memory_space<vmem>>
    tpu.wait_dma2 semaphore(%arg11 : memref<!tpu.dma_semaphore, #tpu.memory_space<semaphore_mem>>) src(%dma_wait3A_302 : memref<48x512xf32, #tpu.memory_space<vmem>>) dst(%dma_wait3A_298 : memref<48x512xf32, #tpu.memory_space<hbm>>)
    %scan3A_303 = arith.constant 0 : i32
    %scan3A_304 = arith.constant 0 : i32
    %scan3A_305 = arith.constant 8 : i32
    %scan3A_306 = arith.addi %scan3A_304, %scan3A_305 : i32
    %scan3A_307 = arith.constant 1 : i32
    scf.for %scan3A_348 = %scan3A_304 to %scan3A_306 step %scan3A_307  : i32 {
      %get3A = arith.constant 1 : i32
      %get3A_349 = arith.index_cast %get3A : i32 to index
      %get3A_350 = arith.index_cast %scan3A_348 : i32 to index
      %get3A_351 = arith.constant 0 : index
      %get3A_352 = tpu.vector_load %arg6[%get3A_349, %get3A_350, %get3A_351] {strides = array<i32>} : memref<2x48x512xi32, #tpu.memory_space<vmem>>, vector<16xi32>,
      %get3A_353 = arith.constant 1 : i32
      %get3A_354 = arith.index_cast %get3A_353 : i32 to index
      %get3A_355 = arith.index_cast %scan3A_348 : i32 to index
      %get3A_356 = arith.constant 16 : index
      %get3A_357 = tpu.vector_load %arg6[%get3A_354, %get3A_355, %get3A_356] {strides = array<i32>} : memref<2x48x512xi32, #tpu.memory_space<vmem>>, vector<16xi32>,
      %get3A_358 = arith.constant 1 : i32
      %get3A_359 = arith.index_cast %get3A_358 : i32 to index
      %get3A_360 = arith.index_cast %scan3A_348 : i32 to index
      %get3A_361 = arith.constant 32 : index
      %get3A_362 = tpu.vector_load %arg6[%get3A_359, %get3A_360, %get3A_361] {strides = array<i32>} : memref<2x48x512xi32, #tpu.memory_space<vmem>>, vector<16xi32>,
      %get3A_363 = arith.constant 1 : i32
      %get3A_364 = arith.index_cast %get3A_363 : i32 to index
      %get3A_365 = arith.index_cast %scan3A_348 : i32 to index
      %get3A_366 = arith.constant 48 : index
      %get3A_367 = tpu.vector_load %arg6[%get3A_364, %get3A_365, %get3A_366] {strides = array<i32>} : memref<2x48x512xi32, #tpu.memory_space<vmem>>, vector<16xi32>,
      %get3A_368 = arith.constant 1 : i32
      %get3A_369 = arith.index_cast %get3A_368 : i32 to index
      %get3A_370 = arith.index_cast %scan3A_348 : i32 to index
      %get3A_371 = arith.constant 64 : index
      %get3A_372 = tpu.vector_load %arg6[%get3A_369, %get3A_370, %get3A_371] {strides = array<i32>} : memref<2x48x512xi32, #tpu.memory_space<vmem>>, vector<16xi32>,
      %get3A_373 = arith.constant 1 : i32
      %get3A_374 = arith.index_cast %get3A_373 : i32 to index
      %get3A_375 = arith.index_cast %scan3A_348 : i32 to index
      %get3A_376 = arith.constant 80 : index
      %get3A_377 = tpu.vector_load %arg6[%get3A_374, %get3A_375, %get3A_376] {strides = array<i32>} : memref<2x48x512xi32, #tpu.memory_space<vmem>>, vector<16xi32>,
      %get3A_378 = arith.constant 1 : i32
      %get3A_379 = arith.index_cast %get3A_378 : i32 to index
      %get3A_380 = arith.index_cast %scan3A_348 : i32 to index
      %get3A_381 = arith.constant 96 : index
      %get3A_382 = tpu.vector_load %arg6[%get3A_379, %get3A_380, %get3A_381] {strides = array<i32>} : memref<2x48x512xi32, #tpu.memory_space<vmem>>, vector<16xi32>,
      %get3A_383 = arith.constant 1 : i32
      %get3A_384 = arith.index_cast %get3A_383 : i32 to index
      %get3A_385 = arith.index_cast %scan3A_348 : i32 to index
      %get3A_386 = arith.constant 112 : index
      %get3A_387 = tpu.vector_load %arg6[%get3A_384, %get3A_385, %get3A_386] {strides = array<i32>} : memref<2x48x512xi32, #tpu.memory_space<vmem>>, vector<16xi32>,
      %get3A_388 = arith.constant 1 : i32
      %get3A_389 = arith.index_cast %get3A_388 : i32 to index
      %get3A_390 = arith.index_cast %scan3A_348 : i32 to index
      %get3A_391 = arith.constant 128 : index
      %get3A_392 = tpu.vector_load %arg6[%get3A_389, %get3A_390, %get3A_391] {strides = array<i32>} : memref<2x48x512xi32, #tpu.memory_space<vmem>>, vector<16xi32>,
      %get3A_393 = arith.constant 1 : i32
      %get3A_394 = arith.index_cast %get3A_393 : i32 to index
      %get3A_395 = arith.index_cast %scan3A_348 : i32 to index
      %get3A_396 = arith.constant 144 : index
      %get3A_397 = tpu.vector_load %arg6[%get3A_394, %get3A_395, %get3A_396] {strides = array<i32>} : memref<2x48x512xi32, #tpu.memory_space<vmem>>, vector<16xi32>,
      %get3A_398 = arith.constant 1 : i32
      %get3A_399 = arith.index_cast %get3A_398 : i32 to index
      %get3A_400 = arith.index_cast %scan3A_348 : i32 to index
      %get3A_401 = arith.constant 160 : index
      %get3A_402 = tpu.vector_load %arg6[%get3A_399, %get3A_400, %get3A_401] {strides = array<i32>} : memref<2x48x512xi32, #tpu.memory_space<vmem>>, vector<16xi32>,
      %get3A_403 = arith.constant 1 : i32
      %get3A_404 = arith.index_cast %get3A_403 : i32 to index
      %get3A_405 = arith.index_cast %scan3A_348 : i32 to index
      %get3A_406 = arith.constant 176 : index
      %get3A_407 = tpu.vector_load %arg6[%get3A_404, %get3A_405, %get3A_406] {strides = array<i32>} : memref<2x48x512xi32, #tpu.memory_space<vmem>>, vector<16xi32>,
      %get3A_408 = arith.constant 1 : i32
      %get3A_409 = arith.index_cast %get3A_408 : i32 to index
      %get3A_410 = arith.index_cast %scan3A_348 : i32 to index
      %get3A_411 = arith.constant 192 : index
      %get3A_412 = tpu.vector_load %arg6[%get3A_409, %get3A_410, %get3A_411] {strides = array<i32>} : memref<2x48x512xi32, #tpu.memory_space<vmem>>, vector<16xi32>,
      %get3A_413 = arith.constant 1 : i32
      %get3A_414 = arith.index_cast %get3A_413 : i32 to index
      %get3A_415 = arith.index_cast %scan3A_348 : i32 to index
      %get3A_416 = arith.constant 208 : index
      %get3A_417 = tpu.vector_load %arg6[%get3A_414, %get3A_415, %get3A_416] {strides = array<i32>} : memref<2x48x512xi32, #tpu.memory_space<vmem>>, vector<16xi32>,
      %get3A_418 = arith.constant 1 : i32
      %get3A_419 = arith.index_cast %get3A_418 : i32 to index
      %get3A_420 = arith.index_cast %scan3A_348 : i32 to index
      %get3A_421 = arith.constant 224 : index
      %get3A_422 = tpu.vector_load %arg6[%get3A_419, %get3A_420, %get3A_421] {strides = array<i32>} : memref<2x48x512xi32, #tpu.memory_space<vmem>>, vector<16xi32>,
      %get3A_423 = arith.constant 1 : i32
      %get3A_424 = arith.index_cast %get3A_423 : i32 to index
      %get3A_425 = arith.index_cast %scan3A_348 : i32 to index
      %get3A_426 = arith.constant 240 : index
      %get3A_427 = tpu.vector_load %arg6[%get3A_424, %get3A_425, %get3A_426] {strides = array<i32>} : memref<2x48x512xi32, #tpu.memory_space<vmem>>, vector<16xi32>,
      %get3A_428 = arith.constant 1 : i32
      %get3A_429 = arith.index_cast %get3A_428 : i32 to index
      %get3A_430 = arith.index_cast %scan3A_348 : i32 to index
      %get3A_431 = arith.constant 256 : index
      %get3A_432 = tpu.vector_load %arg6[%get3A_429, %get3A_430, %get3A_431] {strides = array<i32>} : memref<2x48x512xi32, #tpu.memory_space<vmem>>, vector<16xi32>,
      %get3A_433 = arith.constant 1 : i32
      %get3A_434 = arith.index_cast %get3A_433 : i32 to index
      %get3A_435 = arith.index_cast %scan3A_348 : i32 to index
      %get3A_436 = arith.constant 272 : index
      %get3A_437 = tpu.vector_load %arg6[%get3A_434, %get3A_435, %get3A_436] {strides = array<i32>} : memref<2x48x512xi32, #tpu.memory_space<vmem>>, vector<16xi32>,
      %get3A_438 = arith.constant 1 : i32
      %get3A_439 = arith.index_cast %get3A_438 : i32 to index
      %get3A_440 = arith.index_cast %scan3A_348 : i32 to index
      %get3A_441 = arith.constant 288 : index
      %get3A_442 = tpu.vector_load %arg6[%get3A_439, %get3A_440, %get3A_441] {strides = array<i32>} : memref<2x48x512xi32, #tpu.memory_space<vmem>>, vector<16xi32>,
      %get3A_443 = arith.constant 1 : i32
      %get3A_444 = arith.index_cast %get3A_443 : i32 to index
      %get3A_445 = arith.index_cast %scan3A_348 : i32 to index
      %get3A_446 = arith.constant 304 : index
      %get3A_447 = tpu.vector_load %arg6[%get3A_444, %get3A_445, %get3A_446] {strides = array<i32>} : memref<2x48x512xi32, #tpu.memory_space<vmem>>, vector<16xi32>,
      %get3A_448 = arith.constant 1 : i32
      %get3A_449 = arith.index_cast %get3A_448 : i32 to index
      %get3A_450 = arith.index_cast %scan3A_348 : i32 to index
      %get3A_451 = arith.constant 320 : index
      %get3A_452 = tpu.vector_load %arg6[%get3A_449, %get3A_450, %get3A_451] {strides = array<i32>} : memref<2x48x512xi32, #tpu.memory_space<vmem>>, vector<16xi32>,
      %get3A_453 = arith.constant 1 : i32
      %get3A_454 = arith.index_cast %get3A_453 : i32 to index
      %get3A_455 = arith.index_cast %scan3A_348 : i32 to index
      %get3A_456 = arith.constant 336 : index
      %get3A_457 = tpu.vector_load %arg6[%get3A_454, %get3A_455, %get3A_456] {strides = array<i32>} : memref<2x48x512xi32, #tpu.memory_space<vmem>>, vector<16xi32>,
      %get3A_458 = arith.constant 1 : i32
      %get3A_459 = arith.index_cast %get3A_458 : i32 to index
      %get3A_460 = arith.index_cast %scan3A_348 : i32 to index
      %get3A_461 = arith.constant 352 : index
      %get3A_462 = tpu.vector_load %arg6[%get3A_459, %get3A_460, %get3A_461] {strides = array<i32>} : memref<2x48x512xi32, #tpu.memory_space<vmem>>, vector<16xi32>,
      %get3A_463 = arith.constant 1 : i32
      %get3A_464 = arith.index_cast %get3A_463 : i32 to index
      %get3A_465 = arith.index_cast %scan3A_348 : i32 to index
      %get3A_466 = arith.constant 368 : index
      %get3A_467 = tpu.vector_load %arg6[%get3A_464, %get3A_465, %get3A_466] {strides = array<i32>} : memref<2x48x512xi32, #tpu.memory_space<vmem>>, vector<16xi32>,
      %get3A_468 = arith.constant 1 : i32
      %get3A_469 = arith.index_cast %get3A_468 : i32 to index
      %get3A_470 = arith.index_cast %scan3A_348 : i32 to index
      %get3A_471 = arith.constant 384 : index
      %get3A_472 = tpu.vector_load %arg6[%get3A_469, %get3A_470, %get3A_471] {strides = array<i32>} : memref<2x48x512xi32, #tpu.memory_space<vmem>>, vector<16xi32>,
      %get3A_473 = arith.constant 1 : i32
      %get3A_474 = arith.index_cast %get3A_473 : i32 to index
      %get3A_475 = arith.index_cast %scan3A_348 : i32 to index
      %get3A_476 = arith.constant 400 : index
      %get3A_477 = tpu.vector_load %arg6[%get3A_474, %get3A_475, %get3A_476] {strides = array<i32>} : memref<2x48x512xi32, #tpu.memory_space<vmem>>, vector<16xi32>,
      %get3A_478 = arith.constant 1 : i32
      %get3A_479 = arith.index_cast %get3A_478 : i32 to index
      %get3A_480 = arith.index_cast %scan3A_348 : i32 to index
      %get3A_481 = arith.constant 416 : index
      %get3A_482 = tpu.vector_load %arg6[%get3A_479, %get3A_480, %get3A_481] {strides = array<i32>} : memref<2x48x512xi32, #tpu.memory_space<vmem>>, vector<16xi32>,
      %get3A_483 = arith.constant 1 : i32
      %get3A_484 = arith.index_cast %get3A_483 : i32 to index
      %get3A_485 = arith.index_cast %scan3A_348 : i32 to index
      %get3A_486 = arith.constant 432 : index
      %get3A_487 = tpu.vector_load %arg6[%get3A_484, %get3A_485, %get3A_486] {strides = array<i32>} : memref<2x48x512xi32, #tpu.memory_space<vmem>>, vector<16xi32>,
      %get3A_488 = arith.constant 1 : i32
      %get3A_489 = arith.index_cast %get3A_488 : i32 to index
      %get3A_490 = arith.index_cast %scan3A_348 : i32 to index
      %get3A_491 = arith.constant 448 : index
      %get3A_492 = tpu.vector_load %arg6[%get3A_489, %get3A_490, %get3A_491] {strides = array<i32>} : memref<2x48x512xi32, #tpu.memory_space<vmem>>, vector<16xi32>,
      %get3A_493 = arith.constant 1 : i32
      %get3A_494 = arith.index_cast %get3A_493 : i32 to index
      %get3A_495 = arith.index_cast %scan3A_348 : i32 to index
      %get3A_496 = arith.constant 464 : index
      %get3A_497 = tpu.vector_load %arg6[%get3A_494, %get3A_495, %get3A_496] {strides = array<i32>} : memref<2x48x512xi32, #tpu.memory_space<vmem>>, vector<16xi32>,
      %get3A_498 = arith.constant 1 : i32
      %get3A_499 = arith.index_cast %get3A_498 : i32 to index
      %get3A_500 = arith.index_cast %scan3A_348 : i32 to index
      %get3A_501 = arith.constant 480 : index
      %get3A_502 = tpu.vector_load %arg6[%get3A_499, %get3A_500, %get3A_501] {strides = array<i32>} : memref<2x48x512xi32, #tpu.memory_space<vmem>>, vector<16xi32>,
      %get3A_503 = arith.constant 1 : i32
      %get3A_504 = arith.index_cast %get3A_503 : i32 to index
      %get3A_505 = arith.index_cast %scan3A_348 : i32 to index
      %get3A_506 = arith.constant 496 : index
      %get3A_507 = tpu.vector_load %arg6[%get3A_504, %get3A_505, %get3A_506] {strides = array<i32>} : memref<2x48x512xi32, #tpu.memory_space<vmem>>, vector<16xi32>,
      %gather3A = tpu.vector_load_idx %arg5[%get3A_352] : memref<1000xf32, #tpu.memory_space<vmem>>[vector<16xi32>], vector<16xf32>,
      %gather3A_508 = tpu.vector_load_idx %arg5[%get3A_357] : memref<1000xf32, #tpu.memory_space<vmem>>[vector<16xi32>], vector<16xf32>,
      %gather3A_509 = tpu.vector_load_idx %arg5[%get3A_362] : memref<1000xf32, #tpu.memory_space<vmem>>[vector<16xi32>], vector<16xf32>,
      %gather3A_510 = tpu.vector_load_idx %arg5[%get3A_367] : memref<1000xf32, #tpu.memory_space<vmem>>[vector<16xi32>], vector<16xf32>,
      %gather3A_511 = tpu.vector_load_idx %arg5[%get3A_372] : memref<1000xf32, #tpu.memory_space<vmem>>[vector<16xi32>], vector<16xf32>,
      %gather3A_512 = tpu.vector_load_idx %arg5[%get3A_377] : memref<1000xf32, #tpu.memory_space<vmem>>[vector<16xi32>], vector<16xf32>,
      %gather3A_513 = tpu.vector_load_idx %arg5[%get3A_382] : memref<1000xf32, #tpu.memory_space<vmem>>[vector<16xi32>], vector<16xf32>,
      %gather3A_514 = tpu.vector_load_idx %arg5[%get3A_387] : memref<1000xf32, #tpu.memory_space<vmem>>[vector<16xi32>], vector<16xf32>,
      %gather3A_515 = tpu.vector_load_idx %arg5[%get3A_392] : memref<1000xf32, #tpu.memory_space<vmem>>[vector<16xi32>], vector<16xf32>,
      %gather3A_516 = tpu.vector_load_idx %arg5[%get3A_397] : memref<1000xf32, #tpu.memory_space<vmem>>[vector<16xi32>], vector<16xf32>,
      %gather3A_517 = tpu.vector_load_idx %arg5[%get3A_402] : memref<1000xf32, #tpu.memory_space<vmem>>[vector<16xi32>], vector<16xf32>,
      %gather3A_518 = tpu.vector_load_idx %arg5[%get3A_407] : memref<1000xf32, #tpu.memory_space<vmem>>[vector<16xi32>], vector<16xf32>,
      %gather3A_519 = tpu.vector_load_idx %arg5[%get3A_412] : memref<1000xf32, #tpu.memory_space<vmem>>[vector<16xi32>], vector<16xf32>,
      %gather3A_520 = tpu.vector_load_idx %arg5[%get3A_417] : memref<1000xf32, #tpu.memory_space<vmem>>[vector<16xi32>], vector<16xf32>,
      %gather3A_521 = tpu.vector_load_idx %arg5[%get3A_422] : memref<1000xf32, #tpu.memory_space<vmem>>[vector<16xi32>], vector<16xf32>,
      %gather3A_522 = tpu.vector_load_idx %arg5[%get3A_427] : memref<1000xf32, #tpu.memory_space<vmem>>[vector<16xi32>], vector<16xf32>,
      %gather3A_523 = tpu.vector_load_idx %arg5[%get3A_432] : memref<1000xf32, #tpu.memory_space<vmem>>[vector<16xi32>], vector<16xf32>,
      %gather3A_524 = tpu.vector_load_idx %arg5[%get3A_437] : memref<1000xf32, #tpu.memory_space<vmem>>[vector<16xi32>], vector<16xf32>,
      %gather3A_525 = tpu.vector_load_idx %arg5[%get3A_442] : memref<1000xf32, #tpu.memory_space<vmem>>[vector<16xi32>], vector<16xf32>,
      %gather3A_526 = tpu.vector_load_idx %arg5[%get3A_447] : memref<1000xf32, #tpu.memory_space<vmem>>[vector<16xi32>], vector<16xf32>,
      %gather3A_527 = tpu.vector_load_idx %arg5[%get3A_452] : memref<1000xf32, #tpu.memory_space<vmem>>[vector<16xi32>], vector<16xf32>,
      %gather3A_528 = tpu.vector_load_idx %arg5[%get3A_457] : memref<1000xf32, #tpu.memory_space<vmem>>[vector<16xi32>], vector<16xf32>,
      %gather3A_529 = tpu.vector_load_idx %arg5[%get3A_462] : memref<1000xf32, #tpu.memory_space<vmem>>[vector<16xi32>], vector<16xf32>,
      %gather3A_530 = tpu.vector_load_idx %arg5[%get3A_467] : memref<1000xf32, #tpu.memory_space<vmem>>[vector<16xi32>], vector<16xf32>,
      %gather3A_531 = tpu.vector_load_idx %arg5[%get3A_472] : memref<1000xf32, #tpu.memory_space<vmem>>[vector<16xi32>], vector<16xf32>,
      %gather3A_532 = tpu.vector_load_idx %arg5[%get3A_477] : memref<1000xf32, #tpu.memory_space<vmem>>[vector<16xi32>], vector<16xf32>,
      %gather3A_533 = tpu.vector_load_idx %arg5[%get3A_482] : memref<1000xf32, #tpu.memory_space<vmem>>[vector<16xi32>], vector<16xf32>,
      %gather3A_534 = tpu.vector_load_idx %arg5[%get3A_487] : memref<1000xf32, #tpu.memory_space<vmem>>[vector<16xi32>], vector<16xf32>,
      %gather3A_535 = tpu.vector_load_idx %arg5[%get3A_492] : memref<1000xf32, #tpu.memory_space<vmem>>[vector<16xi32>], vector<16xf32>,
      %gather3A_536 = tpu.vector_load_idx %arg5[%get3A_497] : memref<1000xf32, #tpu.memory_space<vmem>>[vector<16xi32>], vector<16xf32>,
      %gather3A_537 = tpu.vector_load_idx %arg5[%get3A_502] : memref<1000xf32, #tpu.memory_space<vmem>>[vector<16xi32>], vector<16xf32>,
      %gather3A_538 = tpu.vector_load_idx %arg5[%get3A_507] : memref<1000xf32, #tpu.memory_space<vmem>>[vector<16xi32>], vector<16xf32>,
      %swap3A = arith.constant 1 : i32
      %swap3A_539 = arith.index_cast %swap3A : i32 to index
      %swap3A_540 = arith.index_cast %scan3A_348 : i32 to index
      %swap3A_541 = arith.constant 0 : index
      %swap3A_542 = tpu.vector_load %arg7[%swap3A_539, %swap3A_540, %swap3A_541] {strides = array<i32>} : memref<2x48x512xf32, #tpu.memory_space<vmem>>, vector<16xf32>,
      tpu.vector_store %arg7[%swap3A_539, %swap3A_540, %swap3A_541], %gather3A {strides = array<i32>} : memref<2x48x512xf32, #tpu.memory_space<vmem>>, vector<16xf32>,
      %swap3A_543 = arith.constant 1 : i32
      %swap3A_544 = arith.index_cast %swap3A_543 : i32 to index
      %swap3A_545 = arith.index_cast %scan3A_348 : i32 to index
      %swap3A_546 = arith.constant 16 : index
      %swap3A_547 = tpu.vector_load %arg7[%swap3A_544, %swap3A_545, %swap3A_546] {strides = array<i32>} : memref<2x48x512xf32, #tpu.memory_space<vmem>>, vector<16xf32>,
      tpu.vector_store %arg7[%swap3A_544, %swap3A_545, %swap3A_546], %gather3A_508 {strides = array<i32>} : memref<2x48x512xf32, #tpu.memory_space<vmem>>, vector<16xf32>,
      %swap3A_548 = arith.constant 1 : i32
      %swap3A_549 = arith.index_cast %swap3A_548 : i32 to index
      %swap3A_550 = arith.index_cast %scan3A_348 : i32 to index
      %swap3A_551 = arith.constant 32 : index
      %swap3A_552 = tpu.vector_load %arg7[%swap3A_549, %swap3A_550, %swap3A_551] {strides = array<i32>} : memref<2x48x512xf32, #tpu.memory_space<vmem>>, vector<16xf32>,
      tpu.vector_store %arg7[%swap3A_549, %swap3A_550, %swap3A_551], %gather3A_509 {strides = array<i32>} : memref<2x48x512xf32, #tpu.memory_space<vmem>>, vector<16xf32>,
      %swap3A_553 = arith.constant 1 : i32
      %swap3A_554 = arith.index_cast %swap3A_553 : i32 to index
      %swap3A_555 = arith.index_cast %scan3A_348 : i32 to index
      %swap3A_556 = arith.constant 48 : index
      %swap3A_557 = tpu.vector_load %arg7[%swap3A_554, %swap3A_555, %swap3A_556] {strides = array<i32>} : memref<2x48x512xf32, #tpu.memory_space<vmem>>, vector<16xf32>,
      tpu.vector_store %arg7[%swap3A_554, %swap3A_555, %swap3A_556], %gather3A_510 {strides = array<i32>} : memref<2x48x512xf32, #tpu.memory_space<vmem>>, vector<16xf32>,
      %swap3A_558 = arith.constant 1 : i32
      %swap3A_559 = arith.index_cast %swap3A_558 : i32 to index
      %swap3A_560 = arith.index_cast %scan3A_348 : i32 to index
      %swap3A_561 = arith.constant 64 : index
      %swap3A_562 = tpu.vector_load %arg7[%swap3A_559, %swap3A_560, %swap3A_561] {strides = array<i32>} : memref<2x48x512xf32, #tpu.memory_space<vmem>>, vector<16xf32>,
      tpu.vector_store %arg7[%swap3A_559, %swap3A_560, %swap3A_561], %gather3A_511 {strides = array<i32>} : memref<2x48x512xf32, #tpu.memory_space<vmem>>, vector<16xf32>,
      %swap3A_563 = arith.constant 1 : i32
      %swap3A_564 = arith.index_cast %swap3A_563 : i32 to index
      %swap3A_565 = arith.index_cast %scan3A_348 : i32 to index
      %swap3A_566 = arith.constant 80 : index
      %swap3A_567 = tpu.vector_load %arg7[%swap3A_564, %swap3A_565, %swap3A_566] {strides = array<i32>} : memref<2x48x512xf32, #tpu.memory_space<vmem>>, vector<16xf32>,
      tpu.vector_store %arg7[%swap3A_564, %swap3A_565, %swap3A_566], %gather3A_512 {strides = array<i32>} : memref<2x48x512xf32, #tpu.memory_space<vmem>>, vector<16xf32>,
      %swap3A_568 = arith.constant 1 : i32
      %swap3A_569 = arith.index_cast %swap3A_568 : i32 to index
      %swap3A_570 = arith.index_cast %scan3A_348 : i32 to index
      %swap3A_571 = arith.constant 96 : index
      %swap3A_572 = tpu.vector_load %arg7[%swap3A_569, %swap3A_570, %swap3A_571] {strides = array<i32>} : memref<2x48x512xf32, #tpu.memory_space<vmem>>, vector<16xf32>,
      tpu.vector_store %arg7[%swap3A_569, %swap3A_570, %swap3A_571], %gather3A_513 {strides = array<i32>} : memref<2x48x512xf32, #tpu.memory_space<vmem>>, vector<16xf32>,
      %swap3A_573 = arith.constant 1 : i32
      %swap3A_574 = arith.index_cast %swap3A_573 : i32 to index
      %swap3A_575 = arith.index_cast %scan3A_348 : i32 to index
      %swap3A_576 = arith.constant 112 : index
      %swap3A_577 = tpu.vector_load %arg7[%swap3A_574, %swap3A_575, %swap3A_576] {strides = array<i32>} : memref<2x48x512xf32, #tpu.memory_space<vmem>>, vector<16xf32>,
      tpu.vector_store %arg7[%swap3A_574, %swap3A_575, %swap3A_576], %gather3A_514 {strides = array<i32>} : memref<2x48x512xf32, #tpu.memory_space<vmem>>, vector<16xf32>,
      %swap3A_578 = arith.constant 1 : i32
      %swap3A_579 = arith.index_cast %swap3A_578 : i32 to index
      %swap3A_580 = arith.index_cast %scan3A_348 : i32 to index
      %swap3A_581 = arith.constant 128 : index
      %swap3A_582 = tpu.vector_load %arg7[%swap3A_579, %swap3A_580, %swap3A_581] {strides = array<i32>} : memref<2x48x512xf32, #tpu.memory_space<vmem>>, vector<16xf32>,
      tpu.vector_store %arg7[%swap3A_579, %swap3A_580, %swap3A_581], %gather3A_515 {strides = array<i32>} : memref<2x48x512xf32, #tpu.memory_space<vmem>>, vector<16xf32>,
      %swap3A_583 = arith.constant 1 : i32
      %swap3A_584 = arith.index_cast %swap3A_583 : i32 to index
      %swap3A_585 = arith.index_cast %scan3A_348 : i32 to index
      %swap3A_586 = arith.constant 144 : index
      %swap3A_587 = tpu.vector_load %arg7[%swap3A_584, %swap3A_585, %swap3A_586] {strides = array<i32>} : memref<2x48x512xf32, #tpu.memory_space<vmem>>, vector<16xf32>,
      tpu.vector_store %arg7[%swap3A_584, %swap3A_585, %swap3A_586], %gather3A_516 {strides = array<i32>} : memref<2x48x512xf32, #tpu.memory_space<vmem>>, vector<16xf32>,
      %swap3A_588 = arith.constant 1 : i32
      %swap3A_589 = arith.index_cast %swap3A_588 : i32 to index
      %swap3A_590 = arith.index_cast %scan3A_348 : i32 to index
      %swap3A_591 = arith.constant 160 : index
      %swap3A_592 = tpu.vector_load %arg7[%swap3A_589, %swap3A_590, %swap3A_591] {strides = array<i32>} : memref<2x48x512xf32, #tpu.memory_space<vmem>>, vector<16xf32>,
      tpu.vector_store %arg7[%swap3A_589, %swap3A_590, %swap3A_591], %gather3A_517 {strides = array<i32>} : memref<2x48x512xf32, #tpu.memory_space<vmem>>, vector<16xf32>,
      %swap3A_593 = arith.constant 1 : i32
      %swap3A_594 = arith.index_cast %swap3A_593 : i32 to index
      %swap3A_595 = arith.index_cast %scan3A_348 : i32 to index
      %swap3A_596 = arith.constant 176 : index
      %swap3A_597 = tpu.vector_load %arg7[%swap3A_594, %swap3A_595, %swap3A_596] {strides = array<i32>} : memref<2x48x512xf32, #tpu.memory_space<vmem>>, vector<16xf32>,
      tpu.vector_store %arg7[%swap3A_594, %swap3A_595, %swap3A_596], %gather3A_518 {strides = array<i32>} : memref<2x48x512xf32, #tpu.memory_space<vmem>>, vector<16xf32>,
      %swap3A_598 = arith.constant 1 : i32
      %swap3A_599 = arith.index_cast %swap3A_598 : i32 to index
      %swap3A_600 = arith.index_cast %scan3A_348 : i32 to index
      %swap3A_601 = arith.constant 192 : index
      %swap3A_602 = tpu.vector_load %arg7[%swap3A_599, %swap3A_600, %swap3A_601] {strides = array<i32>} : memref<2x48x512xf32, #tpu.memory_space<vmem>>, vector<16xf32>,
      tpu.vector_store %arg7[%swap3A_599, %swap3A_600, %swap3A_601], %gather3A_519 {strides = array<i32>} : memref<2x48x512xf32, #tpu.memory_space<vmem>>, vector<16xf32>,
      %swap3A_603 = arith.constant 1 : i32
      %swap3A_604 = arith.index_cast %swap3A_603 : i32 to index
      %swap3A_605 = arith.index_cast %scan3A_348 : i32 to index
      %swap3A_606 = arith.constant 208 : index
      %swap3A_607 = tpu.vector_load %arg7[%swap3A_604, %swap3A_605, %swap3A_606] {strides = array<i32>} : memref<2x48x512xf32, #tpu.memory_space<vmem>>, vector<16xf32>,
      tpu.vector_store %arg7[%swap3A_604, %swap3A_605, %swap3A_606], %gather3A_520 {strides = array<i32>} : memref<2x48x512xf32, #tpu.memory_space<vmem>>, vector<16xf32>,
      %swap3A_608 = arith.constant 1 : i32
      %swap3A_609 = arith.index_cast %swap3A_608 : i32 to index
      %swap3A_610 = arith.index_cast %scan3A_348 : i32 to index
      %swap3A_611 = arith.constant 224 : index
      %swap3A_612 = tpu.vector_load %arg7[%swap3A_609, %swap3A_610, %swap3A_611] {strides = array<i32>} : memref<2x48x512xf32, #tpu.memory_space<vmem>>, vector<16xf32>,
      tpu.vector_store %arg7[%swap3A_609, %swap3A_610, %swap3A_611], %gather3A_521 {strides = array<i32>} : memref<2x48x512xf32, #tpu.memory_space<vmem>>, vector<16xf32>,
      %swap3A_613 = arith.constant 1 : i32
      %swap3A_614 = arith.index_cast %swap3A_613 : i32 to index
      %swap3A_615 = arith.index_cast %scan3A_348 : i32 to index
      %swap3A_616 = arith.constant 240 : index
      %swap3A_617 = tpu.vector_load %arg7[%swap3A_614, %swap3A_615, %swap3A_616] {strides = array<i32>} : memref<2x48x512xf32, #tpu.memory_space<vmem>>, vector<16xf32>,
      tpu.vector_store %arg7[%swap3A_614, %swap3A_615, %swap3A_616], %gather3A_522 {strides = array<i32>} : memref<2x48x512xf32, #tpu.memory_space<vmem>>, vector<16xf32>,
      %swap3A_618 = arith.constant 1 : i32
      %swap3A_619 = arith.index_cast %swap3A_618 : i32 to index
      %swap3A_620 = arith.index_cast %scan3A_348 : i32 to index
      %swap3A_621 = arith.constant 256 : index
      %swap3A_622 = tpu.vector_load %arg7[%swap3A_619, %swap3A_620, %swap3A_621] {strides = array<i32>} : memref<2x48x512xf32, #tpu.memory_space<vmem>>, vector<16xf32>,
      tpu.vector_store %arg7[%swap3A_619, %swap3A_620, %swap3A_621], %gather3A_523 {strides = array<i32>} : memref<2x48x512xf32, #tpu.memory_space<vmem>>, vector<16xf32>,
      %swap3A_623 = arith.constant 1 : i32
      %swap3A_624 = arith.index_cast %swap3A_623 : i32 to index
      %swap3A_625 = arith.index_cast %scan3A_348 : i32 to index
      %swap3A_626 = arith.constant 272 : index
      %swap3A_627 = tpu.vector_load %arg7[%swap3A_624, %swap3A_625, %swap3A_626] {strides = array<i32>} : memref<2x48x512xf32, #tpu.memory_space<vmem>>, vector<16xf32>,
      tpu.vector_store %arg7[%swap3A_624, %swap3A_625, %swap3A_626], %gather3A_524 {strides = array<i32>} : memref<2x48x512xf32, #tpu.memory_space<vmem>>, vector<16xf32>,
      %swap3A_628 = arith.constant 1 : i32
      %swap3A_629 = arith.index_cast %swap3A_628 : i32 to index
      %swap3A_630 = arith.index_cast %scan3A_348 : i32 to index
      %swap3A_631 = arith.constant 288 : index
      %swap3A_632 = tpu.vector_load %arg7[%swap3A_629, %swap3A_630, %swap3A_631] {strides = array<i32>} : memref<2x48x512xf32, #tpu.memory_space<vmem>>, vector<16xf32>,
      tpu.vector_store %arg7[%swap3A_629, %swap3A_630, %swap3A_631], %gather3A_525 {strides = array<i32>} : memref<2x48x512xf32, #tpu.memory_space<vmem>>, vector<16xf32>,
      %swap3A_633 = arith.constant 1 : i32
      %swap3A_634 = arith.index_cast %swap3A_633 : i32 to index
      %swap3A_635 = arith.index_cast %scan3A_348 : i32 to index
      %swap3A_636 = arith.constant 304 : index
      %swap3A_637 = tpu.vector_load %arg7[%swap3A_634, %swap3A_635, %swap3A_636] {strides = array<i32>} : memref<2x48x512xf32, #tpu.memory_space<vmem>>, vector<16xf32>,
      tpu.vector_store %arg7[%swap3A_634, %swap3A_635, %swap3A_636], %gather3A_526 {strides = array<i32>} : memref<2x48x512xf32, #tpu.memory_space<vmem>>, vector<16xf32>,
      %swap3A_638 = arith.constant 1 : i32
      %swap3A_639 = arith.index_cast %swap3A_638 : i32 to index
      %swap3A_640 = arith.index_cast %scan3A_348 : i32 to index
      %swap3A_641 = arith.constant 320 : index
      %swap3A_642 = tpu.vector_load %arg7[%swap3A_639, %swap3A_640, %swap3A_641] {strides = array<i32>} : memref<2x48x512xf32, #tpu.memory_space<vmem>>, vector<16xf32>,
      tpu.vector_store %arg7[%swap3A_639, %swap3A_640, %swap3A_641], %gather3A_527 {strides = array<i32>} : memref<2x48x512xf32, #tpu.memory_space<vmem>>, vector<16xf32>,
      %swap3A_643 = arith.constant 1 : i32
      %swap3A_644 = arith.index_cast %swap3A_643 : i32 to index
      %swap3A_645 = arith.index_cast %scan3A_348 : i32 to index
      %swap3A_646 = arith.constant 336 : index
      %swap3A_647 = tpu.vector_load %arg7[%swap3A_644, %swap3A_645, %swap3A_646] {strides = array<i32>} : memref<2x48x512xf32, #tpu.memory_space<vmem>>, vector<16xf32>,
      tpu.vector_store %arg7[%swap3A_644, %swap3A_645, %swap3A_646], %gather3A_528 {strides = array<i32>} : memref<2x48x512xf32, #tpu.memory_space<vmem>>, vector<16xf32>,
      %swap3A_648 = arith.constant 1 : i32
      %swap3A_649 = arith.index_cast %swap3A_648 : i32 to index
      %swap3A_650 = arith.index_cast %scan3A_348 : i32 to index
      %swap3A_651 = arith.constant 352 : index
      %swap3A_652 = tpu.vector_load %arg7[%swap3A_649, %swap3A_650, %swap3A_651] {strides = array<i32>} : memref<2x48x512xf32, #tpu.memory_space<vmem>>, vector<16xf32>,
      tpu.vector_store %arg7[%swap3A_649, %swap3A_650, %swap3A_651], %gather3A_529 {strides = array<i32>} : memref<2x48x512xf32, #tpu.memory_space<vmem>>, vector<16xf32>,
      %swap3A_653 = arith.constant 1 : i32
      %swap3A_654 = arith.index_cast %swap3A_653 : i32 to index
      %swap3A_655 = arith.index_cast %scan3A_348 : i32 to index
      %swap3A_656 = arith.constant 368 : index
      %swap3A_657 = tpu.vector_load %arg7[%swap3A_654, %swap3A_655, %swap3A_656] {strides = array<i32>} : memref<2x48x512xf32, #tpu.memory_space<vmem>>, vector<16xf32>,
      tpu.vector_store %arg7[%swap3A_654, %swap3A_655, %swap3A_656], %gather3A_530 {strides = array<i32>} : memref<2x48x512xf32, #tpu.memory_space<vmem>>, vector<16xf32>,
      %swap3A_658 = arith.constant 1 : i32
      %swap3A_659 = arith.index_cast %swap3A_658 : i32 to index
      %swap3A_660 = arith.index_cast %scan3A_348 : i32 to index
      %swap3A_661 = arith.constant 384 : index
      %swap3A_662 = tpu.vector_load %arg7[%swap3A_659, %swap3A_660, %swap3A_661] {strides = array<i32>} : memref<2x48x512xf32, #tpu.memory_space<vmem>>, vector<16xf32>,
      tpu.vector_store %arg7[%swap3A_659, %swap3A_660, %swap3A_661], %gather3A_531 {strides = array<i32>} : memref<2x48x512xf32, #tpu.memory_space<vmem>>, vector<16xf32>,
      %swap3A_663 = arith.constant 1 : i32
      %swap3A_664 = arith.index_cast %swap3A_663 : i32 to index
      %swap3A_665 = arith.index_cast %scan3A_348 : i32 to index
      %swap3A_666 = arith.constant 400 : index
      %swap3A_667 = tpu.vector_load %arg7[%swap3A_664, %swap3A_665, %swap3A_666] {strides = array<i32>} : memref<2x48x512xf32, #tpu.memory_space<vmem>>, vector<16xf32>,
      tpu.vector_store %arg7[%swap3A_664, %swap3A_665, %swap3A_666], %gather3A_532 {strides = array<i32>} : memref<2x48x512xf32, #tpu.memory_space<vmem>>, vector<16xf32>,
      %swap3A_668 = arith.constant 1 : i32
      %swap3A_669 = arith.index_cast %swap3A_668 : i32 to index
      %swap3A_670 = arith.index_cast %scan3A_348 : i32 to index
      %swap3A_671 = arith.constant 416 : index
      %swap3A_672 = tpu.vector_load %arg7[%swap3A_669, %swap3A_670, %swap3A_671] {strides = array<i32>} : memref<2x48x512xf32, #tpu.memory_space<vmem>>, vector<16xf32>,
      tpu.vector_store %arg7[%swap3A_669, %swap3A_670, %swap3A_671], %gather3A_533 {strides = array<i32>} : memref<2x48x512xf32, #tpu.memory_space<vmem>>, vector<16xf32>,
      %swap3A_673 = arith.constant 1 : i32
      %swap3A_674 = arith.index_cast %swap3A_673 : i32 to index
      %swap3A_675 = arith.index_cast %scan3A_348 : i32 to index
      %swap3A_676 = arith.constant 432 : index
      %swap3A_677 = tpu.vector_load %arg7[%swap3A_674, %swap3A_675, %swap3A_676] {strides = array<i32>} : memref<2x48x512xf32, #tpu.memory_space<vmem>>, vector<16xf32>,
      tpu.vector_store %arg7[%swap3A_674, %swap3A_675, %swap3A_676], %gather3A_534 {strides = array<i32>} : memref<2x48x512xf32, #tpu.memory_space<vmem>>, vector<16xf32>,
      %swap3A_678 = arith.constant 1 : i32
      %swap3A_679 = arith.index_cast %swap3A_678 : i32 to index
      %swap3A_680 = arith.index_cast %scan3A_348 : i32 to index
      %swap3A_681 = arith.constant 448 : index
      %swap3A_682 = tpu.vector_load %arg7[%swap3A_679, %swap3A_680, %swap3A_681] {strides = array<i32>} : memref<2x48x512xf32, #tpu.memory_space<vmem>>, vector<16xf32>,
      tpu.vector_store %arg7[%swap3A_679, %swap3A_680, %swap3A_681], %gather3A_535 {strides = array<i32>} : memref<2x48x512xf32, #tpu.memory_space<vmem>>, vector<16xf32>,
      %swap3A_683 = arith.constant 1 : i32
      %swap3A_684 = arith.index_cast %swap3A_683 : i32 to index
      %swap3A_685 = arith.index_cast %scan3A_348 : i32 to index
      %swap3A_686 = arith.constant 464 : index
      %swap3A_687 = tpu.vector_load %arg7[%swap3A_684, %swap3A_685, %swap3A_686] {strides = array<i32>} : memref<2x48x512xf32, #tpu.memory_space<vmem>>, vector<16xf32>,
      tpu.vector_store %arg7[%swap3A_684, %swap3A_685, %swap3A_686], %gather3A_536 {strides = array<i32>} : memref<2x48x512xf32, #tpu.memory_space<vmem>>, vector<16xf32>,
      %swap3A_688 = arith.constant 1 : i32
      %swap3A_689 = arith.index_cast %swap3A_688 : i32 to index
      %swap3A_690 = arith.index_cast %scan3A_348 : i32 to index
      %swap3A_691 = arith.constant 480 : index
      %swap3A_692 = tpu.vector_load %arg7[%swap3A_689, %swap3A_690, %swap3A_691] {strides = array<i32>} : memref<2x48x512xf32, #tpu.memory_space<vmem>>, vector<16xf32>,
      tpu.vector_store %arg7[%swap3A_689, %swap3A_690, %swap3A_691], %gather3A_537 {strides = array<i32>} : memref<2x48x512xf32, #tpu.memory_space<vmem>>, vector<16xf32>,
      %swap3A_693 = arith.constant 1 : i32
      %swap3A_694 = arith.index_cast %swap3A_693 : i32 to index
      %swap3A_695 = arith.index_cast %scan3A_348 : i32 to index
      %swap3A_696 = arith.constant 496 : index
      %swap3A_697 = tpu.vector_load %arg7[%swap3A_694, %swap3A_695, %swap3A_696] {strides = array<i32>} : memref<2x48x512xf32, #tpu.memory_space<vmem>>, vector<16xf32>,
      tpu.vector_store %arg7[%swap3A_694, %swap3A_695, %swap3A_696], %gather3A_538 {strides = array<i32>} : memref<2x48x512xf32, #tpu.memory_space<vmem>>, vector<16xf32>,
    }
    %scan3A_308 = arith.constant 8 : i32
    %dma_start3A_309 = arith.constant 1 : i32
    %dma_start3A_310 = arith.constant 0 : i32
    %dma_start3A_311 = arith.constant 0 : i32
    %dma_start3A_312 = tpu.memref_slice %arg7[%dma_start3A_309, %dma_start3A_310, %dma_start3A_311] : memref<2x48x512xf32, #tpu.memory_space<vmem>> -> memref<1x8x512xf32, #tpu.memory_space<vmem>>
    %dma_start3A_313 = tpu.memref_squeeze %dma_start3A_312 : memref<1x8x512xf32, #tpu.memory_space<vmem>> -> memref<8x512xf32, #tpu.memory_space<vmem>>
    %dma_start3A_314 = arith.constant 192 : i32
    %dma_start3A_315 = tpu.memref_slice %arg4[%dma_start3A_314, %mul3A_2] : memref<200x16384xf32, #tpu.memory_space<hbm>> -> memref<8x512xf32, #tpu.memory_space<hbm>>
    %dma_start3A_316 = arith.constant 192 : i32
    %dma_start3A_317 = tpu.memref_slice %arg4[%dma_start3A_316, %mul3A_2] : memref<200x16384xf32, #tpu.memory_space<hbm>> -> memref<8x512xf32, #tpu.memory_space<hbm>>
    %dma_start3A_318 = arith.constant 0 : i32
    %dma_start3A_319 = arith.constant 0 : i32
    %dma_start3A_320 = tpu.memref_slice %arg7[%dma_start3A_309, %dma_start3A_318, %dma_start3A_319] : memref<2x48x512xf32, #tpu.memory_space<vmem>> -> memref<1x8x512xf32, #tpu.memory_space<vmem>>
    %dma_start3A_321 = tpu.memref_squeeze %dma_start3A_320 : memref<1x8x512xf32, #tpu.memory_space<vmem>> -> memref<8x512xf32, #tpu.memory_space<vmem>>
    tpu.enqueue_dma source(%dma_start3A_321 : memref<8x512xf32, #tpu.memory_space<vmem>>) target(%dma_start3A_317 : memref<8x512xf32, #tpu.memory_space<hbm>>) target_semaphore(%arg11 : memref<!tpu.dma_semaphore, #tpu.memory_space<semaphore_mem>>)
    %dma_wait3A_322 = arith.constant 0 : i32
    %dma_wait3A_323 = arith.constant 0 : i32
    %dma_wait3A_324 = arith.constant 0 : i32
    %dma_wait3A_325 = tpu.memref_slice %arg7[%dma_wait3A_322, %dma_wait3A_323, %dma_wait3A_324] : memref<2x48x512xf32, #tpu.memory_space<vmem>> -> memref<1x40x512xf32, #tpu.memory_space<vmem>>
    %dma_wait3A_326 = tpu.memref_squeeze %dma_wait3A_325 : memref<1x40x512xf32, #tpu.memory_space<vmem>> -> memref<40x512xf32, #tpu.memory_space<vmem>>
    %dma_wait3A_327 = arith.constant 152 : i32
    %dma_wait3A_328 = tpu.memref_slice %arg4[%dma_wait3A_327, %mul3A_2] : memref<200x16384xf32, #tpu.memory_space<hbm>> -> memref<40x512xf32, #tpu.memory_space<hbm>>
    %dma_wait3A_329 = arith.constant 152 : i32
    %dma_wait3A_330 = tpu.memref_slice %arg4[%dma_wait3A_329, %mul3A_2] : memref<200x16384xf32, #tpu.memory_space<hbm>> -> memref<40x512xf32, #tpu.memory_space<hbm>>
    %dma_wait3A_331 = arith.constant 0 : i32
    %dma_wait3A_332 = arith.constant 0 : i32
    %dma_wait3A_333 = tpu.memref_slice %arg7[%dma_wait3A_322, %dma_wait3A_331, %dma_wait3A_332] : memref<2x48x512xf32, #tpu.memory_space<vmem>> -> memref<1x40x512xf32, #tpu.memory_space<vmem>>
    %dma_wait3A_334 = tpu.memref_squeeze %dma_wait3A_333 : memref<1x40x512xf32, #tpu.memory_space<vmem>> -> memref<40x512xf32, #tpu.memory_space<vmem>>
    tpu.wait_dma2 semaphore(%arg10 : memref<!tpu.dma_semaphore, #tpu.memory_space<semaphore_mem>>) src(%dma_wait3A_334 : memref<40x512xf32, #tpu.memory_space<vmem>>) dst(%dma_wait3A_330 : memref<40x512xf32, #tpu.memory_space<hbm>>)
    %dma_wait3A_335 = arith.constant 1 : i32
    %dma_wait3A_336 = arith.constant 0 : i32
    %dma_wait3A_337 = arith.constant 0 : i32
    %dma_wait3A_338 = tpu.memref_slice %arg7[%dma_wait3A_335, %dma_wait3A_336, %dma_wait3A_337] : memref<2x48x512xf32, #tpu.memory_space<vmem>> -> memref<1x8x512xf32, #tpu.memory_space<vmem>>
    %dma_wait3A_339 = tpu.memref_squeeze %dma_wait3A_338 : memref<1x8x512xf32, #tpu.memory_space<vmem>> -> memref<8x512xf32, #tpu.memory_space<vmem>>
    %dma_wait3A_340 = arith.constant 192 : i32
    %dma_wait3A_341 = tpu.memref_slice %arg4[%dma_wait3A_340, %mul3A_2] : memref<200x16384xf32, #tpu.memory_space<hbm>> -> memref<8x512xf32, #tpu.memory_space<hbm>>
    %dma_wait3A_342 = arith.constant 192 : i32
    %dma_wait3A_343 = tpu.memref_slice %arg4[%dma_wait3A_342, %mul3A_2] : memref<200x16384xf32, #tpu.memory_space<hbm>> -> memref<8x512xf32, #tpu.memory_space<hbm>>
    %dma_wait3A_344 = arith.constant 0 : i32
    %dma_wait3A_345 = arith.constant 0 : i32
    %dma_wait3A_346 = tpu.memref_slice %arg7[%dma_wait3A_335, %dma_wait3A_344, %dma_wait3A_345] : memref<2x48x512xf32, #tpu.memory_space<vmem>> -> memref<1x8x512xf32, #tpu.memory_space<vmem>>
    %dma_wait3A_347 = tpu.memref_squeeze %dma_wait3A_346 : memref<1x8x512xf32, #tpu.memory_space<vmem>> -> memref<8x512xf32, #tpu.memory_space<vmem>>
    tpu.wait_dma2 semaphore(%arg11 : memref<!tpu.dma_semaphore, #tpu.memory_space<semaphore_mem>>) src(%dma_wait3A_347 : memref<8x512xf32, #tpu.memory_space<vmem>>) dst(%dma_wait3A_343 : memref<8x512xf32, #tpu.memory_space<hbm>>)
    return
  }
}

</mosaic_0001>

<sc_bundles>
// kernel: kernel.3.cloned.1.call-start
scs
__scs_entry_jumppad:
0x0: {  	(pc) =	sbr.rel $0x88, $3  }
0x1: {  	(tag) =	ssettag $0x0;
	lr =	simm.s32 $0x1  }
0x2: {  	[smem:$0x3F9F] =	sst lr;
	_ =	strace $0xD0000000  }
0x3: {  	_ = 	snop  }
0x4: {  	_ = 	snop  }
0x5: {  	_ = 	snop  }
0x6: {  	_ = 	snop  }
0x7: {  	_ = 	snop  }
__scs_overlays_trampoline_lowered:
0x8: {  	[smem:$0x3FAE] =	sst s0  }
0x9: {  	[smem:$0x3FAF] =	sst s1  }
0xa: {  	[smem:$0x3FB0] =	sst s2  }
0xb: {  	[smem:$0x3FB1] =	sst s3  }
0xc: {  	[smem:$0x3FB2] =	sst s4  }
0xd: {  	[smem:$0x3FB3] =	sst s5  }
0xe: {  	[smem:$0x3FB4] =	sst s6  }
0xf: {  	[smem:$0x3FB5] =	sst s7  }
0x10: {  	[smem:$0x3FB6] =	sst s8  }
0x11: {  	[smem:$0x3FB7] =	sst s9;
	s0 =	simm.s32 @!p0 $0x0  }
0x12: {  	s1 =	sld [smem:$0x3F9D];
	s0 =	simm.s32 @p0 $0x1  }
0x13: {  	[smem:$0x3FB8] =	sst s0;
	s0 =	simm.s32 @!p1 $0x0  }
0x14: {  	s2 =	sld [smem:$0x3F9C];
	s0 =	simm.s32 @p1 $0x1  }
0x15: {  	[smem:$0x3FB9] =	sst s0;
	s0 =	simm.s32 @!p2 $0x0  }
0x16: {  	s3 =	sld [smem:$0x3FDB];
	s0 =	simm.s32 @p2 $0x1  }
0x17: {  	s4 =	simm.s32 $0x1BF5;
	[smem:$0x3FBB] =	sst s0  }
0x18: {  	s0 =	sld [smem:$0x3F9E];
	_ =	swait.ge [sflag:s4], $0x0  }
0x19: {  	s7 =	sld [smem:$0x3F9F]  }
0x1a: {  	s8 =	sadd.s32 $0xFFFFE003, lr  }
0x1b: {  	s9 =	sadd.s32 $0xFFFFFEF7, lr;
	s5 =	simm.s32 $0xFFFFFFFF;
	p2 =	slt.u32 s8, $0xFFFFF086  }
0x1c: {  	p1 =	slt.u32 s9, $0xF7A;
	s5 =	simm.s32 @!p2 $0x0  }
0x1d: {  	s5 =	simm.s32 @p1 $0x1;
	p0 =	seq.s32 s7, s2  }
0x1e: {  	s7 =	smul.u32 @!p0 $0xF7A, s2;
	p2 =	seq.s32 @!p0 s5, $0x0  }
0x1f: {  	s9 =	smul.u32 $0xF7A, s1;
	s8 =	simm.s32 @!p0 $0x1BF5;
	p2 =	por !p2, p0  }
0x20: {  	[sflag:s8] =	ssyncset.s32 @!p0 $0xFFFFF086;
	s6 =	sadd.s32 @!p0 s3, s7;
	s7 =	simm.s32 @!p0 $0x108  }
0x21: {  	s3 =	sadd.s32 s3, s9;
	s6 =	sadd.s32 @!p0 $0x88, s6;
	s7 =	simm.s32 @p2 $0x1082  }
0x22: {  	[simem:s7], [sflag:s8] =	dma.local @!p0 [hbm:s6], $0xF7A  }
0x23: {  	s9 =	sor.u32 $0xD0000000, s2;
	s6 =	simm.s32 $0x108;
	_ =	swait.ge @!p0 [sflag:s8], $0x0  }
0x24: {  	s3 =	sadd.s32 $0x88, s3;
	s6 =	simm.s32 @!p1 $0x1082;
	[sflag:s4] =	ssyncset.s32 $0xFFFFF086  }
0x25: {  	[simem:s6], [sflag:s4] =	dma.local [hbm:s3], $0xF7A  }
0x26: {  	[smem:$0x3F9F] =	sst s1;
	(tag) =	ssettag s2;
	_ =	strace s9  }
0x27: {  	s1 =	sld [smem:$0x3FAF]  }
0x28: {  	s2 =	sld [smem:$0x3FB0]  }
0x29: {  	s4 =	sld [smem:$0x3FB2]  }
0x2a: {  	p0 =	seq.s32 s5, $0x0;
	s5 =	sld [smem:$0x3FB3]  }
0x2b: {  	s6 =	sld [smem:$0x3FB4]  }
0x2c: {  	s7 =	sld [smem:$0x3FB5]  }
0x2d: {  	s3 =	simm.s32 $0x108;
	s8 =	sld [smem:$0x3FB6]  }
0x2e: {  	s3 =	simm.s32 @!p0 $0x1082;
	s9 =	sld [smem:$0x3FB7]  }
0x2f: {  	lr =	sadd.s32 s0, s3;
	s0 =	sld [smem:$0x3FAE]  }
0x30: {  	s3 =	sld [smem:$0x3FB1]  }
0x31: {  	[smem:$0x3FBA] =	sst s10  }
0x32: {  	s10 =	sld [smem:$0x3FB8];
	_ =	sdelay $0x3  }
0x33: {  	p0 =	seq.s32 s10, $0x1;
	s10 =	sld [smem:$0x3FBA];
	_ =	sdelay $0x3  }
0x34: {  	[smem:$0x3FBA] =	sst s10  }
0x35: {  	s10 =	sld [smem:$0x3FB9];
	_ =	sdelay $0x3  }
0x36: {  	p1 =	seq.s32 s10, $0x1;
	s10 =	sld [smem:$0x3FBA];
	_ =	sdelay $0x3  }
0x37: {  	[smem:$0x3FBA] =	sst s10  }
0x38: {  	s10 =	sld [smem:$0x3FBB]  }
0x39: {  	_ = 	snop;
	(pc) =	sbr.ind lr, $3  }
0x3a: {  	_ = 	snop  }
0x3b: {  	_ = 	snop  }
0x3c: {  	p2 =	seq.s32 s10, $0x1;
	s10 =	sld [smem:$0x3FBA]  }
0x3d: {  	_ =	shalt  }
0x3e: {  	_ =	shalt  }
0x3f: {  	_ =	shalt  }
0x40: {  	_ =	shalt  }
0x41: {  	_ =	shalt  }
0x42: {  	_ =	shalt  }
0x43: {  	_ =	shalt  }
0x44: {  	_ =	shalt  }
0x45: {  	_ =	shalt  }
0x46: {  	_ =	shalt  }
0x47: {  	_ =	shalt  }
0x48: {  	_ =	shalt  }
0x49: {  	_ =	shalt  }
0x4a: {  	_ =	shalt  }
0x4b: {  	_ =	shalt  }
0x4c: {  	_ =	shalt  }
0x4d: {  	_ =	shalt  }
0x4e: {  	_ =	shalt  }
0x4f: {  	_ =	shalt  }
0x50: {  	_ =	shalt  }
0x51: {  	_ =	shalt  }
0x52: {  	_ =	shalt  }
0x53: {  	_ =	shalt  }
0x54: {  	_ =	shalt  }
0x55: {  	_ =	shalt  }
0x56: {  	_ =	shalt  }
0x57: {  	_ =	shalt  }
0x58: {  	_ =	shalt  }
0x59: {  	_ =	shalt  }
0x5a: {  	_ =	shalt  }
0x5b: {  	_ =	shalt  }
0x5c: {  	_ =	shalt  }
0x5d: {  	_ =	shalt  }
0x5e: {  	_ =	shalt  }
0x5f: {  	_ =	shalt  }
0x60: {  	_ =	shalt  }
0x61: {  	_ =	shalt  }
0x62: {  	_ =	shalt  }
0x63: {  	_ =	shalt  }
0x64: {  	_ =	shalt  }
0x65: {  	_ =	shalt  }
0x66: {  	_ =	shalt  }
0x67: {  	_ =	shalt  }
0x68: {  	_ =	shalt  }
0x69: {  	_ =	shalt  }
0x6a: {  	_ =	shalt  }
0x6b: {  	_ =	shalt  }
0x6c: {  	_ =	shalt  }
0x6d: {  	_ =	shalt  }
0x6e: {  	_ =	shalt  }
0x6f: {  	_ =	shalt  }
0x70: {  	_ =	shalt  }
0x71: {  	_ =	shalt  }
0x72: {  	_ =	shalt  }
0x73: {  	_ =	shalt  }
0x74: {  	_ =	shalt  }
0x75: {  	_ =	shalt  }
0x76: {  	_ =	shalt  }
0x77: {  	_ =	shalt  }
0x78: {  	_ =	shalt  }
0x79: {  	_ =	shalt  }
0x7a: {  	_ =	shalt  }
0x7b: {  	_ =	shalt  }
0x7c: {  	_ =	shalt  }
0x7d: {  	_ =	shalt  }
0x7e: {  	_ =	shalt  }
0x7f: {  	_ =	shalt  }
0x80: {  	_ =	shalt  }
0x81: {  	_ =	shalt  }
0x82: {  	_ =	shalt  }
0x83: {  	_ =	shalt  }
0x84: {  	_ =	shalt  }
0x85: {  	_ =	shalt  }
0x86: {  	_ =	shalt  }
0x87: {  	_ =	shalt  }
.Lfunc_end0:
.L_simem_size_0:
called_computation_lowered:
.L_overlay_start_0:
0x88: {  	s2 =	sld [smem:$0x3FD9]  }
0x89: {  	s3 =	sld [smem:$0x3FFE];
	_ =	sdelay $0x1  }
0x8a: {  	s1 =	srdreg.scid  }
0x8b: {  	s0 =	sand.u32 $0x1, s1  }
0x8c: {  	s18 =	sshll.u32 s0, $0xA;
	s2 =	sadd.s32 s3, s2  }
0x8d: {  	s2 =	sadd.s32 s2, s18  }
0x8e: {  	[smem:$0x3FC6] =	sst s2  }
0x8f: {  	_ = 	snop  }
0x90: {  	s2 =	sld [smem:$0x3FC9]  }
0x91: {  	s19 =	sld [smem:$0x3FC8]  }
0x92: {  	s4 =	sld [smem:$0x3FD0];
	(tm) =	ssettm $0x1  }
0x93: {  	s5 =	sld [smem:$0x3FFB];
	_ =	sdelay $0x3  }
0x94: {  	_ =	strace s5  }
0x95: {  	s5 =	sld [smem:$0x3FFC];
	_ =	sdelay $0x3  }
0x96: {  	_ =	strace s5  }
0x97: {  	s5 =	sld [smem:$0x3FFD];
	_ =	sdelay $0x3  }
0x98: {  	_ =	strace s5  }
0x99: {  	_ =	strace $0x8FFFFFFF  }
0x9a: {  	s20 =	sld [smem:$0x3FDB];
	_ =	sdelay $0x1  }
0x9b: {  	s6 =	simm.s32 $_scs_section_size  }
0x9c: {  	s7 =	simm.s32 $_size__tile_overlayer_lowered;
	s8 =	simm.s32 $_tile_overlayer_lowered  }
0x9d: {  	s23 =	simm.s32 $0x1BFF;
	s22 =	sshll.u32 s8, $0x1;
	s5 =	sadd.s32 s6, s20  }
0x9e: {  	s9 =	simm.s32 $0x0;
	s21 =	sshll.u32 s7, $0x1;
	s7 =	sadd.s32 s22, s5  }
0x9f: {  	[timem:s9], [sflag:s23] =	dma.local [hbm:s7], s21  }
0xa0: {  	_ =	swait.ge [sflag:s23], s21  }
0xa1: {  	s6 =	ssub.s32 $0x0, s21;
	[sflag:s23] =	ssyncset.done $0x0  }
0xa2: {  	[sflag:s23] =	ssyncadd.s32 s6;
	_ =	sdelay $0x1  }
0xa3: {  	s24 =	simm.s32 $0x1B8B  }
0xa4: {  	_ =	swait.ge [sflag:s24], $0x1  }
0xa5: {  	[sflag:s24] =	ssyncset.done $0x0  }
0xa6: {  	s25 =	simm.s32 $0x1B8E;
	[sflag:s24] =	ssyncadd.s32 $0xFFFFFFFF  }
0xa7: {  	s26 =	simm.s32 $execute0_lowered;
	[smem:$0x3FD2] =	sst s25  }
0xa8: {  	s6 =	sshll.u32 s26, $0x1;
	_ =	strace $0x80000046;
	[dreg:$0x1] =	wrdreg $0xFFFFFFFF  }
0xa9: {  	s28 =	simm.s32 $_size_execute0_lowered;
	s5 =	sadd.s32 s5, s6;
	[dreg:$0x0] =	wrdreg $0x0  }
0xaa: {  	s6 =	sshll.u32 s28, $0x1;
	[dreg:$0x2] =	wrdreg s5  }
0xab: {  	[dreg:$0x3] =	wrdreg s6  }
0xac: {  	[dreg:$0x4] =	wrdreg $0xC0  }
0xad: {  	_ =	task [dreg:s9], $0x5FFFF  }
0xae: {  	[dreg:$0x1] =	wrdreg $0xFFFFFFFF  }
0xaf: {  	[dreg:$0x0] =	wrdreg $0x60  }
0xb0: {  	[dreg:$0x2] =	wrdreg s2  }
0xb1: {  	[dreg:$0x3] =	wrdreg s19  }
0xb2: {  	[dreg:$0x4] =	wrdreg s4  }
0xb3: {  	[dreg:$0x5] =	wrdreg $0x9  }
0xb4: {  	_ =	task.clear_ibuf [dreg:s9], $0x6FFFF;
	_ =	strace $0x90000046  }
0xb5: {  	s29 =	simm.s32 $0x9;
	_ =	strace $0x80000048  }
0xb6: {  	_ =	swait.ge [sflag:s29], $0x1  }
0xb7: {  	[sflag:s29] =	ssyncadd.s32 $0xFFFFFFFF  }
0xb8: {  	_ =	strace $0x90000048  }
0xb9: {  	_ =	sfence  }
0xba: {  	s30 =	sld [smem:$0x0];
	_ =	sdelay $0x2  }
0xbb: {  	s31 =	sshll.u32 s1, $0xD;
	s1 =	sshrl.u32 s1, $0x2  }
0xbc: {  	s3 =	sand.u32 $0x4000, s31;
	s1 =	sadd.s32 s1, s30  }
0xbd: {  	s0 =	sor.u32 s3, s0;
	s1 =	sshll.u32 s1, $0x11  }
0xbe: {  	s0 =	sor.u32 s1, s0  }
0xbf: {  	s0 =	sadd.s32 $0x8F2B, s0  }
0xc0: {  	[sflag:s0] =	ssyncadd.remote.s32 $0x1  }
0xc1: {  	_ =	sfence.sel $0xFFFF  }
0xc2: {  	[dreg:$0x0] =	wrdreg $0xFFFFFFFF;
	(pc) =	sbr.abs _section_cstart, $3  }
0xc3: {  	[dreg:$0x1] =	wrdreg $0xFFFFFFFF  }
0xc4: {  	_ =	task.clear_ibuf [dreg:s9], $0x2FFFF;
	_ =	strace $0x9FFFFFFF  }
0xc5: {  	(tm) =	ssettm $0x7FFFFFFF  }
tec
execute0_lowered:
.L_overlay_start_1:
0x0: {  	(tag) =	ssettag $0x1  }
0x1: {  	s0 =	rddreg [dreg:$0x0]  }
0x2: {  	s1 =	rddreg [dreg:$0x2]  }
0x3: {  	s3 =	srdreg.scid;
	s2 =	stileid.u32;
	s17 =	simm.s32 $0x400  }
0x4: {  	s18 =	simm.s32 $0x1000;
	s19 =	simm.s32 $0x20000;
	s20 =	simm.s32 $0x6400  }
0x5: {  	s21 =	simm.s32 $0x5;
	s22 =	simm.s32 $0x1;
	s23 =	simm.s32 $0xC400  }
0x6: {  	s24 =	simm.s32 $0x2;
	s25 =	simm.s32 $0x12400;
	s26 =	simm.s32 $0x3  }
0x7: {  	s28 =	simm.s32 $0x4;
	s29 =	simm.s32 $0x0;
	s4 =	sand.u32 $0x1, s3  }
0x8: {  	s3 =	simm.s32 $0x0;
	s5 =	sshll.u32 s2, $0xA;
	s6 =	sshll.u32 s4, $0x9  }
0x9: {  	[smem:$0x7FF] =	sst s3;
	s4 =	ssub.s32 $0x2, s4;
	s11 =	sor.u32 s6, s5  }
0xa: {  	_ =	strace $0x80000047;
	s31 =	sshrl.u32 s4, $0x1;
	s8 =	sor.u32 $0x4000, s11  }
0xb: {  	s16 =	ssub.s32 s4, s31;
	s4 =	sadd.s32 s0, s11;
	s6 =	sadd.s32 s1, s11  }
0xc: {  	s10 =	sor.u32 $0x1C000, s11;
	s12 =	sor.u32 $0x34000, s11;
	s14 =	sor.u32 $0x4C000, s11  }
0xd: {  	s15 =	sor.u32 $0x60000, s11;
	s5 =	sadd.s32 s0, s8;
	s7 =	sadd.s32 s0, s10  }
0xe: {  	s8 =	sadd.s32 s1, s8;
	s9 =	sadd.s32 s0, s12;
	s10 =	sadd.s32 s1, s10  }
0xf: {  	s11 =	sadd.s32 s0, s14;
	s12 =	sadd.s32 s1, s12;
	s13 =	sadd.s32 s0, s15  }
0x10: {  	s14 =	sadd.s32 s1, s14;
	s15 =	sadd.s32 s1, s15;
	s16 =	smax.u32 s16, $0x1  }
.LBB2_1:
0x11: {  	[tilespmem:s17], [sflag:$0x1] =	stream.linear.gather [hbm4b:s4+s3], $0x1000, $0x38;
	[tilespmem:$0x18400] =	vst v63  }
0x12: {  	_ = 	snop  }
0x13: {  	[tilespmem:s20], [sflag:$0x2] =	stream.strided.gather [hbm4b:s5+s18], $0x6000, s19, s18, $0x38;
	[tilespmem:$0x18400] =	vst v63  }
0x14: {  	s0 =	rddreg [dreg:$0x1]  }
0x15: {  	[tilespmem:s3], [sflag:$0x5] =	stream.linear.gather [hbm4b:s0+s3], $0x400, $0x38;
	[tilespmem:$0x18400] =	vst v63  }
0x16: {  	_ =	swait.ge [sflag:s21], $0x400  }
0x17: {  	[sflag:s21] =	ssyncset.done $0x0  }
0x18: {  	[sflag:s21] =	ssyncadd.s32 $0xFFFFFC00  }
0x19: {  	_ =	swait.ge [sflag:s22], $0x1000  }
0x1a: {  	[sflag:s22] =	ssyncset.done $0x0  }
0x1b: {  	s30 =	simm.s32 $0xFFFFFC00;
	[sflag:s22] =	ssyncadd.s32 $0xFFFFF000  }
0x1c: {  	v0 =	vld [tilespmem:s30+$0x800]  }
0x1d: {  	v1 =	vld [tilespmem:s30+$0x810]  }
0x1e: {  	v2 =	vld [tilespmem:s30+$0x820]  }
0x1f: {  	v3 =	vld [tilespmem:s30+$0x830]  }
0x20: {  	v4 =	vld [tilespmem:s30+$0x840]  }
0x21: {  	v6 =	vld [tilespmem:s30+$0x850]  }
0x22: {  	v8 =	vld [tilespmem:s30+$0x860]  }
0x23: {  	v10 =	vld [tilespmem:s30+$0x870]  }
0x24: {  	v12 =	vld [tilespmem:s30+$0xC00]  }
0x25: {  	v32 =	vld [tilespmem:s30+$0xC10]  }
0x26: {  	v33 =	vld [tilespmem:s30+$0xC20]  }
0x27: {  	v34 =	vld [tilespmem:s30+$0xC30]  }
0x28: {  	v35 =	vld [tilespmem:s30+$0xC40]  }
0x29: {  	v36 =	vld [tilespmem:s30+$0xC50]  }
0x2a: {  	v37 =	vld [tilespmem:s30+$0xC60]  }
0x2b: {  	v38 =	vld [tilespmem:s30+$0xC70]  }
0x2c: {  	v39 =	vld [tilespmem:s30+$0x1000]  }
0x2d: {  	v5 =	vld [tilespmem:s30+$0x1010]  }
0x2e: {  	v7 =	vld [tilespmem:s30+$0x1020]  }
0x2f: {  	v9 =	vld [tilespmem:s30+$0x1030]  }
0x30: {  	v11 =	vld [tilespmem:s30+$0x1040]  }
0x31: {  	v13 =	vld [tilespmem:s30+$0x1050]  }
0x32: {  	v15 =	vld [tilespmem:s30+$0x1060]  }
0x33: {  	v18 =	vld [tilespmem:s30+$0x1070]  }
0x34: {  	v21 =	vld [tilespmem:s30+$0x1400]  }
0x35: {  	v16 =	vld [tilespmem:s30+$0x1410]  }
0x36: {  	v19 =	vld [tilespmem:s30+$0x1420]  }
0x37: {  	v22 =	vld [tilespmem:s30+$0x1430]  }
0x38: {  	v24 =	vld [tilespmem:s30+$0x1440]  }
0x39: {  	v26 =	vld [tilespmem:s30+$0x1450]  }
0x3a: {  	v27 =	vld [tilespmem:s30+$0x1460]  }
0x3b: {  	v31 =	vld [tilespmem:s30+$0x1470]  }
0x3c: {  	v30 =	vld.idx.msk [tilespmem:v0+s3+$0x0], $0xffff  }
0x3d: {  	v29 =	vld.idx.msk [tilespmem:v1+s3+$0x0], $0xffff  }
0x3e: {  	v28 =	vld.idx.msk [tilespmem:v2+s3+$0x0], $0xffff  }
0x3f: {  	v25 =	vld.idx.msk [tilespmem:v3+s3+$0x0], $0xffff  }
0x40: {  	v23 =	vld.idx.msk [tilespmem:v4+s3+$0x0], $0xffff  }
0x41: {  	v20 =	vld.idx.msk [tilespmem:v6+s3+$0x0], $0xffff  }
0x42: {  	v17 =	vld.idx.msk [tilespmem:v8+s3+$0x0], $0xffff  }
0x43: {  	v14 =	vld.idx.msk [tilespmem:v10+s3+$0x0], $0xffff  }
0x44: {  	v12 =	vld.idx.msk [tilespmem:v12+s3+$0x0], $0xffff  }
0x45: {  	v10 =	vld.idx.msk [tilespmem:v32+s3+$0x0], $0xffff  }
0x46: {  	v8 =	vld.idx.msk [tilespmem:v33+s3+$0x0], $0xffff  }
0x47: {  	v6 =	vld.idx.msk [tilespmem:v34+s3+$0x0], $0xffff  }
0x48: {  	v4 =	vld.idx.msk [tilespmem:v35+s3+$0x0], $0xffff  }
0x49: {  	v3 =	vld.idx.msk [tilespmem:v36+s3+$0x0], $0xffff  }
0x4a: {  	v2 =	vld.idx.msk [tilespmem:v37+s3+$0x0], $0xffff  }
0x4b: {  	v1 =	vld.idx.msk [tilespmem:v38+s3+$0x0], $0xffff  }
0x4c: {  	s0 =	simm.s32 $0xFFFFF200;
	v0 =	vld.idx.msk [tilespmem:v39+s3+$0x0], $0xffff  }
.LBB2_2:
0x4d: {  	p0 =	sne.s32 s0, $0xFFFFFE00;
	v32 =	vld.idx.msk [tilespmem:v5+s3+$0x0], $0xffff  }
0x4e: {  	v33 =	vld.idx.msk [tilespmem:v7+s3+$0x0], $0xffff  }
0x4f: {  	v34 =	vld.idx.msk [tilespmem:v9+s3+$0x0], $0xffff  }
0x50: {  	v35 =	vld.idx.msk [tilespmem:v11+s3+$0x0], $0xffff  }
0x51: {  	v36 =	vld.idx.msk [tilespmem:v13+s3+$0x0], $0xffff  }
0x52: {  	v37 =	vld.idx.msk [tilespmem:v15+s3+$0x0], $0xffff  }
0x53: {  	v38 =	vld.idx.msk [tilespmem:v18+s3+$0x0], $0xffff  }
0x54: {  	v39 =	vld.idx.msk [tilespmem:v21+s3+$0x0], $0xffff  }
0x55: {  	v5 =	vld.idx.msk [tilespmem:v31+s3+$0x0], $0xffff  }
0x56: {  	v31 =	vld.idx.msk [tilespmem:v16+s3+$0x0], $0xffff  }
0x57: {  	v40 =	vld.idx.msk [tilespmem:v19+s3+$0x0], $0xffff  }
0x58: {  	v41 =	vld.idx.msk [tilespmem:v22+s3+$0x0], $0xffff  }
0x59: {  	v42 =	vld.idx.msk [tilespmem:v24+s3+$0x0], $0xffff  }
0x5a: {  	v43 =	vld.idx.msk [tilespmem:v26+s3+$0x0], $0xffff  }
0x5b: {  	s31 =	sshra.s32 s0, $0x2;
	v44 =	vld.idx.msk [tilespmem:v27+s3+$0x0], $0xffff;
	[tilespmem:s30+$0xD470] =	vst v5  }
0x5c: {  	v45 =	vld [tilespmem:s31+$0x800];
	[tilespmem:s30+$0xC800] =	vst v30  }
0x5d: {  	v46 =	vld [tilespmem:s31+$0x810];
	[tilespmem:s30+$0xC810] =	vst v29  }
0x5e: {  	v47 =	vld [tilespmem:s31+$0x820];
	[tilespmem:s30+$0xC820] =	vst v28  }
0x5f: {  	v48 =	vld [tilespmem:s31+$0x830];
	[tilespmem:s30+$0xC830] =	vst v25  }
0x60: {  	v49 =	vld [tilespmem:s31+$0x840];
	[tilespmem:s30+$0xC840] =	vst v23  }
0x61: {  	v50 =	vld [tilespmem:s31+$0x850];
	[tilespmem:s30+$0xC850] =	vst v20  }
0x62: {  	v51 =	vld [tilespmem:s31+$0x860];
	[tilespmem:s30+$0xC860] =	vst v17  }
0x63: {  	v52 =	vld [tilespmem:s31+$0x870];
	[tilespmem:s30+$0xC870] =	vst v14  }
0x64: {  	v53 =	vld [tilespmem:s31+$0xC00];
	[tilespmem:s30+$0xCC00] =	vst v12  }
0x65: {  	v54 =	vld [tilespmem:s31+$0xC10];
	[tilespmem:s30+$0xCC10] =	vst v10  }
0x66: {  	v55 =	vld [tilespmem:s31+$0xC20];
	[tilespmem:s30+$0xCC20] =	vst v8  }
0x67: {  	v56 =	vld [tilespmem:s31+$0xC30];
	[tilespmem:s30+$0xCC30] =	vst v6  }
0x68: {  	v57 =	vld [tilespmem:s31+$0xC40];
	[tilespmem:s30+$0xCC40] =	vst v4  }
0x69: {  	v58 =	vld [tilespmem:s31+$0xC50];
	[tilespmem:s30+$0xCC50] =	vst v3  }
0x6a: {  	v59 =	vld [tilespmem:s31+$0xC60];
	[tilespmem:s30+$0xCC60] =	vst v2  }
0x6b: {  	v60 =	vld [tilespmem:s31+$0xC70];
	[tilespmem:s30+$0xCC70] =	vst v1  }
0x6c: {  	v61 =	vld [tilespmem:s31+$0x1000];
	[tilespmem:s30+$0xD000] =	vst v0  }
0x6d: {  	v5 =	vld [tilespmem:s31+$0x1010];
	[tilespmem:s30+$0xD010] =	vst v32  }
0x6e: {  	v7 =	vld [tilespmem:s31+$0x1020];
	[tilespmem:s30+$0xD020] =	vst v33  }
0x6f: {  	v9 =	vld [tilespmem:s31+$0x1030];
	[tilespmem:s30+$0xD030] =	vst v34  }
0x70: {  	v11 =	vld [tilespmem:s31+$0x1040];
	[tilespmem:s30+$0xD040] =	vst v35  }
0x71: {  	v13 =	vld [tilespmem:s31+$0x1050];
	[tilespmem:s30+$0xD050] =	vst v36  }
0x72: {  	v15 =	vld [tilespmem:s31+$0x1060];
	[tilespmem:s30+$0xD060] =	vst v37  }
0x73: {  	v18 =	vld [tilespmem:s31+$0x1070];
	[tilespmem:s30+$0xD070] =	vst v38  }
0x74: {  	v21 =	vld [tilespmem:s31+$0x1400];
	[tilespmem:s30+$0xD400] =	vst v39  }
0x75: {  	v16 =	vld [tilespmem:s31+$0x1410];
	[tilespmem:s30+$0xD410] =	vst v31  }
0x76: {  	v19 =	vld [tilespmem:s31+$0x1420];
	[tilespmem:s30+$0xD420] =	vst v40  }
0x77: {  	v22 =	vld [tilespmem:s31+$0x1430];
	[tilespmem:s30+$0xD430] =	vst v41  }
0x78: {  	v24 =	vld [tilespmem:s31+$0x1440];
	[tilespmem:s30+$0xD440] =	vst v42  }
0x79: {  	v26 =	vld [tilespmem:s31+$0x1450];
	[tilespmem:s30+$0xD450] =	vst v43  }
0x7a: {  	v27 =	vld [tilespmem:s31+$0x1460];
	[tilespmem:s30+$0xD460] =	vst v44;
	s30 =	smov.u32 s31  }
0x7b: {  	v31 =	vld [tilespmem:s30+$0x1470]  }
0x7c: {  	v30 =	vld.idx.msk [tilespmem:v45+s3+$0x0], $0xffff  }
0x7d: {  	v29 =	vld.idx.msk [tilespmem:v46+s3+$0x0], $0xffff  }
0x7e: {  	v28 =	vld.idx.msk [tilespmem:v47+s3+$0x0], $0xffff  }
0x7f: {  	v25 =	vld.idx.msk [tilespmem:v48+s3+$0x0], $0xffff  }
0x80: {  	v23 =	vld.idx.msk [tilespmem:v49+s3+$0x0], $0xffff  }
0x81: {  	v20 =	vld.idx.msk [tilespmem:v50+s3+$0x0], $0xffff  }
0x82: {  	v17 =	vld.idx.msk [tilespmem:v51+s3+$0x0], $0xffff  }
0x83: {  	v14 =	vld.idx.msk [tilespmem:v52+s3+$0x0], $0xffff  }
0x84: {  	v12 =	vld.idx.msk [tilespmem:v53+s3+$0x0], $0xffff  }
0x85: {  	v10 =	vld.idx.msk [tilespmem:v54+s3+$0x0], $0xffff  }
0x86: {  	v8 =	vld.idx.msk [tilespmem:v55+s3+$0x0], $0xffff  }
0x87: {  	v6 =	vld.idx.msk [tilespmem:v56+s3+$0x0], $0xffff  }
.Ltmp0:
0x88: {  	v4 =	vld.idx.msk [tilespmem:v57+s3+$0x0], $0xffff;
	(pc) =	sbr.rel @p0 .LBB2_2-.Ltmp0, $4  }
0x89: {  	v3 =	vld.idx.msk [tilespmem:v58+s3+$0x0], $0xffff  }
0x8a: {  	v2 =	vld.idx.msk [tilespmem:v59+s3+$0x0], $0xffff  }
0x8b: {  	v1 =	vld.idx.msk [tilespmem:v60+s3+$0x0], $0xffff  }
0x8c: {  	s0 =	sadd.s32 $0x200, s0;
	v0 =	vld.idx.msk [tilespmem:v61+s3+$0x0], $0xffff  }
0x8d: {  	_ =	sdelay $0x3  }
0x8e: {  	v5 =	vld.idx.msk [tilespmem:v5+s3+$0x0], $0xffff  }
0x8f: {  	v7 =	vld.idx.msk [tilespmem:v7+s3+$0x0], $0xffff  }
0x90: {  	v9 =	vld.idx.msk [tilespmem:v9+s3+$0x0], $0xffff  }
0x91: {  	v11 =	vld.idx.msk [tilespmem:v11+s3+$0x0], $0xffff  }
0x92: {  	v13 =	vld.idx.msk [tilespmem:v13+s3+$0x0], $0xffff  }
0x93: {  	v15 =	vld.idx.msk [tilespmem:v15+s3+$0x0], $0xffff  }
0x94: {  	v18 =	vld.idx.msk [tilespmem:v18+s3+$0x0], $0xffff  }
0x95: {  	v21 =	vld.idx.msk [tilespmem:v21+s3+$0x0], $0xffff  }
0x96: {  	v31 =	vld.idx.msk [tilespmem:v31+s3+$0x0], $0xffff  }
0x97: {  	v16 =	vld.idx.msk [tilespmem:v16+s3+$0x0], $0xffff  }
0x98: {  	v19 =	vld.idx.msk [tilespmem:v19+s3+$0x0], $0xffff  }
0x99: {  	v22 =	vld.idx.msk [tilespmem:v22+s3+$0x0], $0xffff  }
0x9a: {  	v24 =	vld.idx.msk [tilespmem:v24+s3+$0x0], $0xffff  }
0x9b: {  	v26 =	vld.idx.msk [tilespmem:v26+s3+$0x0], $0xffff  }
0x9c: {  	v27 =	vld.idx.msk [tilespmem:v27+s3+$0x0], $0xffff;
	[tilespmem:s30+$0xC800] =	vst v30  }
0x9d: {  	[tilespmem:s30+$0xC810] =	vst v29  }
0x9e: {  	[tilespmem:s30+$0xC820] =	vst v28  }
0x9f: {  	[tilespmem:s30+$0xC830] =	vst v25  }
0xa0: {  	[tilespmem:s30+$0xC840] =	vst v23  }
0xa1: {  	[tilespmem:s30+$0xC850] =	vst v20  }
0xa2: {  	[tilespmem:s30+$0xC860] =	vst v17  }
0xa3: {  	[tilespmem:s30+$0xC870] =	vst v14  }
0xa4: {  	[tilespmem:s30+$0xCC00] =	vst v12  }
0xa5: {  	[tilespmem:s30+$0xCC10] =	vst v10  }
0xa6: {  	[tilespmem:s30+$0xCC20] =	vst v8  }
0xa7: {  	[tilespmem:s30+$0xCC30] =	vst v6  }
0xa8: {  	[tilespmem:s30+$0xCC40] =	vst v4  }
0xa9: {  	[tilespmem:s30+$0xCC50] =	vst v3  }
0xaa: {  	[tilespmem:s30+$0xCC60] =	vst v2  }
0xab: {  	[tilespmem:s30+$0xCC70] =	vst v1  }
0xac: {  	[tilespmem:s30+$0xD000] =	vst v0  }
0xad: {  	[tilespmem:s30+$0xD470] =	vst v31  }
0xae: {  	[tilespmem:s30+$0xD010] =	vst v5  }
0xaf: {  	[tilespmem:s30+$0xD020] =	vst v7  }
0xb0: {  	[tilespmem:s30+$0xD030] =	vst v9  }
0xb1: {  	[tilespmem:s30+$0xD040] =	vst v11  }
0xb2: {  	[tilespmem:s30+$0xD050] =	vst v13  }
0xb3: {  	[tilespmem:s30+$0xD060] =	vst v15  }
0xb4: {  	[tilespmem:s30+$0xD070] =	vst v18  }
0xb5: {  	[tilespmem:s30+$0xD400] =	vst v21  }
0xb6: {  	[tilespmem:s30+$0xD410] =	vst v16  }
0xb7: {  	[tilespmem:s30+$0xD420] =	vst v19  }
0xb8: {  	[tilespmem:s30+$0xD430] =	vst v22  }
0xb9: {  	[tilespmem:s30+$0xD440] =	vst v24  }
0xba: {  	[tilespmem:s30+$0xD450] =	vst v26  }
0xbb: {  	s0 =	simm.s32 $0x0;
	[tilespmem:s30+$0xD460] =	vst v27  }
0xbc: {  	[hbm4b:s6+s0] =	stream.linear.scatter [tilespmem:s23], [sflag:$0x3], $0x1000, $0x38;
	[tilespmem:$0x18400] =	vst v63  }
0xbd: {  	_ = 	snop  }
0xbe: {  	[tilespmem:s17], [sflag:$0x1] =	stream.strided.gather [hbm4b:s7+s18], $0x6000, s19, s18, $0x38;
	[tilespmem:$0x18400] =	vst v63  }
0xbf: {  	_ =	swait.ge [sflag:s24], $0x6000  }
0xc0: {  	[sflag:s24] =	ssyncset.done $0x0  }
0xc1: {  	s30 =	simm.s32 $0x0;
	[sflag:s24] =	ssyncadd.s32 $0xFFFFA000  }
.LBB2_4:
0xc2: {  	s1 =	sand.u32 $0x7000, s30;
	s31 =	sand.u32 $0x380, s0  }
0xc3: {  	s1 =	sor.u32 s31, s1  }
0xc4: {  	v0 =	vld [tilespmem:s1+$0x6400]  }
0xc5: {  	v1 =	vld [tilespmem:s1+$0x6410]  }
0xc6: {  	v2 =	vld [tilespmem:s1+$0x6420]  }
0xc7: {  	v3 =	vld [tilespmem:s1+$0x6430]  }
0xc8: {  	v4 =	vld [tilespmem:s1+$0x6440]  }
0xc9: {  	v5 =	vld [tilespmem:s1+$0x6450]  }
0xca: {  	v6 =	vld [tilespmem:s1+$0x6460]  }
0xcb: {  	v7 =	vld [tilespmem:s1+$0x6470]  }
0xcc: {  	v8 =	vld [tilespmem:s1+$0x6800]  }
0xcd: {  	v9 =	vld [tilespmem:s1+$0x6810]  }
0xce: {  	v10 =	vld [tilespmem:s1+$0x6820]  }
0xcf: {  	v11 =	vld [tilespmem:s1+$0x6830]  }
0xd0: {  	v12 =	vld [tilespmem:s1+$0x6840]  }
0xd1: {  	v13 =	vld [tilespmem:s1+$0x6850]  }
0xd2: {  	v14 =	vld [tilespmem:s1+$0x6860]  }
0xd3: {  	v15 =	vld [tilespmem:s1+$0x6870]  }
0xd4: {  	v16 =	vld [tilespmem:s1+$0x6C00]  }
0xd5: {  	v17 =	vld [tilespmem:s1+$0x6C10]  }
0xd6: {  	v18 =	vld [tilespmem:s1+$0x6C20]  }
0xd7: {  	v19 =	vld [tilespmem:s1+$0x6C30]  }
0xd8: {  	v20 =	vld [tilespmem:s1+$0x6C40]  }
0xd9: {  	v21 =	vld [tilespmem:s1+$0x6C50]  }
0xda: {  	v22 =	vld [tilespmem:s1+$0x6C60]  }
0xdb: {  	v23 =	vld [tilespmem:s1+$0x6C70]  }
0xdc: {  	v24 =	vld [tilespmem:s1+$0x7000]  }
0xdd: {  	v25 =	vld [tilespmem:s1+$0x7010]  }
0xde: {  	v26 =	vld [tilespmem:s1+$0x7020]  }
0xdf: {  	v27 =	vld [tilespmem:s1+$0x7030]  }
0xe0: {  	v28 =	vld [tilespmem:s1+$0x7040]  }
0xe1: {  	v29 =	vld [tilespmem:s1+$0x7050]  }
0xe2: {  	v30 =	vld [tilespmem:s1+$0x7060]  }
0xe3: {  	v31 =	vld [tilespmem:s1+$0x7070]  }
0xe4: {  	v0 =	vld.idx.msk [tilespmem:v0+s3+$0x0], $0xffff  }
0xe5: {  	v1 =	vld.idx.msk [tilespmem:v1+s3+$0x0], $0xffff  }
0xe6: {  	v2 =	vld.idx.msk [tilespmem:v2+s3+$0x0], $0xffff  }
0xe7: {  	v3 =	vld.idx.msk [tilespmem:v3+s3+$0x0], $0xffff  }
0xe8: {  	v4 =	vld.idx.msk [tilespmem:v4+s3+$0x0], $0xffff  }
0xe9: {  	v5 =	vld.idx.msk [tilespmem:v5+s3+$0x0], $0xffff  }
0xea: {  	v6 =	vld.idx.msk [tilespmem:v6+s3+$0x0], $0xffff  }
0xeb: {  	v7 =	vld.idx.msk [tilespmem:v7+s3+$0x0], $0xffff  }
0xec: {  	v8 =	vld.idx.msk [tilespmem:v8+s3+$0x0], $0xffff  }
0xed: {  	v9 =	vld.idx.msk [tilespmem:v9+s3+$0x0], $0xffff  }
0xee: {  	v10 =	vld.idx.msk [tilespmem:v10+s3+$0x0], $0xffff  }
0xef: {  	v11 =	vld.idx.msk [tilespmem:v11+s3+$0x0], $0xffff  }
0xf0: {  	v12 =	vld.idx.msk [tilespmem:v12+s3+$0x0], $0xffff  }
0xf1: {  	v13 =	vld.idx.msk [tilespmem:v13+s3+$0x0], $0xffff  }
0xf2: {  	v14 =	vld.idx.msk [tilespmem:v14+s3+$0x0], $0xffff  }
0xf3: {  	v15 =	vld.idx.msk [tilespmem:v15+s3+$0x0], $0xffff  }
0xf4: {  	v16 =	vld.idx.msk [tilespmem:v16+s3+$0x0], $0xffff  }
0xf5: {  	v17 =	vld.idx.msk [tilespmem:v17+s3+$0x0], $0xffff  }
0xf6: {  	v18 =	vld.idx.msk [tilespmem:v18+s3+$0x0], $0xffff  }
0xf7: {  	v19 =	vld.idx.msk [tilespmem:v19+s3+$0x0], $0xffff  }
0xf8: {  	v20 =	vld.idx.msk [tilespmem:v20+s3+$0x0], $0xffff  }
0xf9: {  	v21 =	vld.idx.msk [tilespmem:v21+s3+$0x0], $0xffff  }
0xfa: {  	v22 =	vld.idx.msk [tilespmem:v22+s3+$0x0], $0xffff  }
0xfb: {  	v23 =	vld.idx.msk [tilespmem:v23+s3+$0x0], $0xffff  }
0xfc: {  	v24 =	vld.idx.msk [tilespmem:v24+s3+$0x0], $0xffff  }
0xfd: {  	v25 =	vld.idx.msk [tilespmem:v25+s3+$0x0], $0xffff  }
0xfe: {  	v26 =	vld.idx.msk [tilespmem:v26+s3+$0x0], $0xffff  }
0xff: {  	v27 =	vld.idx.msk [tilespmem:v27+s3+$0x0], $0xffff  }
0x100: {  	v28 =	vld.idx.msk [tilespmem:v28+s3+$0x0], $0xffff  }
0x101: {  	v29 =	vld.idx.msk [tilespmem:v29+s3+$0x0], $0xffff  }
0x102: {  	s31 =	sadd.s32 $0x6000, s1;
	v30 =	vld.idx.msk [tilespmem:v30+s3+$0x0], $0xffff  }
0x103: {  	v31 =	vld.idx.msk [tilespmem:v31+s3+$0x0], $0xffff;
	[tilespmem:s31+$0xC400] =	vst v0  }
0x104: {  	[tilespmem:s31+$0xC410] =	vst v1  }
0x105: {  	[tilespmem:s31+$0xC420] =	vst v2  }
0x106: {  	[tilespmem:s31+$0xC430] =	vst v3  }
0x107: {  	[tilespmem:s31+$0xC440] =	vst v4  }
0x108: {  	[tilespmem:s31+$0xC450] =	vst v5  }
0x109: {  	[tilespmem:s31+$0xC460] =	vst v6  }
0x10a: {  	s2 =	sadd.s32 $0x6400, s1;
	[tilespmem:s31+$0xC470] =	vst v7  }
0x10b: {  	[tilespmem:s2+$0xC400] =	vst v8  }
0x10c: {  	[tilespmem:s2+$0xC410] =	vst v9  }
0x10d: {  	[tilespmem:s2+$0xC420] =	vst v10  }
0x10e: {  	[tilespmem:s2+$0xC430] =	vst v11  }
0x10f: {  	[tilespmem:s2+$0xC440] =	vst v12  }
0x110: {  	[tilespmem:s2+$0xC450] =	vst v13  }
0x111: {  	[tilespmem:s2+$0xC460] =	vst v14  }
0x112: {  	s31 =	sadd.s32 $0x6800, s1;
	[tilespmem:s2+$0xC470] =	vst v15  }
0x113: {  	[tilespmem:s31+$0xC400] =	vst v16  }
0x114: {  	[tilespmem:s31+$0xC410] =	vst v17  }
0x115: {  	[tilespmem:s31+$0xC420] =	vst v18  }
0x116: {  	[tilespmem:s31+$0xC430] =	vst v19  }
0x117: {  	[tilespmem:s31+$0xC440] =	vst v20  }
0x118: {  	[tilespmem:s31+$0xC450] =	vst v21  }
0x119: {  	[tilespmem:s31+$0xC460] =	vst v22  }
0x11a: {  	s1 =	sadd.s32 $0x6C00, s1;
	[tilespmem:s31+$0xC470] =	vst v23  }
0x11b: {  	[tilespmem:s1+$0xC400] =	vst v24  }
0x11c: {  	[tilespmem:s1+$0xC410] =	vst v25  }
0x11d: {  	p0 =	sne.s32 s30, $0x5E00;
	[tilespmem:s1+$0xC420] =	vst v26  }
.Ltmp1:
0x11e: {  	[tilespmem:s1+$0xC430] =	vst v27;
	(pc) =	sbr.rel @p0 .LBB2_4-.Ltmp1, $4  }
0x11f: {  	[tilespmem:s1+$0xC440] =	vst v28  }
0x120: {  	[tilespmem:s1+$0xC450] =	vst v29  }
0x121: {  	[tilespmem:s1+$0xC460] =	vst v30  }
0x122: {  	s0 =	sadd.s32 $0x80, s0;
	s30 =	sadd.s32 $0x200, s30;
	[tilespmem:s1+$0xC470] =	vst v31  }
0x123: {  	[hbm4b:s8+s18] =	stream.strided.scatter [tilespmem:s25], [sflag:$0x4], $0x6000, s19, s18, $0x38;
	[tilespmem:$0x18400] =	vst v63  }
0x124: {  	_ = 	snop  }
0x125: {  	[tilespmem:s20], [sflag:$0x2] =	stream.strided.gather [hbm4b:s9+s18], $0x6000, s19, s18, $0x38;
	[tilespmem:$0x18400] =	vst v63  }
0x126: {  	_ =	swait.ge [sflag:s22], $0x6000  }
0x127: {  	[sflag:s22] =	ssyncset.done $0x0  }
0x128: {  	[sflag:s22] =	ssyncadd.s32 $0xFFFFA000  }
0x129: {  	s31 =	simm.s32 $0x0;
	_ =	swait.ge [sflag:s26], $0x1000  }
0x12a: {  	s0 =	sand.u32 $0x7000, s31;
	s1 =	sand.u32 $0x380, s31;
	[sflag:s26] =	ssyncset.done $0x0  }
0x12b: {  	s30 =	sor.u32 s1, s0;
	[sflag:s26] =	ssyncadd.s32 $0xFFFFF000  }
0x12c: {  	v0 =	vld [tilespmem:s30+$0x400]  }
0x12d: {  	v1 =	vld [tilespmem:s30+$0x410]  }
0x12e: {  	v2 =	vld [tilespmem:s30+$0x420]  }
0x12f: {  	v3 =	vld [tilespmem:s30+$0x430]  }
0x130: {  	v4 =	vld [tilespmem:s30+$0x440]  }
0x131: {  	v5 =	vld [tilespmem:s30+$0x450]  }
0x132: {  	v7 =	vld [tilespmem:s30+$0x460]  }
0x133: {  	v9 =	vld [tilespmem:s30+$0x470]  }
0x134: {  	v32 =	vld [tilespmem:s30+$0x800]  }
0x135: {  	v33 =	vld [tilespmem:s30+$0x810]  }
0x136: {  	v34 =	vld [tilespmem:s30+$0x820]  }
0x137: {  	v35 =	vld [tilespmem:s30+$0x830]  }
0x138: {  	v36 =	vld [tilespmem:s30+$0x840]  }
0x139: {  	v37 =	vld [tilespmem:s30+$0x850]  }
0x13a: {  	v38 =	vld [tilespmem:s30+$0x860]  }
0x13b: {  	v39 =	vld [tilespmem:s30+$0x870]  }
0x13c: {  	v6 =	vld [tilespmem:s30+$0xC00]  }
0x13d: {  	v8 =	vld [tilespmem:s30+$0xC10]  }
0x13e: {  	v10 =	vld [tilespmem:s30+$0xC20]  }
0x13f: {  	v12 =	vld [tilespmem:s30+$0xC30]  }
0x140: {  	v14 =	vld [tilespmem:s30+$0xC40]  }
0x141: {  	v16 =	vld [tilespmem:s30+$0xC50]  }
0x142: {  	v18 =	vld [tilespmem:s30+$0xC60]  }
0x143: {  	v21 =	vld [tilespmem:s30+$0xC70]  }
0x144: {  	v26 =	vld [tilespmem:s30+$0x1000]  }
0x145: {  	v19 =	vld [tilespmem:s30+$0x1010]  }
0x146: {  	v22 =	vld [tilespmem:s30+$0x1020]  }
0x147: {  	v27 =	vld [tilespmem:s30+$0x1030]  }
0x148: {  	v29 =	vld [tilespmem:s30+$0x1040]  }
0x149: {  	v23 =	vld [tilespmem:s30+$0x1050]  }
0x14a: {  	v24 =	vld [tilespmem:s30+$0x1060]  }
0x14b: {  	v31 =	vld [tilespmem:s30+$0x1070]  }
0x14c: {  	v30 =	vld.idx.msk [tilespmem:v0+s3+$0x0], $0xffff  }
0x14d: {  	v28 =	vld.idx.msk [tilespmem:v1+s3+$0x0], $0xffff  }
0x14e: {  	v25 =	vld.idx.msk [tilespmem:v2+s3+$0x0], $0xffff  }
0x14f: {  	v20 =	vld.idx.msk [tilespmem:v3+s3+$0x0], $0xffff  }
0x150: {  	v17 =	vld.idx.msk [tilespmem:v4+s3+$0x0], $0xffff  }
0x151: {  	v15 =	vld.idx.msk [tilespmem:v5+s3+$0x0], $0xffff  }
0x152: {  	v13 =	vld.idx.msk [tilespmem:v7+s3+$0x0], $0xffff  }
0x153: {  	v11 =	vld.idx.msk [tilespmem:v9+s3+$0x0], $0xffff  }
0x154: {  	v9 =	vld.idx.msk [tilespmem:v32+s3+$0x0], $0xffff  }
0x155: {  	v7 =	vld.idx.msk [tilespmem:v33+s3+$0x0], $0xffff  }
0x156: {  	v5 =	vld.idx.msk [tilespmem:v34+s3+$0x0], $0xffff  }
0x157: {  	v4 =	vld.idx.msk [tilespmem:v35+s3+$0x0], $0xffff  }
0x158: {  	v3 =	vld.idx.msk [tilespmem:v36+s3+$0x0], $0xffff  }
0x159: {  	v2 =	vld.idx.msk [tilespmem:v37+s3+$0x0], $0xffff  }
0x15a: {  	v1 =	vld.idx.msk [tilespmem:v38+s3+$0x0], $0xffff  }
0x15b: {  	s0 =	simm.s32 $0x200;
	v0 =	vld.idx.msk [tilespmem:v39+s3+$0x0], $0xffff  }
.LBB2_6:
0x15c: {  	p0 =	sne.s32 s0, $0x5E00;
	v32 =	vld.idx.msk [tilespmem:v6+s3+$0x0], $0xffff  }
0x15d: {  	v33 =	vld.idx.msk [tilespmem:v8+s3+$0x0], $0xffff  }
0x15e: {  	v34 =	vld.idx.msk [tilespmem:v10+s3+$0x0], $0xffff  }
0x15f: {  	v35 =	vld.idx.msk [tilespmem:v12+s3+$0x0], $0xffff  }
0x160: {  	v36 =	vld.idx.msk [tilespmem:v14+s3+$0x0], $0xffff  }
0x161: {  	v37 =	vld.idx.msk [tilespmem:v16+s3+$0x0], $0xffff  }
0x162: {  	v38 =	vld.idx.msk [tilespmem:v18+s3+$0x0], $0xffff  }
0x163: {  	v39 =	vld.idx.msk [tilespmem:v21+s3+$0x0], $0xffff  }
0x164: {  	v40 =	vld.idx.msk [tilespmem:v26+s3+$0x0], $0xffff  }
0x165: {  	v6 =	vld.idx.msk [tilespmem:v31+s3+$0x0], $0xffff  }
0x166: {  	v31 =	vld.idx.msk [tilespmem:v19+s3+$0x0], $0xffff  }
0x167: {  	v41 =	vld.idx.msk [tilespmem:v22+s3+$0x0], $0xffff  }
0x168: {  	v42 =	vld.idx.msk [tilespmem:v27+s3+$0x0], $0xffff  }
0x169: {  	s31 =	sadd.s32 $0x80, s31;
	v43 =	vld.idx.msk [tilespmem:v29+s3+$0x0], $0xffff  }
0x16a: {  	s1 =	sand.u32 $0x7000, s0;
	s2 =	sand.u32 $0x380, s31;
	v44 =	vld.idx.msk [tilespmem:v23+s3+$0x0], $0xffff  }
0x16b: {  	s1 =	sor.u32 s2, s1;
	v45 =	vld.idx.msk [tilespmem:v24+s3+$0x0], $0xffff;
	[tilespmem:s30+$0xD070] =	vst v6  }
0x16c: {  	v46 =	vld [tilespmem:s1+$0x400];
	[tilespmem:s30+$0xC400] =	vst v30  }
0x16d: {  	v47 =	vld [tilespmem:s1+$0x410];
	[tilespmem:s30+$0xC410] =	vst v28  }
0x16e: {  	v48 =	vld [tilespmem:s1+$0x420];
	[tilespmem:s30+$0xC420] =	vst v25  }
0x16f: {  	v49 =	vld [tilespmem:s1+$0x430];
	[tilespmem:s30+$0xC430] =	vst v20  }
0x170: {  	v50 =	vld [tilespmem:s1+$0x440];
	[tilespmem:s30+$0xC440] =	vst v17  }
0x171: {  	v51 =	vld [tilespmem:s1+$0x450];
	[tilespmem:s30+$0xC450] =	vst v15  }
0x172: {  	v52 =	vld [tilespmem:s1+$0x460];
	[tilespmem:s30+$0xC460] =	vst v13  }
0x173: {  	v53 =	vld [tilespmem:s1+$0x470];
	[tilespmem:s30+$0xC470] =	vst v11  }
0x174: {  	v54 =	vld [tilespmem:s1+$0x800];
	[tilespmem:s30+$0xC800] =	vst v9  }
0x175: {  	v55 =	vld [tilespmem:s1+$0x810];
	[tilespmem:s30+$0xC810] =	vst v7  }
0x176: {  	v56 =	vld [tilespmem:s1+$0x820];
	[tilespmem:s30+$0xC820] =	vst v5  }
0x177: {  	v57 =	vld [tilespmem:s1+$0x830];
	[tilespmem:s30+$0xC830] =	vst v4  }
0x178: {  	v58 =	vld [tilespmem:s1+$0x840];
	[tilespmem:s30+$0xC840] =	vst v3  }
0x179: {  	v59 =	vld [tilespmem:s1+$0x850];
	[tilespmem:s30+$0xC850] =	vst v2  }
0x17a: {  	v60 =	vld [tilespmem:s1+$0x860];
	[tilespmem:s30+$0xC860] =	vst v1  }
0x17b: {  	v61 =	vld [tilespmem:s1+$0x870];
	[tilespmem:s30+$0xC870] =	vst v0  }
0x17c: {  	v6 =	vld [tilespmem:s1+$0xC00];
	[tilespmem:s30+$0xCC00] =	vst v32  }
0x17d: {  	v8 =	vld [tilespmem:s1+$0xC10];
	[tilespmem:s30+$0xCC10] =	vst v33  }
0x17e: {  	v10 =	vld [tilespmem:s1+$0xC20];
	[tilespmem:s30+$0xCC20] =	vst v34  }
0x17f: {  	v12 =	vld [tilespmem:s1+$0xC30];
	[tilespmem:s30+$0xCC30] =	vst v35  }
0x180: {  	v14 =	vld [tilespmem:s1+$0xC40];
	[tilespmem:s30+$0xCC40] =	vst v36  }
0x181: {  	v16 =	vld [tilespmem:s1+$0xC50];
	[tilespmem:s30+$0xCC50] =	vst v37  }
0x182: {  	v18 =	vld [tilespmem:s1+$0xC60];
	[tilespmem:s30+$0xCC60] =	vst v38  }
0x183: {  	v21 =	vld [tilespmem:s1+$0xC70];
	[tilespmem:s30+$0xCC70] =	vst v39  }
0x184: {  	v26 =	vld [tilespmem:s1+$0x1000];
	[tilespmem:s30+$0xD000] =	vst v40  }
0x185: {  	v19 =	vld [tilespmem:s1+$0x1010];
	[tilespmem:s30+$0xD010] =	vst v31  }
0x186: {  	v22 =	vld [tilespmem:s1+$0x1020];
	[tilespmem:s30+$0xD020] =	vst v41  }
0x187: {  	v27 =	vld [tilespmem:s1+$0x1030];
	[tilespmem:s30+$0xD030] =	vst v42  }
0x188: {  	v29 =	vld [tilespmem:s1+$0x1040];
	[tilespmem:s30+$0xD040] =	vst v43  }
0x189: {  	v23 =	vld [tilespmem:s1+$0x1050];
	[tilespmem:s30+$0xD050] =	vst v44  }
0x18a: {  	v24 =	vld [tilespmem:s1+$0x1060];
	[tilespmem:s30+$0xD060] =	vst v45;
	s30 =	smov.u32 s1  }
0x18b: {  	v31 =	vld [tilespmem:s30+$0x1070]  }
0x18c: {  	v30 =	vld.idx.msk [tilespmem:v46+s3+$0x0], $0xffff  }
0x18d: {  	v28 =	vld.idx.msk [tilespmem:v47+s3+$0x0], $0xffff  }
0x18e: {  	v25 =	vld.idx.msk [tilespmem:v48+s3+$0x0], $0xffff  }
0x18f: {  	v20 =	vld.idx.msk [tilespmem:v49+s3+$0x0], $0xffff  }
0x190: {  	v17 =	vld.idx.msk [tilespmem:v50+s3+$0x0], $0xffff  }
0x191: {  	v15 =	vld.idx.msk [tilespmem:v51+s3+$0x0], $0xffff  }
0x192: {  	v13 =	vld.idx.msk [tilespmem:v52+s3+$0x0], $0xffff  }
0x193: {  	v11 =	vld.idx.msk [tilespmem:v53+s3+$0x0], $0xffff  }
0x194: {  	v9 =	vld.idx.msk [tilespmem:v54+s3+$0x0], $0xffff  }
0x195: {  	v7 =	vld.idx.msk [tilespmem:v55+s3+$0x0], $0xffff  }
0x196: {  	v5 =	vld.idx.msk [tilespmem:v56+s3+$0x0], $0xffff  }
.Ltmp2:
0x197: {  	v4 =	vld.idx.msk [tilespmem:v57+s3+$0x0], $0xffff;
	(pc) =	sbr.rel @p0 .LBB2_6-.Ltmp2, $4  }
0x198: {  	v3 =	vld.idx.msk [tilespmem:v58+s3+$0x0], $0xffff  }
0x199: {  	v2 =	vld.idx.msk [tilespmem:v59+s3+$0x0], $0xffff  }
0x19a: {  	v1 =	vld.idx.msk [tilespmem:v60+s3+$0x0], $0xffff  }
0x19b: {  	s0 =	sadd.s32 $0x200, s0;
	v0 =	vld.idx.msk [tilespmem:v61+s3+$0x0], $0xffff  }
0x19c: {  	_ =	sdelay $0x3  }
0x19d: {  	v6 =	vld.idx.msk [tilespmem:v6+s3+$0x0], $0xffff  }
0x19e: {  	v8 =	vld.idx.msk [tilespmem:v8+s3+$0x0], $0xffff  }
0x19f: {  	v10 =	vld.idx.msk [tilespmem:v10+s3+$0x0], $0xffff  }
0x1a0: {  	v12 =	vld.idx.msk [tilespmem:v12+s3+$0x0], $0xffff  }
0x1a1: {  	v14 =	vld.idx.msk [tilespmem:v14+s3+$0x0], $0xffff  }
0x1a2: {  	v16 =	vld.idx.msk [tilespmem:v16+s3+$0x0], $0xffff  }
0x1a3: {  	v18 =	vld.idx.msk [tilespmem:v18+s3+$0x0], $0xffff  }
0x1a4: {  	v21 =	vld.idx.msk [tilespmem:v21+s3+$0x0], $0xffff  }
0x1a5: {  	v26 =	vld.idx.msk [tilespmem:v26+s3+$0x0], $0xffff  }
0x1a6: {  	v31 =	vld.idx.msk [tilespmem:v31+s3+$0x0], $0xffff  }
0x1a7: {  	v19 =	vld.idx.msk [tilespmem:v19+s3+$0x0], $0xffff  }
0x1a8: {  	v22 =	vld.idx.msk [tilespmem:v22+s3+$0x0], $0xffff  }
0x1a9: {  	v27 =	vld.idx.msk [tilespmem:v27+s3+$0x0], $0xffff  }
0x1aa: {  	v29 =	vld.idx.msk [tilespmem:v29+s3+$0x0], $0xffff  }
0x1ab: {  	v23 =	vld.idx.msk [tilespmem:v23+s3+$0x0], $0xffff  }
0x1ac: {  	v24 =	vld.idx.msk [tilespmem:v24+s3+$0x0], $0xffff;
	[tilespmem:s30+$0xC400] =	vst v30  }
0x1ad: {  	[tilespmem:s30+$0xC410] =	vst v28  }
0x1ae: {  	[tilespmem:s30+$0xC420] =	vst v25  }
0x1af: {  	[tilespmem:s30+$0xC430] =	vst v20  }
0x1b0: {  	[tilespmem:s30+$0xC440] =	vst v17  }
0x1b1: {  	[tilespmem:s30+$0xC450] =	vst v15  }
0x1b2: {  	[tilespmem:s30+$0xC460] =	vst v13  }
0x1b3: {  	[tilespmem:s30+$0xC470] =	vst v11  }
0x1b4: {  	[tilespmem:s30+$0xC800] =	vst v9  }
0x1b5: {  	[tilespmem:s30+$0xC810] =	vst v7  }
0x1b6: {  	[tilespmem:s30+$0xC820] =	vst v5  }
0x1b7: {  	[tilespmem:s30+$0xC830] =	vst v4  }
0x1b8: {  	[tilespmem:s30+$0xC840] =	vst v3  }
0x1b9: {  	[tilespmem:s30+$0xC850] =	vst v2  }
0x1ba: {  	[tilespmem:s30+$0xC860] =	vst v1  }
0x1bb: {  	[tilespmem:s30+$0xC870] =	vst v0  }
0x1bc: {  	[tilespmem:s30+$0xD070] =	vst v31  }
0x1bd: {  	[tilespmem:s30+$0xCC00] =	vst v6  }
0x1be: {  	[tilespmem:s30+$0xCC10] =	vst v8  }
0x1bf: {  	[tilespmem:s30+$0xCC20] =	vst v10  }
0x1c0: {  	[tilespmem:s30+$0xCC30] =	vst v12  }
0x1c1: {  	[tilespmem:s30+$0xCC40] =	vst v14  }
0x1c2: {  	[tilespmem:s30+$0xCC50] =	vst v16  }
0x1c3: {  	[tilespmem:s30+$0xCC60] =	vst v18  }
0x1c4: {  	[tilespmem:s30+$0xCC70] =	vst v21  }
0x1c5: {  	[tilespmem:s30+$0xD000] =	vst v26  }
0x1c6: {  	[tilespmem:s30+$0xD010] =	vst v19  }
0x1c7: {  	[tilespmem:s30+$0xD020] =	vst v22  }
0x1c8: {  	[tilespmem:s30+$0xD030] =	vst v27  }
0x1c9: {  	[tilespmem:s30+$0xD040] =	vst v29  }
0x1ca: {  	[tilespmem:s30+$0xD050] =	vst v23  }
0x1cb: {  	[tilespmem:s30+$0xD060] =	vst v24  }
0x1cc: {  	[hbm4b:s10+s18] =	stream.strided.scatter [tilespmem:s23], [sflag:$0x3], $0x6000, s19, s18, $0x38;
	[tilespmem:$0x18400] =	vst v63  }
0x1cd: {  	_ = 	snop  }
0x1ce: {  	[tilespmem:s17], [sflag:$0x1] =	stream.strided.gather [hbm4b:s11+s18], $0x5000, s19, s18, $0x38;
	[tilespmem:$0x18400] =	vst v63  }
0x1cf: {  	_ =	swait.ge [sflag:s24], $0x6000  }
0x1d0: {  	[sflag:s24] =	ssyncset.done $0x0  }
0x1d1: {  	[sflag:s24] =	ssyncadd.s32 $0xFFFFA000  }
0x1d2: {  	_ =	swait.ge [sflag:s28], $0x6000  }
0x1d3: {  	[sflag:s28] =	ssyncset.done $0x0  }
0x1d4: {  	s0 =	simm.s32 $0x0;
	s30 =	simm.s32 $0x0;
	[sflag:s28] =	ssyncadd.s32 $0xFFFFA000  }
.LBB2_8:
0x1d5: {  	s1 =	sand.u32 $0x7000, s30;
	s2 =	sand.u32 $0x380, s0  }
0x1d6: {  	s1 =	sor.u32 s2, s1  }
0x1d7: {  	v0 =	vld [tilespmem:s1+$0x6400]  }
0x1d8: {  	v1 =	vld [tilespmem:s1+$0x6410]  }
0x1d9: {  	v2 =	vld [tilespmem:s1+$0x6420]  }
0x1da: {  	v3 =	vld [tilespmem:s1+$0x6430]  }
0x1db: {  	v4 =	vld [tilespmem:s1+$0x6440]  }
0x1dc: {  	v5 =	vld [tilespmem:s1+$0x6450]  }
0x1dd: {  	v6 =	vld [tilespmem:s1+$0x6460]  }
0x1de: {  	v7 =	vld [tilespmem:s1+$0x6470]  }
0x1df: {  	v8 =	vld [tilespmem:s1+$0x6800]  }
0x1e0: {  	v9 =	vld [tilespmem:s1+$0x6810]  }
0x1e1: {  	v10 =	vld [tilespmem:s1+$0x6820]  }
0x1e2: {  	v11 =	vld [tilespmem:s1+$0x6830]  }
0x1e3: {  	v12 =	vld [tilespmem:s1+$0x6840]  }
0x1e4: {  	v13 =	vld [tilespmem:s1+$0x6850]  }
0x1e5: {  	v14 =	vld [tilespmem:s1+$0x6860]  }
0x1e6: {  	v15 =	vld [tilespmem:s1+$0x6870]  }
0x1e7: {  	v16 =	vld [tilespmem:s1+$0x6C00]  }
0x1e8: {  	v17 =	vld [tilespmem:s1+$0x6C10]  }
0x1e9: {  	v18 =	vld [tilespmem:s1+$0x6C20]  }
0x1ea: {  	v19 =	vld [tilespmem:s1+$0x6C30]  }
0x1eb: {  	v20 =	vld [tilespmem:s1+$0x6C40]  }
0x1ec: {  	v21 =	vld [tilespmem:s1+$0x6C50]  }
0x1ed: {  	v22 =	vld [tilespmem:s1+$0x6C60]  }
0x1ee: {  	v23 =	vld [tilespmem:s1+$0x6C70]  }
0x1ef: {  	v24 =	vld [tilespmem:s1+$0x7000]  }
0x1f0: {  	v25 =	vld [tilespmem:s1+$0x7010]  }
0x1f1: {  	v26 =	vld [tilespmem:s1+$0x7020]  }
0x1f2: {  	v27 =	vld [tilespmem:s1+$0x7030]  }
0x1f3: {  	v28 =	vld [tilespmem:s1+$0x7040]  }
0x1f4: {  	v29 =	vld [tilespmem:s1+$0x7050]  }
0x1f5: {  	v30 =	vld [tilespmem:s1+$0x7060]  }
0x1f6: {  	v31 =	vld [tilespmem:s1+$0x7070]  }
0x1f7: {  	v0 =	vld.idx.msk [tilespmem:v0+s3+$0x0], $0xffff  }
0x1f8: {  	v1 =	vld.idx.msk [tilespmem:v1+s3+$0x0], $0xffff  }
0x1f9: {  	v2 =	vld.idx.msk [tilespmem:v2+s3+$0x0], $0xffff  }
0x1fa: {  	v3 =	vld.idx.msk [tilespmem:v3+s3+$0x0], $0xffff  }
0x1fb: {  	v4 =	vld.idx.msk [tilespmem:v4+s3+$0x0], $0xffff  }
0x1fc: {  	v5 =	vld.idx.msk [tilespmem:v5+s3+$0x0], $0xffff  }
0x1fd: {  	v6 =	vld.idx.msk [tilespmem:v6+s3+$0x0], $0xffff  }
0x1fe: {  	v7 =	vld.idx.msk [tilespmem:v7+s3+$0x0], $0xffff  }
0x1ff: {  	v8 =	vld.idx.msk [tilespmem:v8+s3+$0x0], $0xffff  }
0x200: {  	v9 =	vld.idx.msk [tilespmem:v9+s3+$0x0], $0xffff  }
0x201: {  	v10 =	vld.idx.msk [tilespmem:v10+s3+$0x0], $0xffff  }
0x202: {  	v11 =	vld.idx.msk [tilespmem:v11+s3+$0x0], $0xffff  }
0x203: {  	v12 =	vld.idx.msk [tilespmem:v12+s3+$0x0], $0xffff  }
0x204: {  	v13 =	vld.idx.msk [tilespmem:v13+s3+$0x0], $0xffff  }
0x205: {  	v14 =	vld.idx.msk [tilespmem:v14+s3+$0x0], $0xffff  }
0x206: {  	v15 =	vld.idx.msk [tilespmem:v15+s3+$0x0], $0xffff  }
0x207: {  	v16 =	vld.idx.msk [tilespmem:v16+s3+$0x0], $0xffff  }
0x208: {  	v17 =	vld.idx.msk [tilespmem:v17+s3+$0x0], $0xffff  }
0x209: {  	v18 =	vld.idx.msk [tilespmem:v18+s3+$0x0], $0xffff  }
0x20a: {  	v19 =	vld.idx.msk [tilespmem:v19+s3+$0x0], $0xffff  }
0x20b: {  	v20 =	vld.idx.msk [tilespmem:v20+s3+$0x0], $0xffff  }
0x20c: {  	v21 =	vld.idx.msk [tilespmem:v21+s3+$0x0], $0xffff  }
0x20d: {  	v22 =	vld.idx.msk [tilespmem:v22+s3+$0x0], $0xffff  }
0x20e: {  	v23 =	vld.idx.msk [tilespmem:v23+s3+$0x0], $0xffff  }
0x20f: {  	v24 =	vld.idx.msk [tilespmem:v24+s3+$0x0], $0xffff  }
0x210: {  	v25 =	vld.idx.msk [tilespmem:v25+s3+$0x0], $0xffff  }
0x211: {  	v26 =	vld.idx.msk [tilespmem:v26+s3+$0x0], $0xffff  }
0x212: {  	v27 =	vld.idx.msk [tilespmem:v27+s3+$0x0], $0xffff  }
0x213: {  	v28 =	vld.idx.msk [tilespmem:v28+s3+$0x0], $0xffff  }
0x214: {  	v29 =	vld.idx.msk [tilespmem:v29+s3+$0x0], $0xffff  }
0x215: {  	s2 =	sadd.s32 $0x6000, s1;
	v30 =	vld.idx.msk [tilespmem:v30+s3+$0x0], $0xffff  }
0x216: {  	v31 =	vld.idx.msk [tilespmem:v31+s3+$0x0], $0xffff;
	[tilespmem:s2+$0xC400] =	vst v0  }
0x217: {  	[tilespmem:s2+$0xC410] =	vst v1  }
0x218: {  	[tilespmem:s2+$0xC420] =	vst v2  }
0x219: {  	[tilespmem:s2+$0xC430] =	vst v3  }
0x21a: {  	[tilespmem:s2+$0xC440] =	vst v4  }
0x21b: {  	[tilespmem:s2+$0xC450] =	vst v5  }
0x21c: {  	[tilespmem:s2+$0xC460] =	vst v6  }
0x21d: {  	s31 =	sadd.s32 $0x6400, s1;
	[tilespmem:s2+$0xC470] =	vst v7  }
0x21e: {  	[tilespmem:s31+$0xC400] =	vst v8  }
0x21f: {  	[tilespmem:s31+$0xC410] =	vst v9  }
0x220: {  	[tilespmem:s31+$0xC420] =	vst v10  }
0x221: {  	[tilespmem:s31+$0xC430] =	vst v11  }
0x222: {  	[tilespmem:s31+$0xC440] =	vst v12  }
0x223: {  	[tilespmem:s31+$0xC450] =	vst v13  }
0x224: {  	[tilespmem:s31+$0xC460] =	vst v14  }
0x225: {  	s2 =	sadd.s32 $0x6800, s1;
	[tilespmem:s31+$0xC470] =	vst v15  }
0x226: {  	[tilespmem:s2+$0xC400] =	vst v16  }
0x227: {  	[tilespmem:s2+$0xC410] =	vst v17  }
0x228: {  	[tilespmem:s2+$0xC420] =	vst v18  }
0x229: {  	[tilespmem:s2+$0xC430] =	vst v19  }
0x22a: {  	[tilespmem:s2+$0xC440] =	vst v20  }
0x22b: {  	[tilespmem:s2+$0xC450] =	vst v21  }
0x22c: {  	[tilespmem:s2+$0xC460] =	vst v22  }
0x22d: {  	s1 =	sadd.s32 $0x6C00, s1;
	[tilespmem:s2+$0xC470] =	vst v23  }
0x22e: {  	[tilespmem:s1+$0xC400] =	vst v24  }
0x22f: {  	[tilespmem:s1+$0xC410] =	vst v25  }
0x230: {  	p0 =	sne.s32 s30, $0x5E00;
	[tilespmem:s1+$0xC420] =	vst v26  }
.Ltmp3:
0x231: {  	[tilespmem:s1+$0xC430] =	vst v27;
	(pc) =	sbr.rel @p0 .LBB2_8-.Ltmp3, $4  }
0x232: {  	[tilespmem:s1+$0xC440] =	vst v28  }
0x233: {  	[tilespmem:s1+$0xC450] =	vst v29  }
0x234: {  	[tilespmem:s1+$0xC460] =	vst v30  }
0x235: {  	s0 =	sadd.s32 $0x80, s0;
	s30 =	sadd.s32 $0x200, s30;
	[tilespmem:s1+$0xC470] =	vst v31  }
0x236: {  	[hbm4b:s12+s18] =	stream.strided.scatter [tilespmem:s25], [sflag:$0x4], $0x6000, s19, s18, $0x38;
	[tilespmem:$0x18400] =	vst v63  }
0x237: {  	s31 =	simm.s32 $0x0  }
0x238: {  	[tilespmem:s20], [sflag:$0x2] =	stream.linear.gather [hbm4b:s13+s31], $0x1000, $0x38;
	[tilespmem:$0x18400] =	vst v63  }
0x239: {  	_ =	swait.ge [sflag:s22], $0x5000  }
0x23a: {  	[sflag:s22] =	ssyncset.done $0x0  }
0x23b: {  	[sflag:s22] =	ssyncadd.s32 $0xFFFFB000  }
0x23c: {  	_ =	swait.ge [sflag:s26], $0x6000  }
0x23d: {  	s0 =	sand.u32 $0x7000, s31;
	s1 =	sand.u32 $0x380, s31;
	[sflag:s26] =	ssyncset.done $0x0  }
0x23e: {  	s30 =	sor.u32 s1, s0;
	[sflag:s26] =	ssyncadd.s32 $0xFFFFA000  }
0x23f: {  	v0 =	vld [tilespmem:s30+$0x400]  }
0x240: {  	v1 =	vld [tilespmem:s30+$0x410]  }
0x241: {  	v2 =	vld [tilespmem:s30+$0x420]  }
0x242: {  	v3 =	vld [tilespmem:s30+$0x430]  }
0x243: {  	v4 =	vld [tilespmem:s30+$0x440]  }
0x244: {  	v5 =	vld [tilespmem:s30+$0x450]  }
0x245: {  	v7 =	vld [tilespmem:s30+$0x460]  }
0x246: {  	v9 =	vld [tilespmem:s30+$0x470]  }
0x247: {  	v32 =	vld [tilespmem:s30+$0x800]  }
0x248: {  	v33 =	vld [tilespmem:s30+$0x810]  }
0x249: {  	v34 =	vld [tilespmem:s30+$0x820]  }
0x24a: {  	v35 =	vld [tilespmem:s30+$0x830]  }
0x24b: {  	v36 =	vld [tilespmem:s30+$0x840]  }
0x24c: {  	v37 =	vld [tilespmem:s30+$0x850]  }
0x24d: {  	v38 =	vld [tilespmem:s30+$0x860]  }
0x24e: {  	v39 =	vld [tilespmem:s30+$0x870]  }
0x24f: {  	v6 =	vld [tilespmem:s30+$0xC00]  }
0x250: {  	v8 =	vld [tilespmem:s30+$0xC10]  }
0x251: {  	v10 =	vld [tilespmem:s30+$0xC20]  }
0x252: {  	v12 =	vld [tilespmem:s30+$0xC30]  }
0x253: {  	v14 =	vld [tilespmem:s30+$0xC40]  }
0x254: {  	v16 =	vld [tilespmem:s30+$0xC50]  }
0x255: {  	v18 =	vld [tilespmem:s30+$0xC60]  }
0x256: {  	v21 =	vld [tilespmem:s30+$0xC70]  }
0x257: {  	v26 =	vld [tilespmem:s30+$0x1000]  }
0x258: {  	v19 =	vld [tilespmem:s30+$0x1010]  }
0x259: {  	v22 =	vld [tilespmem:s30+$0x1020]  }
0x25a: {  	v27 =	vld [tilespmem:s30+$0x1030]  }
0x25b: {  	v29 =	vld [tilespmem:s30+$0x1040]  }
0x25c: {  	v23 =	vld [tilespmem:s30+$0x1050]  }
0x25d: {  	v24 =	vld [tilespmem:s30+$0x1060]  }
0x25e: {  	v31 =	vld [tilespmem:s30+$0x1070]  }
0x25f: {  	v30 =	vld.idx.msk [tilespmem:v0+s3+$0x0], $0xffff  }
0x260: {  	v28 =	vld.idx.msk [tilespmem:v1+s3+$0x0], $0xffff  }
0x261: {  	v25 =	vld.idx.msk [tilespmem:v2+s3+$0x0], $0xffff  }
0x262: {  	v20 =	vld.idx.msk [tilespmem:v3+s3+$0x0], $0xffff  }
0x263: {  	v17 =	vld.idx.msk [tilespmem:v4+s3+$0x0], $0xffff  }
0x264: {  	v15 =	vld.idx.msk [tilespmem:v5+s3+$0x0], $0xffff  }
0x265: {  	v13 =	vld.idx.msk [tilespmem:v7+s3+$0x0], $0xffff  }
0x266: {  	v11 =	vld.idx.msk [tilespmem:v9+s3+$0x0], $0xffff  }
0x267: {  	v9 =	vld.idx.msk [tilespmem:v32+s3+$0x0], $0xffff  }
0x268: {  	v7 =	vld.idx.msk [tilespmem:v33+s3+$0x0], $0xffff  }
0x269: {  	v5 =	vld.idx.msk [tilespmem:v34+s3+$0x0], $0xffff  }
0x26a: {  	v4 =	vld.idx.msk [tilespmem:v35+s3+$0x0], $0xffff  }
0x26b: {  	v3 =	vld.idx.msk [tilespmem:v36+s3+$0x0], $0xffff  }
0x26c: {  	v2 =	vld.idx.msk [tilespmem:v37+s3+$0x0], $0xffff  }
0x26d: {  	v1 =	vld.idx.msk [tilespmem:v38+s3+$0x0], $0xffff  }
0x26e: {  	s0 =	simm.s32 $0x200;
	v0 =	vld.idx.msk [tilespmem:v39+s3+$0x0], $0xffff  }
.LBB2_10:
0x26f: {  	p0 =	sne.s32 s0, $0x4E00;
	v32 =	vld.idx.msk [tilespmem:v6+s3+$0x0], $0xffff  }
0x270: {  	v33 =	vld.idx.msk [tilespmem:v8+s3+$0x0], $0xffff  }
0x271: {  	v34 =	vld.idx.msk [tilespmem:v10+s3+$0x0], $0xffff  }
0x272: {  	v35 =	vld.idx.msk [tilespmem:v12+s3+$0x0], $0xffff  }
0x273: {  	v36 =	vld.idx.msk [tilespmem:v14+s3+$0x0], $0xffff  }
0x274: {  	v37 =	vld.idx.msk [tilespmem:v16+s3+$0x0], $0xffff  }
0x275: {  	v38 =	vld.idx.msk [tilespmem:v18+s3+$0x0], $0xffff  }
0x276: {  	v39 =	vld.idx.msk [tilespmem:v21+s3+$0x0], $0xffff  }
0x277: {  	v40 =	vld.idx.msk [tilespmem:v26+s3+$0x0], $0xffff  }
0x278: {  	v6 =	vld.idx.msk [tilespmem:v31+s3+$0x0], $0xffff  }
0x279: {  	v31 =	vld.idx.msk [tilespmem:v19+s3+$0x0], $0xffff  }
0x27a: {  	v41 =	vld.idx.msk [tilespmem:v22+s3+$0x0], $0xffff  }
0x27b: {  	v42 =	vld.idx.msk [tilespmem:v27+s3+$0x0], $0xffff  }
0x27c: {  	s31 =	sadd.s32 $0x80, s31;
	v43 =	vld.idx.msk [tilespmem:v29+s3+$0x0], $0xffff  }
0x27d: {  	s1 =	sand.u32 $0x7000, s0;
	s2 =	sand.u32 $0x380, s31;
	v44 =	vld.idx.msk [tilespmem:v23+s3+$0x0], $0xffff  }
0x27e: {  	s1 =	sor.u32 s2, s1;
	v45 =	vld.idx.msk [tilespmem:v24+s3+$0x0], $0xffff;
	[tilespmem:s30+$0xD070] =	vst v6  }
0x27f: {  	v46 =	vld [tilespmem:s1+$0x400];
	[tilespmem:s30+$0xC400] =	vst v30  }
0x280: {  	v47 =	vld [tilespmem:s1+$0x410];
	[tilespmem:s30+$0xC410] =	vst v28  }
0x281: {  	v48 =	vld [tilespmem:s1+$0x420];
	[tilespmem:s30+$0xC420] =	vst v25  }
0x282: {  	v49 =	vld [tilespmem:s1+$0x430];
	[tilespmem:s30+$0xC430] =	vst v20  }
0x283: {  	v50 =	vld [tilespmem:s1+$0x440];
	[tilespmem:s30+$0xC440] =	vst v17  }
0x284: {  	v51 =	vld [tilespmem:s1+$0x450];
	[tilespmem:s30+$0xC450] =	vst v15  }
0x285: {  	v52 =	vld [tilespmem:s1+$0x460];
	[tilespmem:s30+$0xC460] =	vst v13  }
0x286: {  	v53 =	vld [tilespmem:s1+$0x470];
	[tilespmem:s30+$0xC470] =	vst v11  }
0x287: {  	v54 =	vld [tilespmem:s1+$0x800];
	[tilespmem:s30+$0xC800] =	vst v9  }
0x288: {  	v55 =	vld [tilespmem:s1+$0x810];
	[tilespmem:s30+$0xC810] =	vst v7  }
0x289: {  	v56 =	vld [tilespmem:s1+$0x820];
	[tilespmem:s30+$0xC820] =	vst v5  }
0x28a: {  	v57 =	vld [tilespmem:s1+$0x830];
	[tilespmem:s30+$0xC830] =	vst v4  }
0x28b: {  	v58 =	vld [tilespmem:s1+$0x840];
	[tilespmem:s30+$0xC840] =	vst v3  }
0x28c: {  	v59 =	vld [tilespmem:s1+$0x850];
	[tilespmem:s30+$0xC850] =	vst v2  }
0x28d: {  	v60 =	vld [tilespmem:s1+$0x860];
	[tilespmem:s30+$0xC860] =	vst v1  }
0x28e: {  	v61 =	vld [tilespmem:s1+$0x870];
	[tilespmem:s30+$0xC870] =	vst v0  }
0x28f: {  	v6 =	vld [tilespmem:s1+$0xC00];
	[tilespmem:s30+$0xCC00] =	vst v32  }
0x290: {  	v8 =	vld [tilespmem:s1+$0xC10];
	[tilespmem:s30+$0xCC10] =	vst v33  }
0x291: {  	v10 =	vld [tilespmem:s1+$0xC20];
	[tilespmem:s30+$0xCC20] =	vst v34  }
0x292: {  	v12 =	vld [tilespmem:s1+$0xC30];
	[tilespmem:s30+$0xCC30] =	vst v35  }
0x293: {  	v14 =	vld [tilespmem:s1+$0xC40];
	[tilespmem:s30+$0xCC40] =	vst v36  }
0x294: {  	v16 =	vld [tilespmem:s1+$0xC50];
	[tilespmem:s30+$0xCC50] =	vst v37  }
0x295: {  	v18 =	vld [tilespmem:s1+$0xC60];
	[tilespmem:s30+$0xCC60] =	vst v38  }
0x296: {  	v21 =	vld [tilespmem:s1+$0xC70];
	[tilespmem:s30+$0xCC70] =	vst v39  }
0x297: {  	v26 =	vld [tilespmem:s1+$0x1000];
	[tilespmem:s30+$0xD000] =	vst v40  }
0x298: {  	v19 =	vld [tilespmem:s1+$0x1010];
	[tilespmem:s30+$0xD010] =	vst v31  }
0x299: {  	v22 =	vld [tilespmem:s1+$0x1020];
	[tilespmem:s30+$0xD020] =	vst v41  }
0x29a: {  	v27 =	vld [tilespmem:s1+$0x1030];
	[tilespmem:s30+$0xD030] =	vst v42  }
0x29b: {  	v29 =	vld [tilespmem:s1+$0x1040];
	[tilespmem:s30+$0xD040] =	vst v43  }
0x29c: {  	v23 =	vld [tilespmem:s1+$0x1050];
	[tilespmem:s30+$0xD050] =	vst v44  }
0x29d: {  	v24 =	vld [tilespmem:s1+$0x1060];
	[tilespmem:s30+$0xD060] =	vst v45;
	s30 =	smov.u32 s1  }
0x29e: {  	v31 =	vld [tilespmem:s30+$0x1070]  }
0x29f: {  	v30 =	vld.idx.msk [tilespmem:v46+s3+$0x0], $0xffff  }
0x2a0: {  	v28 =	vld.idx.msk [tilespmem:v47+s3+$0x0], $0xffff  }
0x2a1: {  	v25 =	vld.idx.msk [tilespmem:v48+s3+$0x0], $0xffff  }
0x2a2: {  	v20 =	vld.idx.msk [tilespmem:v49+s3+$0x0], $0xffff  }
0x2a3: {  	v17 =	vld.idx.msk [tilespmem:v50+s3+$0x0], $0xffff  }
0x2a4: {  	v15 =	vld.idx.msk [tilespmem:v51+s3+$0x0], $0xffff  }
0x2a5: {  	v13 =	vld.idx.msk [tilespmem:v52+s3+$0x0], $0xffff  }
0x2a6: {  	v11 =	vld.idx.msk [tilespmem:v53+s3+$0x0], $0xffff  }
0x2a7: {  	v9 =	vld.idx.msk [tilespmem:v54+s3+$0x0], $0xffff  }
0x2a8: {  	v7 =	vld.idx.msk [tilespmem:v55+s3+$0x0], $0xffff  }
0x2a9: {  	v5 =	vld.idx.msk [tilespmem:v56+s3+$0x0], $0xffff  }
.Ltmp4:
0x2aa: {  	v4 =	vld.idx.msk [tilespmem:v57+s3+$0x0], $0xffff;
	(pc) =	sbr.rel @p0 .LBB2_10-.Ltmp4, $4  }
0x2ab: {  	v3 =	vld.idx.msk [tilespmem:v58+s3+$0x0], $0xffff  }
0x2ac: {  	v2 =	vld.idx.msk [tilespmem:v59+s3+$0x0], $0xffff  }
0x2ad: {  	v1 =	vld.idx.msk [tilespmem:v60+s3+$0x0], $0xffff  }
0x2ae: {  	s0 =	sadd.s32 $0x200, s0;
	v0 =	vld.idx.msk [tilespmem:v61+s3+$0x0], $0xffff  }
0x2af: {  	_ =	sdelay $0x3  }
0x2b0: {  	v6 =	vld.idx.msk [tilespmem:v6+s3+$0x0], $0xffff  }
0x2b1: {  	v8 =	vld.idx.msk [tilespmem:v8+s3+$0x0], $0xffff  }
0x2b2: {  	v10 =	vld.idx.msk [tilespmem:v10+s3+$0x0], $0xffff  }
0x2b3: {  	v12 =	vld.idx.msk [tilespmem:v12+s3+$0x0], $0xffff  }
0x2b4: {  	v14 =	vld.idx.msk [tilespmem:v14+s3+$0x0], $0xffff  }
0x2b5: {  	v16 =	vld.idx.msk [tilespmem:v16+s3+$0x0], $0xffff  }
0x2b6: {  	v18 =	vld.idx.msk [tilespmem:v18+s3+$0x0], $0xffff  }
0x2b7: {  	v21 =	vld.idx.msk [tilespmem:v21+s3+$0x0], $0xffff  }
0x2b8: {  	v26 =	vld.idx.msk [tilespmem:v26+s3+$0x0], $0xffff  }
0x2b9: {  	v31 =	vld.idx.msk [tilespmem:v31+s3+$0x0], $0xffff  }
0x2ba: {  	v19 =	vld.idx.msk [tilespmem:v19+s3+$0x0], $0xffff  }
0x2bb: {  	v22 =	vld.idx.msk [tilespmem:v22+s3+$0x0], $0xffff  }
0x2bc: {  	v27 =	vld.idx.msk [tilespmem:v27+s3+$0x0], $0xffff  }
0x2bd: {  	v29 =	vld.idx.msk [tilespmem:v29+s3+$0x0], $0xffff  }
0x2be: {  	v23 =	vld.idx.msk [tilespmem:v23+s3+$0x0], $0xffff  }
0x2bf: {  	v24 =	vld.idx.msk [tilespmem:v24+s3+$0x0], $0xffff;
	[tilespmem:s30+$0xC400] =	vst v30  }
0x2c0: {  	[tilespmem:s30+$0xC410] =	vst v28  }
0x2c1: {  	[tilespmem:s30+$0xC420] =	vst v25  }
0x2c2: {  	[tilespmem:s30+$0xC430] =	vst v20  }
0x2c3: {  	[tilespmem:s30+$0xC440] =	vst v17  }
0x2c4: {  	[tilespmem:s30+$0xC450] =	vst v15  }
0x2c5: {  	[tilespmem:s30+$0xC460] =	vst v13  }
0x2c6: {  	[tilespmem:s30+$0xC470] =	vst v11  }
0x2c7: {  	[tilespmem:s30+$0xC800] =	vst v9  }
0x2c8: {  	[tilespmem:s30+$0xC810] =	vst v7  }
0x2c9: {  	[tilespmem:s30+$0xC820] =	vst v5  }
0x2ca: {  	[tilespmem:s30+$0xC830] =	vst v4  }
0x2cb: {  	[tilespmem:s30+$0xC840] =	vst v3  }
0x2cc: {  	[tilespmem:s30+$0xC850] =	vst v2  }
0x2cd: {  	[tilespmem:s30+$0xC860] =	vst v1  }
0x2ce: {  	[tilespmem:s30+$0xC870] =	vst v0  }
0x2cf: {  	[tilespmem:s30+$0xD070] =	vst v31  }
0x2d0: {  	[tilespmem:s30+$0xCC00] =	vst v6  }
0x2d1: {  	[tilespmem:s30+$0xCC10] =	vst v8  }
0x2d2: {  	[tilespmem:s30+$0xCC20] =	vst v10  }
0x2d3: {  	[tilespmem:s30+$0xCC30] =	vst v12  }
0x2d4: {  	[tilespmem:s30+$0xCC40] =	vst v14  }
0x2d5: {  	[tilespmem:s30+$0xCC50] =	vst v16  }
0x2d6: {  	[tilespmem:s30+$0xCC60] =	vst v18  }
0x2d7: {  	[tilespmem:s30+$0xCC70] =	vst v21  }
0x2d8: {  	[tilespmem:s30+$0xD000] =	vst v26  }
0x2d9: {  	[tilespmem:s30+$0xD010] =	vst v19  }
0x2da: {  	[tilespmem:s30+$0xD020] =	vst v22  }
0x2db: {  	[tilespmem:s30+$0xD030] =	vst v27  }
0x2dc: {  	[tilespmem:s30+$0xD040] =	vst v29  }
0x2dd: {  	[tilespmem:s30+$0xD050] =	vst v23  }
0x2de: {  	[tilespmem:s30+$0xD060] =	vst v24  }
0x2df: {  	[hbm4b:s14+s18] =	stream.strided.scatter [tilespmem:s23], [sflag:$0x3], $0x5000, s19, s18, $0x38;
	[tilespmem:$0x18400] =	vst v63  }
0x2e0: {  	_ =	swait.ge [sflag:s24], $0x1000  }
0x2e1: {  	[sflag:s24] =	ssyncset.done $0x0  }
0x2e2: {  	[sflag:s24] =	ssyncadd.s32 $0xFFFFF000  }
0x2e3: {  	_ =	swait.ge [sflag:s28], $0x6000  }
0x2e4: {  	[sflag:s28] =	ssyncset.done $0x0  }
0x2e5: {  	s30 =	simm.s32 $0x0;
	[sflag:s28] =	ssyncadd.s32 $0xFFFFA000  }
0x2e6: {  	v0 =	vld [tilespmem:s30+$0x6400]  }
0x2e7: {  	v1 =	vld [tilespmem:s30+$0x6410]  }
0x2e8: {  	v2 =	vld [tilespmem:s30+$0x6420]  }
0x2e9: {  	v3 =	vld [tilespmem:s30+$0x6430]  }
0x2ea: {  	v4 =	vld [tilespmem:s30+$0x6440]  }
0x2eb: {  	v6 =	vld [tilespmem:s30+$0x6450]  }
0x2ec: {  	v8 =	vld [tilespmem:s30+$0x6460]  }
0x2ed: {  	v10 =	vld [tilespmem:s30+$0x6470]  }
0x2ee: {  	v12 =	vld [tilespmem:s30+$0x6800]  }
0x2ef: {  	v32 =	vld [tilespmem:s30+$0x6810]  }
0x2f0: {  	v33 =	vld [tilespmem:s30+$0x6820]  }
0x2f1: {  	v34 =	vld [tilespmem:s30+$0x6830]  }
0x2f2: {  	v35 =	vld [tilespmem:s30+$0x6840]  }
0x2f3: {  	v36 =	vld [tilespmem:s30+$0x6850]  }
0x2f4: {  	v37 =	vld [tilespmem:s30+$0x6860]  }
0x2f5: {  	v38 =	vld [tilespmem:s30+$0x6870]  }
0x2f6: {  	v39 =	vld [tilespmem:s30+$0x6C00]  }
0x2f7: {  	v5 =	vld [tilespmem:s30+$0x6C10]  }
0x2f8: {  	v7 =	vld [tilespmem:s30+$0x6C20]  }
0x2f9: {  	v9 =	vld [tilespmem:s30+$0x6C30]  }
0x2fa: {  	v11 =	vld [tilespmem:s30+$0x6C40]  }
0x2fb: {  	v13 =	vld [tilespmem:s30+$0x6C50]  }
0x2fc: {  	v15 =	vld [tilespmem:s30+$0x6C60]  }
0x2fd: {  	v18 =	vld [tilespmem:s30+$0x6C70]  }
0x2fe: {  	v21 =	vld [tilespmem:s30+$0x7000]  }
0x2ff: {  	v16 =	vld [tilespmem:s30+$0x7010]  }
0x300: {  	v19 =	vld [tilespmem:s30+$0x7020]  }
0x301: {  	v22 =	vld [tilespmem:s30+$0x7030]  }
0x302: {  	v24 =	vld [tilespmem:s30+$0x7040]  }
0x303: {  	v26 =	vld [tilespmem:s30+$0x7050]  }
0x304: {  	v27 =	vld [tilespmem:s30+$0x7060]  }
0x305: {  	v31 =	vld [tilespmem:s30+$0x7070]  }
0x306: {  	v30 =	vld.idx.msk [tilespmem:v0+s3+$0x0], $0xffff  }
0x307: {  	v29 =	vld.idx.msk [tilespmem:v1+s3+$0x0], $0xffff  }
0x308: {  	v28 =	vld.idx.msk [tilespmem:v2+s3+$0x0], $0xffff  }
0x309: {  	v25 =	vld.idx.msk [tilespmem:v3+s3+$0x0], $0xffff  }
0x30a: {  	v23 =	vld.idx.msk [tilespmem:v4+s3+$0x0], $0xffff  }
0x30b: {  	v20 =	vld.idx.msk [tilespmem:v6+s3+$0x0], $0xffff  }
0x30c: {  	v17 =	vld.idx.msk [tilespmem:v8+s3+$0x0], $0xffff  }
0x30d: {  	v14 =	vld.idx.msk [tilespmem:v10+s3+$0x0], $0xffff  }
0x30e: {  	v12 =	vld.idx.msk [tilespmem:v12+s3+$0x0], $0xffff  }
0x30f: {  	v10 =	vld.idx.msk [tilespmem:v32+s3+$0x0], $0xffff  }
0x310: {  	v8 =	vld.idx.msk [tilespmem:v33+s3+$0x0], $0xffff  }
0x311: {  	v6 =	vld.idx.msk [tilespmem:v34+s3+$0x0], $0xffff  }
0x312: {  	v4 =	vld.idx.msk [tilespmem:v35+s3+$0x0], $0xffff  }
0x313: {  	v3 =	vld.idx.msk [tilespmem:v36+s3+$0x0], $0xffff  }
0x314: {  	v2 =	vld.idx.msk [tilespmem:v37+s3+$0x0], $0xffff  }
0x315: {  	v1 =	vld.idx.msk [tilespmem:v38+s3+$0x0], $0xffff  }
0x316: {  	s0 =	simm.s32 $0x200;
	v0 =	vld.idx.msk [tilespmem:v39+s3+$0x0], $0xffff  }
.LBB2_12:
0x317: {  	p0 =	sne.s32 s0, $0xE00;
	v32 =	vld.idx.msk [tilespmem:v5+s3+$0x0], $0xffff  }
0x318: {  	v33 =	vld.idx.msk [tilespmem:v7+s3+$0x0], $0xffff  }
0x319: {  	v34 =	vld.idx.msk [tilespmem:v9+s3+$0x0], $0xffff  }
0x31a: {  	v35 =	vld.idx.msk [tilespmem:v11+s3+$0x0], $0xffff  }
0x31b: {  	v36 =	vld.idx.msk [tilespmem:v13+s3+$0x0], $0xffff  }
0x31c: {  	v37 =	vld.idx.msk [tilespmem:v15+s3+$0x0], $0xffff  }
0x31d: {  	v38 =	vld.idx.msk [tilespmem:v18+s3+$0x0], $0xffff  }
0x31e: {  	v39 =	vld.idx.msk [tilespmem:v21+s3+$0x0], $0xffff  }
0x31f: {  	v5 =	vld.idx.msk [tilespmem:v31+s3+$0x0], $0xffff  }
0x320: {  	v31 =	vld.idx.msk [tilespmem:v16+s3+$0x0], $0xffff  }
0x321: {  	v40 =	vld.idx.msk [tilespmem:v19+s3+$0x0], $0xffff  }
0x322: {  	v41 =	vld.idx.msk [tilespmem:v22+s3+$0x0], $0xffff  }
0x323: {  	v42 =	vld.idx.msk [tilespmem:v24+s3+$0x0], $0xffff  }
0x324: {  	v43 =	vld.idx.msk [tilespmem:v26+s3+$0x0], $0xffff  }
0x325: {  	s1 =	sshra.s32 s0, $0x2;
	v44 =	vld.idx.msk [tilespmem:v27+s3+$0x0], $0xffff;
	[tilespmem:s30+$0x13070] =	vst v5  }
0x326: {  	v45 =	vld [tilespmem:s1+$0x6400];
	[tilespmem:s30+$0x12400] =	vst v30  }
0x327: {  	v46 =	vld [tilespmem:s1+$0x6410];
	[tilespmem:s30+$0x12410] =	vst v29  }
0x328: {  	v47 =	vld [tilespmem:s1+$0x6420];
	[tilespmem:s30+$0x12420] =	vst v28  }
0x329: {  	v48 =	vld [tilespmem:s1+$0x6430];
	[tilespmem:s30+$0x12430] =	vst v25  }
0x32a: {  	v49 =	vld [tilespmem:s1+$0x6440];
	[tilespmem:s30+$0x12440] =	vst v23  }
0x32b: {  	v50 =	vld [tilespmem:s1+$0x6450];
	[tilespmem:s30+$0x12450] =	vst v20  }
0x32c: {  	v51 =	vld [tilespmem:s1+$0x6460];
	[tilespmem:s30+$0x12460] =	vst v17  }
0x32d: {  	v52 =	vld [tilespmem:s1+$0x6470];
	[tilespmem:s30+$0x12470] =	vst v14  }
0x32e: {  	v53 =	vld [tilespmem:s1+$0x6800];
	[tilespmem:s30+$0x12800] =	vst v12  }
0x32f: {  	v54 =	vld [tilespmem:s1+$0x6810];
	[tilespmem:s30+$0x12810] =	vst v10  }
0x330: {  	v55 =	vld [tilespmem:s1+$0x6820];
	[tilespmem:s30+$0x12820] =	vst v8  }
0x331: {  	v56 =	vld [tilespmem:s1+$0x6830];
	[tilespmem:s30+$0x12830] =	vst v6  }
0x332: {  	v57 =	vld [tilespmem:s1+$0x6840];
	[tilespmem:s30+$0x12840] =	vst v4  }
0x333: {  	v58 =	vld [tilespmem:s1+$0x6850];
	[tilespmem:s30+$0x12850] =	vst v3  }
0x334: {  	v59 =	vld [tilespmem:s1+$0x6860];
	[tilespmem:s30+$0x12860] =	vst v2  }
0x335: {  	v60 =	vld [tilespmem:s1+$0x6870];
	[tilespmem:s30+$0x12870] =	vst v1  }
0x336: {  	v61 =	vld [tilespmem:s1+$0x6C00];
	[tilespmem:s30+$0x12C00] =	vst v0  }
0x337: {  	v5 =	vld [tilespmem:s1+$0x6C10];
	[tilespmem:s30+$0x12C10] =	vst v32  }
0x338: {  	v7 =	vld [tilespmem:s1+$0x6C20];
	[tilespmem:s30+$0x12C20] =	vst v33  }
0x339: {  	v9 =	vld [tilespmem:s1+$0x6C30];
	[tilespmem:s30+$0x12C30] =	vst v34  }
0x33a: {  	v11 =	vld [tilespmem:s1+$0x6C40];
	[tilespmem:s30+$0x12C40] =	vst v35  }
0x33b: {  	v13 =	vld [tilespmem:s1+$0x6C50];
	[tilespmem:s30+$0x12C50] =	vst v36  }
0x33c: {  	v15 =	vld [tilespmem:s1+$0x6C60];
	[tilespmem:s30+$0x12C60] =	vst v37  }
0x33d: {  	v18 =	vld [tilespmem:s1+$0x6C70];
	[tilespmem:s30+$0x12C70] =	vst v38  }
0x33e: {  	v21 =	vld [tilespmem:s1+$0x7000];
	[tilespmem:s30+$0x13000] =	vst v39  }
0x33f: {  	v16 =	vld [tilespmem:s1+$0x7010];
	[tilespmem:s30+$0x13010] =	vst v31  }
0x340: {  	v19 =	vld [tilespmem:s1+$0x7020];
	[tilespmem:s30+$0x13020] =	vst v40  }
0x341: {  	v22 =	vld [tilespmem:s1+$0x7030];
	[tilespmem:s30+$0x13030] =	vst v41  }
0x342: {  	v24 =	vld [tilespmem:s1+$0x7040];
	[tilespmem:s30+$0x13040] =	vst v42  }
0x343: {  	v26 =	vld [tilespmem:s1+$0x7050];
	[tilespmem:s30+$0x13050] =	vst v43  }
0x344: {  	v27 =	vld [tilespmem:s1+$0x7060];
	[tilespmem:s30+$0x13060] =	vst v44;
	s30 =	smov.u32 s1  }
0x345: {  	v31 =	vld [tilespmem:s30+$0x7070]  }
0x346: {  	v30 =	vld.idx.msk [tilespmem:v45+s3+$0x0], $0xffff  }
0x347: {  	v29 =	vld.idx.msk [tilespmem:v46+s3+$0x0], $0xffff  }
0x348: {  	v28 =	vld.idx.msk [tilespmem:v47+s3+$0x0], $0xffff  }
0x349: {  	v25 =	vld.idx.msk [tilespmem:v48+s3+$0x0], $0xffff  }
0x34a: {  	v23 =	vld.idx.msk [tilespmem:v49+s3+$0x0], $0xffff  }
0x34b: {  	v20 =	vld.idx.msk [tilespmem:v50+s3+$0x0], $0xffff  }
0x34c: {  	v17 =	vld.idx.msk [tilespmem:v51+s3+$0x0], $0xffff  }
0x34d: {  	v14 =	vld.idx.msk [tilespmem:v52+s3+$0x0], $0xffff  }
0x34e: {  	v12 =	vld.idx.msk [tilespmem:v53+s3+$0x0], $0xffff  }
0x34f: {  	v10 =	vld.idx.msk [tilespmem:v54+s3+$0x0], $0xffff  }
0x350: {  	v8 =	vld.idx.msk [tilespmem:v55+s3+$0x0], $0xffff  }
0x351: {  	v6 =	vld.idx.msk [tilespmem:v56+s3+$0x0], $0xffff  }
.Ltmp5:
0x352: {  	v4 =	vld.idx.msk [tilespmem:v57+s3+$0x0], $0xffff;
	(pc) =	sbr.rel @p0 .LBB2_12-.Ltmp5, $4  }
0x353: {  	v3 =	vld.idx.msk [tilespmem:v58+s3+$0x0], $0xffff  }
0x354: {  	v2 =	vld.idx.msk [tilespmem:v59+s3+$0x0], $0xffff  }
0x355: {  	v1 =	vld.idx.msk [tilespmem:v60+s3+$0x0], $0xffff  }
0x356: {  	s0 =	sadd.s32 $0x200, s0;
	v0 =	vld.idx.msk [tilespmem:v61+s3+$0x0], $0xffff  }
0x357: {  	_ =	sdelay $0x3  }
0x358: {  	v5 =	vld.idx.msk [tilespmem:v5+s3+$0x0], $0xffff  }
0x359: {  	v7 =	vld.idx.msk [tilespmem:v7+s3+$0x0], $0xffff  }
0x35a: {  	v9 =	vld.idx.msk [tilespmem:v9+s3+$0x0], $0xffff  }
0x35b: {  	v11 =	vld.idx.msk [tilespmem:v11+s3+$0x0], $0xffff  }
0x35c: {  	v13 =	vld.idx.msk [tilespmem:v13+s3+$0x0], $0xffff  }
0x35d: {  	v15 =	vld.idx.msk [tilespmem:v15+s3+$0x0], $0xffff  }
0x35e: {  	v18 =	vld.idx.msk [tilespmem:v18+s3+$0x0], $0xffff  }
0x35f: {  	v21 =	vld.idx.msk [tilespmem:v21+s3+$0x0], $0xffff  }
0x360: {  	v31 =	vld.idx.msk [tilespmem:v31+s3+$0x0], $0xffff  }
0x361: {  	v16 =	vld.idx.msk [tilespmem:v16+s3+$0x0], $0xffff  }
0x362: {  	v19 =	vld.idx.msk [tilespmem:v19+s3+$0x0], $0xffff  }
0x363: {  	v22 =	vld.idx.msk [tilespmem:v22+s3+$0x0], $0xffff  }
0x364: {  	v24 =	vld.idx.msk [tilespmem:v24+s3+$0x0], $0xffff  }
0x365: {  	v26 =	vld.idx.msk [tilespmem:v26+s3+$0x0], $0xffff  }
0x366: {  	v27 =	vld.idx.msk [tilespmem:v27+s3+$0x0], $0xffff;
	[tilespmem:s30+$0x12400] =	vst v30  }
0x367: {  	[tilespmem:s30+$0x12410] =	vst v29  }
0x368: {  	[tilespmem:s30+$0x12420] =	vst v28  }
0x369: {  	[tilespmem:s30+$0x12430] =	vst v25  }
0x36a: {  	[tilespmem:s30+$0x12440] =	vst v23  }
0x36b: {  	[tilespmem:s30+$0x12450] =	vst v20  }
0x36c: {  	[tilespmem:s30+$0x12460] =	vst v17  }
0x36d: {  	[tilespmem:s30+$0x12470] =	vst v14  }
0x36e: {  	[tilespmem:s30+$0x12800] =	vst v12  }
0x36f: {  	[tilespmem:s30+$0x12810] =	vst v10  }
0x370: {  	[tilespmem:s30+$0x12820] =	vst v8  }
0x371: {  	[tilespmem:s30+$0x12830] =	vst v6  }
0x372: {  	[tilespmem:s30+$0x12840] =	vst v4  }
0x373: {  	[tilespmem:s30+$0x12850] =	vst v3  }
0x374: {  	[tilespmem:s30+$0x12860] =	vst v2  }
0x375: {  	[tilespmem:s30+$0x12870] =	vst v1  }
0x376: {  	[tilespmem:s30+$0x12C00] =	vst v0  }
0x377: {  	[tilespmem:s30+$0x13070] =	vst v31  }
0x378: {  	[tilespmem:s30+$0x12C10] =	vst v5  }
0x379: {  	[tilespmem:s30+$0x12C20] =	vst v7  }
0x37a: {  	[tilespmem:s30+$0x12C30] =	vst v9  }
0x37b: {  	[tilespmem:s30+$0x12C40] =	vst v11  }
0x37c: {  	[tilespmem:s30+$0x12C50] =	vst v13  }
0x37d: {  	[tilespmem:s30+$0x12C60] =	vst v15  }
0x37e: {  	[tilespmem:s30+$0x12C70] =	vst v18  }
0x37f: {  	[tilespmem:s30+$0x13000] =	vst v21  }
0x380: {  	[tilespmem:s30+$0x13010] =	vst v16  }
0x381: {  	[tilespmem:s30+$0x13020] =	vst v19  }
0x382: {  	[tilespmem:s30+$0x13030] =	vst v22  }
0x383: {  	[tilespmem:s30+$0x13040] =	vst v24  }
0x384: {  	[tilespmem:s30+$0x13050] =	vst v26  }
0x385: {  	s29 =	sadd.s32 $0x1, s29;
	[tilespmem:s30+$0x13060] =	vst v27  }
0x386: {  	[hbm4b:s15+s3] =	stream.linear.scatter [tilespmem:s25], [sflag:$0x4], $0x1000, $0x38;
	[tilespmem:$0x18400] =	vst v63  }
0x387: {  	p0 =	sne.s32 s29, s16;
	_ =	swait.ge [sflag:s26], $0x5000  }
.Ltmp6:
0x388: {  	[sflag:s26] =	ssyncset.done $0x0;
	(pc) =	sbr.rel @p0 .LBB2_1-.Ltmp6, $4  }
0x389: {  	[sflag:s26] =	ssyncadd.s32 $0xFFFFB000  }
0x38a: {  	_ =	swait.ge [sflag:s28], $0x1000  }
0x38b: {  	[sflag:s28] =	ssyncset.done $0x0  }
0x38c: {  	[sflag:s28] =	ssyncadd.s32 $0xFFFFF000  }
0x38d: {  	_ =	sfence.sel $0x180000  }
0x38e: {  	[bflag:$0x0] =	sbarrier.arrive $0xFFFF  }
0x38f: {  	_ =	strace $0x90000047  }
0x390: {  	s0 =	stileid.u32;
	[bflag:$0x2] =	sbarrier.arrive $0xFFFF  }
0x391: {  	p0 =	sne.s32 s0, $0x0;
	s0 =	rddreg [dreg:$0x3]  }
0x392: {  	s0 =	sadd.s32 @!p0 $0x100000, s0  }
0x393: {  	[sflag:s0] =	ssyncadd.tile.s32 @!p0 $0x1;
	_ =	shalt  }
.Lfunc_end2:
_tile_overlayer_lowered:
.L_overlay_start_2:
0x394: {  	(tag) =	ssettag $0x2  }
0x395: {  	s0 =	rddreg [dreg:$0x0];
	s2 =	stileid.u32  }
0x396: {  	s1 =	rddreg [dreg:$0x1];
	p0 =	sne.s32 s2, $0x0  }
0x397: {  	s3 =	rddreg [dreg:$0x2];
	[bflag:$0x3] =	sbarrier.arrive $0xFFFF;
	s2 =	simm.s32 @!p0 $0x1C05  }
0x398: {  	[timem:s3], [sflag:s2] =	dma.local @!p0 [hbm:s0], s1  }
0x399: {  	s0 =	simm.s32 @!p0 $0x5  }
0x39a: {  	_ =	swait.ge @!p0 [sflag:s0], s1  }
0x39b: {  	s1 =	ssub.s32 @!p0 $0x0, s1;
	[sflag:s0] =	ssyncset.done @!p0 $0x0  }
0x39c: {  	[sflag:s0] =	ssyncadd.s32 @!p0 s1  }
0x39d: {  	[bflag:$0x3] =	sbarrier.arrive $0xFFFF  }
0x39e: {  	_ =	shalt  }

</sc_bundles>
